<compile_context>
chip_gen: v7x
topology: tpu7x:2x2x1
jax: 0.10.2.dev20260603
libtpu: 0.0.44.dev20260713+nightly
codegen_flags: <defaults>
</compile_context>

<pallas_src>
import functools

import jax
import jax.numpy as jnp
from jax import lax
from jax.experimental import pallas as pl
from jax.experimental.pallas import tpu as pltpu
from jax.experimental.pallas import tpu_sc as plsc

B = 1024
L = 512
D = 768
NC = 2
NS = 16
NW = NC * NS
N_TOK = B * L
TOK_PER_W = N_TOK // NW
C = 32
N_CHUNK = TOK_PER_W // C
BLK = 1024
CPB = BLK // C
DSL = D // 16


def _sc_body(x_hbm, seg_hbm, word_hbm, combo_hbm, out_hbm,
             rows0, rows1, add0, add1, cid0, cid1,
             xb0, xb1, sb,
             gw0, gw1, gc0, gc1, wr0, wr1):
    wid = lax.axis_index("s") * NC + lax.axis_index("c")
    base = wid * TOK_PER_W
    iota = lax.iota(jnp.int32, 16)

    bufs = ((rows0, add0, cid0, gw0, gc0, wr0),
            (rows1, add1, cid1, gw1, gc1, wr1))
    xblks = (xb0, xb1)

    def issue_in(c, buf):
        rows, addv, cidx, gw, gc, _ = buf
        blk = lax.div(c, CPB)
        off = lax.rem(c, CPB) * C
        for par in range(2):
            @pl.when(lax.rem(blk, 2) == par)
            def _():
                xb = xblks[par]

                @pl.when(off == 0)
                def _():
                    pltpu.sync_copy(x_hbm.at[pl.ds(base + blk * BLK, BLK)], xb)
                    pltpu.sync_copy(seg_hbm.at[pl.ds(base + blk * BLK, BLK)],
                                    sb)

                pltpu.async_copy(word_hbm.at[xb.at[pl.ds(off, C)]], rows, gw)

        p0 = lax.rem(c * C, L)
        for u in range(C // 16):
            s16 = sb[pl.ds(off + u * 16, 16)]
            cidx[pl.ds(u * 16, 16)] = s16 * L + (iota + u * 16) + p0
        pltpu.async_copy(combo_hbm.at[cidx], addv, gc)

    def wait_in(c, buf):
        rows, addv, cidx, gw, gc, _ = buf
        blk = lax.div(c, CPB)
        off = lax.rem(c, CPB) * C
        for par in range(2):
            @pl.when(lax.rem(blk, 2) == par)
            def _():
                pltpu.make_async_copy(
                    word_hbm.at[xblks[par].at[pl.ds(off, C)]], rows, gw).wait()
        pltpu.make_async_copy(combo_hbm.at[cidx], addv, gc).wait()

    def accumulate(buf):
        rows, addv = buf[0], buf[1]

        def per_row(ci, _):
            for j in range(DSL):
                plsc.addupdate(rows.at[ci, pl.ds(j * 16, 16)],
                               addv[ci, pl.ds(j * 16, 16)])
            return 0

        lax.fori_loop(0, C, per_row, 0)

    def issue_out(c, buf):
        rows, wr = buf[0], buf[5]
        pltpu.async_copy(rows, out_hbm.at[pl.ds(base + c * C, C)], wr)

    def wait_out(buf):
        rows, wr = buf[0], buf[5]
        pltpu.make_async_copy(rows, out_hbm.at[pl.ds(base, C)], wr).wait()

    issue_in(0, bufs[0])

    def pair(i, carry):
        c0 = 2 * i
        for p in range(2):
            c = c0 + p
            cur, nxt = bufs[p], bufs[1 - p]

            @pl.when(c >= 1)
            def _():
                wait_out(nxt)

            @pl.when(c + 1 < N_CHUNK)
            def _():
                issue_in(c + 1, nxt)

            wait_in(c, cur)
            accumulate(cur)
            issue_out(c, cur)
        return carry

    lax.fori_loop(0, N_CHUNK // 2, pair, 0)
    wait_out(bufs[1])


@functools.partial(jax.jit, static_argnames=())
def _sc_embed(x_flat, seg_flat, word_table, combo):
    mesh = plsc.VectorSubcoreMesh(core_axis_name="c", subcore_axis_name="s",
                                  num_cores=NC, num_subcores=NS)
    f = pl.kernel(
        _sc_body,
        out_type=jax.ShapeDtypeStruct((N_TOK, D), jnp.float32),
        mesh=mesh,
        scratch_types=[
            pltpu.VMEM((C, D), jnp.float32),
            pltpu.VMEM((C, D), jnp.float32),
            pltpu.VMEM((C, D), jnp.float32),
            pltpu.VMEM((C, D), jnp.float32),
            pltpu.VMEM((C,), jnp.int32),
            pltpu.VMEM((C,), jnp.int32),
            pltpu.VMEM((BLK,), jnp.int32),
            pltpu.VMEM((BLK,), jnp.int32),
            pltpu.VMEM((BLK,), jnp.int32),
            pltpu.SemaphoreType.DMA,
            pltpu.SemaphoreType.DMA,
            pltpu.SemaphoreType.DMA,
            pltpu.SemaphoreType.DMA,
            pltpu.SemaphoreType.DMA,
            pltpu.SemaphoreType.DMA,
        ],
    )
    return f(x_flat, seg_flat, word_table, combo)


def _mask_body(x_ref, o_ref):
    o_ref[...] = x_ref[...] > 0


def _mask(x):
    return pl.pallas_call(
        _mask_body,
        out_shape=jax.ShapeDtypeStruct((B, L), jnp.bool_),
        grid=(8,),
        in_specs=[pl.BlockSpec((B // 8, L), lambda i: (i, 0))],
        out_specs=pl.BlockSpec((B // 8, L), lambda i: (i, 0)),
    )(x)


def kernel(x, seg, word_table, pos_table, seg_table):
    combo = (seg_table[:, None, :] + pos_table[None, :, :]).reshape(2 * L, D)
    out_flat = _sc_embed(x.reshape(N_TOK), seg.reshape(N_TOK), word_table,
                         combo)
    return out_flat.reshape(B, L, D), _mask(x)

# --- scband reference (transcript-rebuilt; emitter-appended) ---
"""Pipeline reference for scband-bertembedding-49795850829898 (READ-ONLY COPY).

The authoritative reference and input builder live on the scoring server;
editing this copy changes nothing except your own understanding.
"""

import jax, jax.numpy as jnp
import numpy as np

VOCAB = 100000
D_MODEL = 768
MAXLEN = 512
BATCH = 1024
N_SEG = 2


def setup_inputs(seed: int = 0) -> dict:
    key = jax.random.key(seed)
    k1, k2, k3, k4, k5 = jax.random.split(key, 5)
    x = jax.random.randint(k1, (BATCH, MAXLEN), 0, VOCAB, dtype=jnp.int32)
    seg = jax.random.randint(k2, (BATCH, MAXLEN), 0, N_SEG, dtype=jnp.int32)
    word_table = jax.random.normal(k3, (VOCAB, D_MODEL), dtype=jnp.float32) * 0.02
    pos_table = jax.random.normal(k4, (MAXLEN, D_MODEL), dtype=jnp.float32) * 0.02
    seg_table = jax.random.normal(k5, (N_SEG, D_MODEL), dtype=jnp.float32) * 0.02
    return {"x": x, "seg": seg, "word_table": word_table, "pos_table": pos_table, "seg_table": seg_table}


def reference(x, seg, word_table, pos_table, seg_table):
    # pos = tf.range(0, maxlen, 1)
    pos = jnp.arange(0, MAXLEN, 1)
    # mask = x > 0
    mask = x > 0
    # word_emb(x) + pos_emb(pos) + seg_emb(seg); pos broadcasts over batch
    word = jnp.take(word_table, x, axis=0)            # [B, L, D]
    pos_e = jnp.take(pos_table, pos, axis=0)          # [L, D] -> broadcast
    seg_e = jnp.take(seg_table, seg, axis=0)          # [B, L, D]
    out = word + pos_e[None, :, :] + seg_e
    return (out, mask)

if __name__ == "__main__":
    import jax
    _d = setup_inputs()
    print(jax.jit(kernel)(*tuple(_d.values())))

</pallas_src>

<mosaic_0001>
#map = affine_map<(d0, d1) -> (0)>
#map1 = affine_map<(d0, d1) -> (0, 0)>
module attributes {stable_mosaic.version = 14 : i64} {
  func.func @_sc_body(%arg0: i32, %arg1: i32, %arg2: memref<524288xi32, #tpu.memory_space<hbm>>, %arg3: memref<524288xi32, #tpu.memory_space<hbm>>, %arg4: memref<100000x768xf32, #tpu.memory_space<hbm>>, %arg5: memref<1024x768xf32, #tpu.memory_space<hbm>>, %arg6: memref<524288x768xf32, #tpu.memory_space<hbm>>, %arg7: memref<32x768xf32, #tpu.memory_space<vmem>>, %arg8: memref<32x768xf32, #tpu.memory_space<vmem>>, %arg9: memref<32x768xf32, #tpu.memory_space<vmem>>, %arg10: memref<32x768xf32, #tpu.memory_space<vmem>>, %arg11: memref<32xi32, #tpu.memory_space<vmem>>, %arg12: memref<32xi32, #tpu.memory_space<vmem>>, %arg13: memref<1024xi32, #tpu.memory_space<vmem>>, %arg14: memref<1024xi32, #tpu.memory_space<vmem>>, %arg15: memref<1024xi32, #tpu.memory_space<vmem>>, %arg16: memref<!tpu.dma_semaphore, #tpu.memory_space<semaphore_mem>>, %arg17: memref<!tpu.dma_semaphore, #tpu.memory_space<semaphore_mem>>, %arg18: memref<!tpu.dma_semaphore, #tpu.memory_space<semaphore_mem>>, %arg19: memref<!tpu.dma_semaphore, #tpu.memory_space<semaphore_mem>>, %arg20: memref<!tpu.dma_semaphore, #tpu.memory_space<semaphore_mem>>, %arg21: memref<!tpu.dma_semaphore, #tpu.memory_space<semaphore_mem>>) attributes {dimension_semantics = [#tpu.dimension_semantics<core_parallel>, #tpu.dimension_semantics<subcore_parallel>], iteration_bounds = array<i64: 2, 16>, scalar_prefetch = 0 : i64, scratch_operands = 15 : i64, tpu.core_type = #tpu.core_type<sc_vector_subcore>, window_params = [{transform_indices = #map}, {transform_indices = #map}, {transform_indices = #map1}, {transform_indices = #map1}, {transform_indices = #map1}]} {
    %mul3A = arith.constant 2 : i32
    %mul3A_0 = arith.muli %arg1, %mul3A : i32
    %add3A = arith.addi %mul3A_0, %arg0 : i32
    %mul3A_1 = arith.constant 16384 : i32
    %mul3A_2 = arith.muli %add3A, %mul3A_1 : i32
    %iota3A = tpu.iota {dimensions = array<i32: 0>} : vector<16xi32>
    %div3A = arith.constant 0 : i32
    %div3A_3 = arith.constant 32 : i32
    %div3A_4 = arith.divsi %div3A, %div3A_3 : i32
    %rem3A = arith.constant 0 : i32
    %rem3A_5 = arith.constant 32 : i32
    %rem3A_6 = arith.remsi %rem3A, %rem3A_5 : i32
    %mul3A_7 = arith.constant 32 : i32
    %mul3A_8 = arith.muli %rem3A_6, %mul3A_7 : i32
    %rem3A_9 = arith.constant 2 : i32
    %rem3A_10 = arith.remsi %div3A_4, %rem3A_9 : i32
    %eq3A = arith.constant 0 : i32
    %eq3A_11 = arith.cmpi eq, %rem3A_10, %eq3A : i32
    %convert_element_type3A = arith.extui %eq3A_11 : i1 to i32
    %cond3A = arith.constant 0 : i32
    %cond3A_12 = arith.cmpi ne, %convert_element_type3A, %cond3A : i32
    scf.if %cond3A_12 {
      %eq3A_67 = arith.constant 0 : i32
      %eq3A_68 = arith.cmpi eq, %mul3A_8, %eq3A_67 : i32
      %convert_element_type3A_69 = arith.extui %eq3A_68 : i1 to i32
      %cond3A_70 = arith.constant 0 : i32
      %cond3A_71 = arith.cmpi ne, %convert_element_type3A_69, %cond3A_70 : i32
      scf.if %cond3A_71 {
        %mul3A_76 = arith.constant 1024 : i32
        %mul3A_77 = arith.muli %div3A_4, %mul3A_76 : i32
        %add3A_78 = arith.addi %mul3A_2, %mul3A_77 : i32
        "tpu.region"() ({
          %run_scoped3A = tpu.sem_alloc : memref<!tpu.dma_semaphore, #tpu.memory_space<semaphore_mem>>
          %dma_start3A_82 = tpu.memref_slice %arg2[%add3A_78] : memref<524288xi32, #tpu.memory_space<hbm>> -> memref<1024xi32, #tpu.memory_space<hbm>>
          %dma_start3A_83 = tpu.memref_slice %arg2[%add3A_78] : memref<524288xi32, #tpu.memory_space<hbm>> -> memref<1024xi32, #tpu.memory_space<hbm>>
          tpu.enqueue_dma source(%dma_start3A_83 : memref<1024xi32, #tpu.memory_space<hbm>>) target(%arg13 : memref<1024xi32, #tpu.memory_space<vmem>>) target_semaphore(%run_scoped3A : memref<!tpu.dma_semaphore, #tpu.memory_space<semaphore_mem>>)
          %dma_wait3A_84 = tpu.memref_slice %arg2[%add3A_78] : memref<524288xi32, #tpu.memory_space<hbm>> -> memref<1024xi32, #tpu.memory_space<hbm>>
          %dma_wait3A_85 = tpu.memref_slice %arg2[%add3A_78] : memref<524288xi32, #tpu.memory_space<hbm>> -> memref<1024xi32, #tpu.memory_space<hbm>>
          tpu.wait_dma2 semaphore(%run_scoped3A : memref<!tpu.dma_semaphore, #tpu.memory_space<semaphore_mem>>) src(%dma_wait3A_85 : memref<1024xi32, #tpu.memory_space<hbm>>) dst(%arg13 : memref<1024xi32, #tpu.memory_space<vmem>>)
          tpu.yield
        }) : () -> ()
        %mul3A_79 = arith.constant 1024 : i32
        %mul3A_80 = arith.muli %div3A_4, %mul3A_79 : i32
        %add3A_81 = arith.addi %mul3A_2, %mul3A_80 : i32
        "tpu.region"() ({
          %run_scoped3A = tpu.sem_alloc : memref<!tpu.dma_semaphore, #tpu.memory_space<semaphore_mem>>
          %dma_start3A_82 = tpu.memref_slice %arg3[%add3A_81] : memref<524288xi32, #tpu.memory_space<hbm>> -> memref<1024xi32, #tpu.memory_space<hbm>>
          %dma_start3A_83 = tpu.memref_slice %arg3[%add3A_81] : memref<524288xi32, #tpu.memory_space<hbm>> -> memref<1024xi32, #tpu.memory_space<hbm>>
          tpu.enqueue_dma source(%dma_start3A_83 : memref<1024xi32, #tpu.memory_space<hbm>>) target(%arg15 : memref<1024xi32, #tpu.memory_space<vmem>>) target_semaphore(%run_scoped3A : memref<!tpu.dma_semaphore, #tpu.memory_space<semaphore_mem>>)
          %dma_wait3A_84 = tpu.memref_slice %arg3[%add3A_81] : memref<524288xi32, #tpu.memory_space<hbm>> -> memref<1024xi32, #tpu.memory_space<hbm>>
          %dma_wait3A_85 = tpu.memref_slice %arg3[%add3A_81] : memref<524288xi32, #tpu.memory_space<hbm>> -> memref<1024xi32, #tpu.memory_space<hbm>>
          tpu.wait_dma2 semaphore(%run_scoped3A : memref<!tpu.dma_semaphore, #tpu.memory_space<semaphore_mem>>) src(%dma_wait3A_85 : memref<1024xi32, #tpu.memory_space<hbm>>) dst(%arg15 : memref<1024xi32, #tpu.memory_space<vmem>>)
          tpu.yield
        }) : () -> ()
      } else {
      }
      %dma_start3A_72 = tpu.memref_slice %arg13[%mul3A_8] : memref<1024xi32, #tpu.memory_space<vmem>> -> memref<32xi32, #tpu.memory_space<vmem>>
      %dma_start3A_73 = arith.constant 0 : i32
      %dma_start3A_74 = arith.constant 0 : i32
      %dma_start3A_75 = tpu.memref_slice %arg4[%dma_start3A_73, %dma_start3A_74] : memref<100000x768xf32, #tpu.memory_space<hbm>> -> memref<100000x768xf32, #tpu.memory_space<hbm>>
      tpu.enqueue_indirect_dma source(%dma_start3A_75 : memref<100000x768xf32, #tpu.memory_space<hbm>>) target(%arg7 : memref<32x768xf32, #tpu.memory_space<vmem>>) offsets(%dma_start3A_72 : memref<32xi32, #tpu.memory_space<vmem>>) semaphore(%arg16 : memref<!tpu.dma_semaphore, #tpu.memory_space<semaphore_mem>>)
    } else {
    }
    %rem3A_13 = arith.constant 2 : i32
    %rem3A_14 = arith.remsi %div3A_4, %rem3A_13 : i32
    %eq3A_15 = arith.constant 1 : i32
    %eq3A_16 = arith.cmpi eq, %rem3A_14, %eq3A_15 : i32
    %convert_element_type3A_17 = arith.extui %eq3A_16 : i1 to i32
    %cond3A_18 = arith.constant 0 : i32
    %cond3A_19 = arith.cmpi ne, %convert_element_type3A_17, %cond3A_18 : i32
    scf.if %cond3A_19 {
      %eq3A_67 = arith.constant 0 : i32
      %eq3A_68 = arith.cmpi eq, %mul3A_8, %eq3A_67 : i32
      %convert_element_type3A_69 = arith.extui %eq3A_68 : i1 to i32
      %cond3A_70 = arith.constant 0 : i32
      %cond3A_71 = arith.cmpi ne, %convert_element_type3A_69, %cond3A_70 : i32
      scf.if %cond3A_71 {
        %mul3A_76 = arith.constant 1024 : i32
        %mul3A_77 = arith.muli %div3A_4, %mul3A_76 : i32
        %add3A_78 = arith.addi %mul3A_2, %mul3A_77 : i32
        "tpu.region"() ({
          %run_scoped3A = tpu.sem_alloc : memref<!tpu.dma_semaphore, #tpu.memory_space<semaphore_mem>>
          %dma_start3A_82 = tpu.memref_slice %arg2[%add3A_78] : memref<524288xi32, #tpu.memory_space<hbm>> -> memref<1024xi32, #tpu.memory_space<hbm>>
          %dma_start3A_83 = tpu.memref_slice %arg2[%add3A_78] : memref<524288xi32, #tpu.memory_space<hbm>> -> memref<1024xi32, #tpu.memory_space<hbm>>
          tpu.enqueue_dma source(%dma_start3A_83 : memref<1024xi32, #tpu.memory_space<hbm>>) target(%arg14 : memref<1024xi32, #tpu.memory_space<vmem>>) target_semaphore(%run_scoped3A : memref<!tpu.dma_semaphore, #tpu.memory_space<semaphore_mem>>)
          %dma_wait3A_84 = tpu.memref_slice %arg2[%add3A_78] : memref<524288xi32, #tpu.memory_space<hbm>> -> memref<1024xi32, #tpu.memory_space<hbm>>
          %dma_wait3A_85 = tpu.memref_slice %arg2[%add3A_78] : memref<524288xi32, #tpu.memory_space<hbm>> -> memref<1024xi32, #tpu.memory_space<hbm>>
          tpu.wait_dma2 semaphore(%run_scoped3A : memref<!tpu.dma_semaphore, #tpu.memory_space<semaphore_mem>>) src(%dma_wait3A_85 : memref<1024xi32, #tpu.memory_space<hbm>>) dst(%arg14 : memref<1024xi32, #tpu.memory_space<vmem>>)
          tpu.yield
        }) : () -> ()
        %mul3A_79 = arith.constant 1024 : i32
        %mul3A_80 = arith.muli %div3A_4, %mul3A_79 : i32
        %add3A_81 = arith.addi %mul3A_2, %mul3A_80 : i32
        "tpu.region"() ({
          %run_scoped3A = tpu.sem_alloc : memref<!tpu.dma_semaphore, #tpu.memory_space<semaphore_mem>>
          %dma_start3A_82 = tpu.memref_slice %arg3[%add3A_81] : memref<524288xi32, #tpu.memory_space<hbm>> -> memref<1024xi32, #tpu.memory_space<hbm>>
          %dma_start3A_83 = tpu.memref_slice %arg3[%add3A_81] : memref<524288xi32, #tpu.memory_space<hbm>> -> memref<1024xi32, #tpu.memory_space<hbm>>
          tpu.enqueue_dma source(%dma_start3A_83 : memref<1024xi32, #tpu.memory_space<hbm>>) target(%arg15 : memref<1024xi32, #tpu.memory_space<vmem>>) target_semaphore(%run_scoped3A : memref<!tpu.dma_semaphore, #tpu.memory_space<semaphore_mem>>)
          %dma_wait3A_84 = tpu.memref_slice %arg3[%add3A_81] : memref<524288xi32, #tpu.memory_space<hbm>> -> memref<1024xi32, #tpu.memory_space<hbm>>
          %dma_wait3A_85 = tpu.memref_slice %arg3[%add3A_81] : memref<524288xi32, #tpu.memory_space<hbm>> -> memref<1024xi32, #tpu.memory_space<hbm>>
          tpu.wait_dma2 semaphore(%run_scoped3A : memref<!tpu.dma_semaphore, #tpu.memory_space<semaphore_mem>>) src(%dma_wait3A_85 : memref<1024xi32, #tpu.memory_space<hbm>>) dst(%arg15 : memref<1024xi32, #tpu.memory_space<vmem>>)
          tpu.yield
        }) : () -> ()
      } else {
      }
      %dma_start3A_72 = tpu.memref_slice %arg14[%mul3A_8] : memref<1024xi32, #tpu.memory_space<vmem>> -> memref<32xi32, #tpu.memory_space<vmem>>
      %dma_start3A_73 = arith.constant 0 : i32
      %dma_start3A_74 = arith.constant 0 : i32
      %dma_start3A_75 = tpu.memref_slice %arg4[%dma_start3A_73, %dma_start3A_74] : memref<100000x768xf32, #tpu.memory_space<hbm>> -> memref<100000x768xf32, #tpu.memory_space<hbm>>
      tpu.enqueue_indirect_dma source(%dma_start3A_75 : memref<100000x768xf32, #tpu.memory_space<hbm>>) target(%arg7 : memref<32x768xf32, #tpu.memory_space<vmem>>) offsets(%dma_start3A_72 : memref<32xi32, #tpu.memory_space<vmem>>) semaphore(%arg16 : memref<!tpu.dma_semaphore, #tpu.memory_space<semaphore_mem>>)
    } else {
    }
    %rem3A_20 = arith.constant 0 : i32
    %rem3A_21 = arith.constant 512 : i32
    %rem3A_22 = arith.remsi %rem3A_20, %rem3A_21 : i32
    %add3A_23 = arith.constant 0 : i32
    %add3A_24 = arith.addi %mul3A_8, %add3A_23 : i32
    %get3A = arith.index_cast %add3A_24 : i32 to index
    %get3A_25 = tpu.vector_load %arg15[%get3A] {strides = array<i32>} : memref<1024xi32, #tpu.memory_space<vmem>>, vector<16xi32>,
    %get3A_26 = vector.shape_cast %get3A_25 : vector<16xi32> to vector<16xi32>
    %mul3A_27 = arith.constant 512 : i32
    %mul3A_28 = vector.broadcast %mul3A_27 : i32 to vector<16xi32>
    %mul3A_29 = arith.muli %get3A_26, %mul3A_28 : vector<16xi32>
    %add3A_30 = arith.constant 0 : i32
    %add3A_31 = vector.broadcast %add3A_30 : i32 to vector<16xi32>
    %add3A_32 = arith.addi %iota3A, %add3A_31 : vector<16xi32>
    %add3A_33 = arith.addi %mul3A_29, %add3A_32 : vector<16xi32>
    %add3A_34 = vector.broadcast %rem3A_22 : i32 to vector<16xi32>
    %add3A_35 = arith.addi %add3A_33, %add3A_34 : vector<16xi32>
    %swap3A = arith.constant 0 : index
    %swap3A_36 = tpu.vector_load %arg11[%swap3A] {strides = array<i32>} : memref<32xi32, #tpu.memory_space<vmem>>, vector<16xi32>,
    %swap3A_37 = vector.shape_cast %swap3A_36 : vector<16xi32> to vector<16xi32>
    %swap3A_38 = vector.shape_cast %add3A_35 : vector<16xi32> to vector<16xi32>
    tpu.vector_store %arg11[%swap3A], %swap3A_38 {strides = array<i32>} : memref<32xi32, #tpu.memory_space<vmem>>, vector<16xi32>,
    %add3A_39 = arith.constant 16 : i32
    %add3A_40 = arith.addi %mul3A_8, %add3A_39 : i32
    %get3A_41 = arith.index_cast %add3A_40 : i32 to index
    %get3A_42 = tpu.vector_load %arg15[%get3A_41] {strides = array<i32>} : memref<1024xi32, #tpu.memory_space<vmem>>, vector<16xi32>,
    %get3A_43 = vector.shape_cast %get3A_42 : vector<16xi32> to vector<16xi32>
    %mul3A_44 = arith.constant 512 : i32
    %mul3A_45 = vector.broadcast %mul3A_44 : i32 to vector<16xi32>
    %mul3A_46 = arith.muli %get3A_43, %mul3A_45 : vector<16xi32>
    %add3A_47 = arith.constant 16 : i32
    %add3A_48 = vector.broadcast %add3A_47 : i32 to vector<16xi32>
    %add3A_49 = arith.addi %iota3A, %add3A_48 : vector<16xi32>
    %add3A_50 = arith.addi %mul3A_46, %add3A_49 : vector<16xi32>
    %add3A_51 = vector.broadcast %rem3A_22 : i32 to vector<16xi32>
    %add3A_52 = arith.addi %add3A_50, %add3A_51 : vector<16xi32>
    %swap3A_53 = arith.constant 16 : index
    %swap3A_54 = tpu.vector_load %arg11[%swap3A_53] {strides = array<i32>} : memref<32xi32, #tpu.memory_space<vmem>>, vector<16xi32>,
    %swap3A_55 = vector.shape_cast %swap3A_54 : vector<16xi32> to vector<16xi32>
    %swap3A_56 = vector.shape_cast %add3A_52 : vector<16xi32> to vector<16xi32>
    tpu.vector_store %arg11[%swap3A_53], %swap3A_56 {strides = array<i32>} : memref<32xi32, #tpu.memory_space<vmem>>, vector<16xi32>,
    %dma_start3A = arith.constant 0 : i32
    %dma_start3A_57 = arith.constant 0 : i32
    %dma_start3A_58 = tpu.memref_slice %arg5[%dma_start3A, %dma_start3A_57] : memref<1024x768xf32, #tpu.memory_space<hbm>> -> memref<1024x768xf32, #tpu.memory_space<hbm>>
    tpu.enqueue_indirect_dma source(%dma_start3A_58 : memref<1024x768xf32, #tpu.memory_space<hbm>>) target(%arg9 : memref<32x768xf32, #tpu.memory_space<vmem>>) offsets(%arg11 : memref<32xi32, #tpu.memory_space<vmem>>) semaphore(%arg18 : memref<!tpu.dma_semaphore, #tpu.memory_space<semaphore_mem>>)
    %scan3A = arith.constant 0 : i32
    %scan3A_59 = arith.constant 0 : i32
    %scan3A_60 = arith.constant 256 : i32
    %scan3A_61 = arith.addi %scan3A_59, %scan3A_60 : i32
    %scan3A_62 = arith.constant 1 : i32
    scf.for %scan3A_67 = %scan3A_59 to %scan3A_61 step %scan3A_62  : i32 {
      %mul3A_68 = arith.constant 2 : i32
      %mul3A_69 = arith.muli %mul3A_68, %scan3A_67 : i32
      %add3A_70 = arith.constant 0 : i32
      %add3A_71 = arith.addi %mul3A_69, %add3A_70 : i32
      %ge3A = arith.constant 1 : i32
      %ge3A_72 = arith.cmpi sge, %add3A_71, %ge3A : i32
      %convert_element_type3A_73 = arith.extui %ge3A_72 : i1 to i32
      %cond3A_74 = arith.constant 0 : i32
      %cond3A_75 = arith.cmpi ne, %convert_element_type3A_73, %cond3A_74 : i32
      scf.if %cond3A_75 {
        %dma_wait3A_170 = arith.constant 0 : i32
        %dma_wait3A_171 = tpu.memref_slice %arg6[%mul3A_2, %dma_wait3A_170] : memref<524288x768xf32, #tpu.memory_space<hbm>> -> memref<32x768xf32, #tpu.memory_space<hbm>>
        %dma_wait3A_172 = arith.constant 0 : i32
        %dma_wait3A_173 = tpu.memref_slice %arg6[%mul3A_2, %dma_wait3A_172] : memref<524288x768xf32, #tpu.memory_space<hbm>> -> memref<32x768xf32, #tpu.memory_space<hbm>>
        tpu.wait_dma2 semaphore(%arg21 : memref<!tpu.dma_semaphore, #tpu.memory_space<semaphore_mem>>) src(%arg8 : memref<32x768xf32, #tpu.memory_space<vmem>>) dst(%dma_wait3A_173 : memref<32x768xf32, #tpu.memory_space<hbm>>)
      } else {
      }
      %add3A_76 = arith.constant 1 : i32
      %add3A_77 = arith.addi %add3A_71, %add3A_76 : i32
      %lt3A = arith.constant 512 : i32
      %lt3A_78 = arith.cmpi slt, %add3A_77, %lt3A : i32
      %convert_element_type3A_79 = arith.extui %lt3A_78 : i1 to i32
      %cond3A_80 = arith.constant 0 : i32
      %cond3A_81 = arith.cmpi ne, %convert_element_type3A_79, %cond3A_80 : i32
      scf.if %cond3A_81 {
        %add3A_170 = arith.constant 1 : i32
        %add3A_171 = arith.addi %add3A_71, %add3A_170 : i32
        %div3A_172 = arith.constant 32 : i32
        %div3A_173 = arith.divsi %add3A_171, %div3A_172 : i32
        %rem3A_174 = arith.constant 32 : i32
        %rem3A_175 = arith.remsi %add3A_171, %rem3A_174 : i32
        %mul3A_176 = arith.constant 32 : i32
        %mul3A_177 = arith.muli %rem3A_175, %mul3A_176 : i32
        %rem3A_178 = arith.constant 2 : i32
        %rem3A_179 = arith.remsi %div3A_173, %rem3A_178 : i32
        %eq3A_180 = arith.constant 0 : i32
        %eq3A_181 = arith.cmpi eq, %rem3A_179, %eq3A_180 : i32
        %convert_element_type3A_182 = arith.extui %eq3A_181 : i1 to i32
        %cond3A_183 = arith.constant 0 : i32
        %cond3A_184 = arith.cmpi ne, %convert_element_type3A_182, %cond3A_183 : i32
        scf.if %cond3A_184 {
          %eq3A_235 = arith.constant 0 : i32
          %eq3A_236 = arith.cmpi eq, %mul3A_177, %eq3A_235 : i32
          %convert_element_type3A_237 = arith.extui %eq3A_236 : i1 to i32
          %cond3A_238 = arith.constant 0 : i32
          %cond3A_239 = arith.cmpi ne, %convert_element_type3A_237, %cond3A_238 : i32
          scf.if %cond3A_239 {
            %mul3A_244 = arith.constant 1024 : i32
            %mul3A_245 = arith.muli %div3A_173, %mul3A_244 : i32
            %add3A_246 = arith.addi %mul3A_2, %mul3A_245 : i32
            "tpu.region"() ({
              %run_scoped3A = tpu.sem_alloc : memref<!tpu.dma_semaphore, #tpu.memory_space<semaphore_mem>>
              %dma_start3A_250 = tpu.memref_slice %arg2[%add3A_246] : memref<524288xi32, #tpu.memory_space<hbm>> -> memref<1024xi32, #tpu.memory_space<hbm>>
              %dma_start3A_251 = tpu.memref_slice %arg2[%add3A_246] : memref<524288xi32, #tpu.memory_space<hbm>> -> memref<1024xi32, #tpu.memory_space<hbm>>
              tpu.enqueue_dma source(%dma_start3A_251 : memref<1024xi32, #tpu.memory_space<hbm>>) target(%arg13 : memref<1024xi32, #tpu.memory_space<vmem>>) target_semaphore(%run_scoped3A : memref<!tpu.dma_semaphore, #tpu.memory_space<semaphore_mem>>)
              %dma_wait3A_252 = tpu.memref_slice %arg2[%add3A_246] : memref<524288xi32, #tpu.memory_space<hbm>> -> memref<1024xi32, #tpu.memory_space<hbm>>
              %dma_wait3A_253 = tpu.memref_slice %arg2[%add3A_246] : memref<524288xi32, #tpu.memory_space<hbm>> -> memref<1024xi32, #tpu.memory_space<hbm>>
              tpu.wait_dma2 semaphore(%run_scoped3A : memref<!tpu.dma_semaphore, #tpu.memory_space<semaphore_mem>>) src(%dma_wait3A_253 : memref<1024xi32, #tpu.memory_space<hbm>>) dst(%arg13 : memref<1024xi32, #tpu.memory_space<vmem>>)
              tpu.yield
            }) : () -> ()
            %mul3A_247 = arith.constant 1024 : i32
            %mul3A_248 = arith.muli %div3A_173, %mul3A_247 : i32
            %add3A_249 = arith.addi %mul3A_2, %mul3A_248 : i32
            "tpu.region"() ({
              %run_scoped3A = tpu.sem_alloc : memref<!tpu.dma_semaphore, #tpu.memory_space<semaphore_mem>>
              %dma_start3A_250 = tpu.memref_slice %arg3[%add3A_249] : memref<524288xi32, #tpu.memory_space<hbm>> -> memref<1024xi32, #tpu.memory_space<hbm>>
              %dma_start3A_251 = tpu.memref_slice %arg3[%add3A_249] : memref<524288xi32, #tpu.memory_space<hbm>> -> memref<1024xi32, #tpu.memory_space<hbm>>
              tpu.enqueue_dma source(%dma_start3A_251 : memref<1024xi32, #tpu.memory_space<hbm>>) target(%arg15 : memref<1024xi32, #tpu.memory_space<vmem>>) target_semaphore(%run_scoped3A : memref<!tpu.dma_semaphore, #tpu.memory_space<semaphore_mem>>)
              %dma_wait3A_252 = tpu.memref_slice %arg3[%add3A_249] : memref<524288xi32, #tpu.memory_space<hbm>> -> memref<1024xi32, #tpu.memory_space<hbm>>
              %dma_wait3A_253 = tpu.memref_slice %arg3[%add3A_249] : memref<524288xi32, #tpu.memory_space<hbm>> -> memref<1024xi32, #tpu.memory_space<hbm>>
              tpu.wait_dma2 semaphore(%run_scoped3A : memref<!tpu.dma_semaphore, #tpu.memory_space<semaphore_mem>>) src(%dma_wait3A_253 : memref<1024xi32, #tpu.memory_space<hbm>>) dst(%arg15 : memref<1024xi32, #tpu.memory_space<vmem>>)
              tpu.yield
            }) : () -> ()
          } else {
          }
          %dma_start3A_240 = tpu.memref_slice %arg13[%mul3A_177] : memref<1024xi32, #tpu.memory_space<vmem>> -> memref<32xi32, #tpu.memory_space<vmem>>
          %dma_start3A_241 = arith.constant 0 : i32
          %dma_start3A_242 = arith.constant 0 : i32
          %dma_start3A_243 = tpu.memref_slice %arg4[%dma_start3A_241, %dma_start3A_242] : memref<100000x768xf32, #tpu.memory_space<hbm>> -> memref<100000x768xf32, #tpu.memory_space<hbm>>
          tpu.enqueue_indirect_dma source(%dma_start3A_243 : memref<100000x768xf32, #tpu.memory_space<hbm>>) target(%arg8 : memref<32x768xf32, #tpu.memory_space<vmem>>) offsets(%dma_start3A_240 : memref<32xi32, #tpu.memory_space<vmem>>) semaphore(%arg17 : memref<!tpu.dma_semaphore, #tpu.memory_space<semaphore_mem>>)
        } else {
        }
        %rem3A_185 = arith.constant 2 : i32
        %rem3A_186 = arith.remsi %div3A_173, %rem3A_185 : i32
        %eq3A_187 = arith.constant 1 : i32
        %eq3A_188 = arith.cmpi eq, %rem3A_186, %eq3A_187 : i32
        %convert_element_type3A_189 = arith.extui %eq3A_188 : i1 to i32
        %cond3A_190 = arith.constant 0 : i32
        %cond3A_191 = arith.cmpi ne, %convert_element_type3A_189, %cond3A_190 : i32
        scf.if %cond3A_191 {
          %eq3A_235 = arith.constant 0 : i32
          %eq3A_236 = arith.cmpi eq, %mul3A_177, %eq3A_235 : i32
          %convert_element_type3A_237 = arith.extui %eq3A_236 : i1 to i32
          %cond3A_238 = arith.constant 0 : i32
          %cond3A_239 = arith.cmpi ne, %convert_element_type3A_237, %cond3A_238 : i32
          scf.if %cond3A_239 {
            %mul3A_244 = arith.constant 1024 : i32
            %mul3A_245 = arith.muli %div3A_173, %mul3A_244 : i32
            %add3A_246 = arith.addi %mul3A_2, %mul3A_245 : i32
            "tpu.region"() ({
              %run_scoped3A = tpu.sem_alloc : memref<!tpu.dma_semaphore, #tpu.memory_space<semaphore_mem>>
              %dma_start3A_250 = tpu.memref_slice %arg2[%add3A_246] : memref<524288xi32, #tpu.memory_space<hbm>> -> memref<1024xi32, #tpu.memory_space<hbm>>
              %dma_start3A_251 = tpu.memref_slice %arg2[%add3A_246] : memref<524288xi32, #tpu.memory_space<hbm>> -> memref<1024xi32, #tpu.memory_space<hbm>>
              tpu.enqueue_dma source(%dma_start3A_251 : memref<1024xi32, #tpu.memory_space<hbm>>) target(%arg14 : memref<1024xi32, #tpu.memory_space<vmem>>) target_semaphore(%run_scoped3A : memref<!tpu.dma_semaphore, #tpu.memory_space<semaphore_mem>>)
              %dma_wait3A_252 = tpu.memref_slice %arg2[%add3A_246] : memref<524288xi32, #tpu.memory_space<hbm>> -> memref<1024xi32, #tpu.memory_space<hbm>>
              %dma_wait3A_253 = tpu.memref_slice %arg2[%add3A_246] : memref<524288xi32, #tpu.memory_space<hbm>> -> memref<1024xi32, #tpu.memory_space<hbm>>
              tpu.wait_dma2 semaphore(%run_scoped3A : memref<!tpu.dma_semaphore, #tpu.memory_space<semaphore_mem>>) src(%dma_wait3A_253 : memref<1024xi32, #tpu.memory_space<hbm>>) dst(%arg14 : memref<1024xi32, #tpu.memory_space<vmem>>)
              tpu.yield
            }) : () -> ()
            %mul3A_247 = arith.constant 1024 : i32
            %mul3A_248 = arith.muli %div3A_173, %mul3A_247 : i32
            %add3A_249 = arith.addi %mul3A_2, %mul3A_248 : i32
            "tpu.region"() ({
              %run_scoped3A = tpu.sem_alloc : memref<!tpu.dma_semaphore, #tpu.memory_space<semaphore_mem>>
              %dma_start3A_250 = tpu.memref_slice %arg3[%add3A_249] : memref<524288xi32, #tpu.memory_space<hbm>> -> memref<1024xi32, #tpu.memory_space<hbm>>
              %dma_start3A_251 = tpu.memref_slice %arg3[%add3A_249] : memref<524288xi32, #tpu.memory_space<hbm>> -> memref<1024xi32, #tpu.memory_space<hbm>>
              tpu.enqueue_dma source(%dma_start3A_251 : memref<1024xi32, #tpu.memory_space<hbm>>) target(%arg15 : memref<1024xi32, #tpu.memory_space<vmem>>) target_semaphore(%run_scoped3A : memref<!tpu.dma_semaphore, #tpu.memory_space<semaphore_mem>>)
              %dma_wait3A_252 = tpu.memref_slice %arg3[%add3A_249] : memref<524288xi32, #tpu.memory_space<hbm>> -> memref<1024xi32, #tpu.memory_space<hbm>>
              %dma_wait3A_253 = tpu.memref_slice %arg3[%add3A_249] : memref<524288xi32, #tpu.memory_space<hbm>> -> memref<1024xi32, #tpu.memory_space<hbm>>
              tpu.wait_dma2 semaphore(%run_scoped3A : memref<!tpu.dma_semaphore, #tpu.memory_space<semaphore_mem>>) src(%dma_wait3A_253 : memref<1024xi32, #tpu.memory_space<hbm>>) dst(%arg15 : memref<1024xi32, #tpu.memory_space<vmem>>)
              tpu.yield
            }) : () -> ()
          } else {
          }
          %dma_start3A_240 = tpu.memref_slice %arg14[%mul3A_177] : memref<1024xi32, #tpu.memory_space<vmem>> -> memref<32xi32, #tpu.memory_space<vmem>>
          %dma_start3A_241 = arith.constant 0 : i32
          %dma_start3A_242 = arith.constant 0 : i32
          %dma_start3A_243 = tpu.memref_slice %arg4[%dma_start3A_241, %dma_start3A_242] : memref<100000x768xf32, #tpu.memory_space<hbm>> -> memref<100000x768xf32, #tpu.memory_space<hbm>>
          tpu.enqueue_indirect_dma source(%dma_start3A_243 : memref<100000x768xf32, #tpu.memory_space<hbm>>) target(%arg8 : memref<32x768xf32, #tpu.memory_space<vmem>>) offsets(%dma_start3A_240 : memref<32xi32, #tpu.memory_space<vmem>>) semaphore(%arg17 : memref<!tpu.dma_semaphore, #tpu.memory_space<semaphore_mem>>)
        } else {
        }
        %mul3A_192 = arith.constant 32 : i32
        %mul3A_193 = arith.muli %add3A_171, %mul3A_192 : i32
        %rem3A_194 = arith.constant 512 : i32
        %rem3A_195 = arith.remsi %mul3A_193, %rem3A_194 : i32
        %add3A_196 = arith.constant 0 : i32
        %add3A_197 = arith.addi %mul3A_177, %add3A_196 : i32
        %get3A_198 = arith.index_cast %add3A_197 : i32 to index
        %get3A_199 = tpu.vector_load %arg15[%get3A_198] {strides = array<i32>} : memref<1024xi32, #tpu.memory_space<vmem>>, vector<16xi32>,
        %get3A_200 = vector.shape_cast %get3A_199 : vector<16xi32> to vector<16xi32>
        %mul3A_201 = arith.constant 512 : i32
        %mul3A_202 = vector.broadcast %mul3A_201 : i32 to vector<16xi32>
        %mul3A_203 = arith.muli %get3A_200, %mul3A_202 : vector<16xi32>
        %add3A_204 = arith.constant 0 : i32
        %add3A_205 = vector.broadcast %add3A_204 : i32 to vector<16xi32>
        %add3A_206 = arith.addi %iota3A, %add3A_205 : vector<16xi32>
        %add3A_207 = arith.addi %mul3A_203, %add3A_206 : vector<16xi32>
        %add3A_208 = vector.broadcast %rem3A_195 : i32 to vector<16xi32>
        %add3A_209 = arith.addi %add3A_207, %add3A_208 : vector<16xi32>
        %swap3A_210 = arith.constant 0 : index
        %swap3A_211 = tpu.vector_load %arg12[%swap3A_210] {strides = array<i32>} : memref<32xi32, #tpu.memory_space<vmem>>, vector<16xi32>,
        %swap3A_212 = vector.shape_cast %swap3A_211 : vector<16xi32> to vector<16xi32>
        %swap3A_213 = vector.shape_cast %add3A_209 : vector<16xi32> to vector<16xi32>
        tpu.vector_store %arg12[%swap3A_210], %swap3A_213 {strides = array<i32>} : memref<32xi32, #tpu.memory_space<vmem>>, vector<16xi32>,
        %add3A_214 = arith.constant 16 : i32
        %add3A_215 = arith.addi %mul3A_177, %add3A_214 : i32
        %get3A_216 = arith.index_cast %add3A_215 : i32 to index
        %get3A_217 = tpu.vector_load %arg15[%get3A_216] {strides = array<i32>} : memref<1024xi32, #tpu.memory_space<vmem>>, vector<16xi32>,
        %get3A_218 = vector.shape_cast %get3A_217 : vector<16xi32> to vector<16xi32>
        %mul3A_219 = arith.constant 512 : i32
        %mul3A_220 = vector.broadcast %mul3A_219 : i32 to vector<16xi32>
        %mul3A_221 = arith.muli %get3A_218, %mul3A_220 : vector<16xi32>
        %add3A_222 = arith.constant 16 : i32
        %add3A_223 = vector.broadcast %add3A_222 : i32 to vector<16xi32>
        %add3A_224 = arith.addi %iota3A, %add3A_223 : vector<16xi32>
        %add3A_225 = arith.addi %mul3A_221, %add3A_224 : vector<16xi32>
        %add3A_226 = vector.broadcast %rem3A_195 : i32 to vector<16xi32>
        %add3A_227 = arith.addi %add3A_225, %add3A_226 : vector<16xi32>
        %swap3A_228 = arith.constant 16 : index
        %swap3A_229 = tpu.vector_load %arg12[%swap3A_228] {strides = array<i32>} : memref<32xi32, #tpu.memory_space<vmem>>, vector<16xi32>,
        %swap3A_230 = vector.shape_cast %swap3A_229 : vector<16xi32> to vector<16xi32>
        %swap3A_231 = vector.shape_cast %add3A_227 : vector<16xi32> to vector<16xi32>
        tpu.vector_store %arg12[%swap3A_228], %swap3A_231 {strides = array<i32>} : memref<32xi32, #tpu.memory_space<vmem>>, vector<16xi32>,
        %dma_start3A_232 = arith.constant 0 : i32
        %dma_start3A_233 = arith.constant 0 : i32
        %dma_start3A_234 = tpu.memref_slice %arg5[%dma_start3A_232, %dma_start3A_233] : memref<1024x768xf32, #tpu.memory_space<hbm>> -> memref<1024x768xf32, #tpu.memory_space<hbm>>
        tpu.enqueue_indirect_dma source(%dma_start3A_234 : memref<1024x768xf32, #tpu.memory_space<hbm>>) target(%arg10 : memref<32x768xf32, #tpu.memory_space<vmem>>) offsets(%arg12 : memref<32xi32, #tpu.memory_space<vmem>>) semaphore(%arg19 : memref<!tpu.dma_semaphore, #tpu.memory_space<semaphore_mem>>)
      } else {
      }
      %div3A_82 = arith.constant 32 : i32
      %div3A_83 = arith.divsi %add3A_71, %div3A_82 : i32
      %rem3A_84 = arith.constant 32 : i32
      %rem3A_85 = arith.remsi %add3A_71, %rem3A_84 : i32
      %mul3A_86 = arith.constant 32 : i32
      %mul3A_87 = arith.muli %rem3A_85, %mul3A_86 : i32
      %rem3A_88 = arith.constant 2 : i32
      %rem3A_89 = arith.remsi %div3A_83, %rem3A_88 : i32
      %eq3A_90 = arith.constant 0 : i32
      %eq3A_91 = arith.cmpi eq, %rem3A_89, %eq3A_90 : i32
      %convert_element_type3A_92 = arith.extui %eq3A_91 : i1 to i32
      %cond3A_93 = arith.constant 0 : i32
      %cond3A_94 = arith.cmpi ne, %convert_element_type3A_92, %cond3A_93 : i32
      scf.if %cond3A_94 {
        %dma_wait3A_170 = tpu.memref_slice %arg13[%mul3A_87] : memref<1024xi32, #tpu.memory_space<vmem>> -> memref<32xi32, #tpu.memory_space<vmem>>
        %dma_wait3A_171 = arith.constant 0 : i32
        %dma_wait3A_172 = arith.constant 0 : i32
        %dma_wait3A_173 = tpu.memref_slice %arg4[%dma_wait3A_171, %dma_wait3A_172] : memref<100000x768xf32, #tpu.memory_space<hbm>> -> memref<100000x768xf32, #tpu.memory_space<hbm>>
        tpu.wait_indirect_dma semaphore(%arg16 : memref<!tpu.dma_semaphore, #tpu.memory_space<semaphore_mem>>) src(%dma_wait3A_173 : memref<100000x768xf32, #tpu.memory_space<hbm>>) dst(%arg7 : memref<32x768xf32, #tpu.memory_space<vmem>>)
      } else {
      }
      %rem3A_95 = arith.constant 2 : i32
      %rem3A_96 = arith.remsi %div3A_83, %rem3A_95 : i32
      %eq3A_97 = arith.constant 1 : i32
      %eq3A_98 = arith.cmpi eq, %rem3A_96, %eq3A_97 : i32
      %convert_element_type3A_99 = arith.extui %eq3A_98 : i1 to i32
      %cond3A_100 = arith.constant 0 : i32
      %cond3A_101 = arith.cmpi ne, %convert_element_type3A_99, %cond3A_100 : i32
      scf.if %cond3A_101 {
        %dma_wait3A_170 = tpu.memref_slice %arg14[%mul3A_87] : memref<1024xi32, #tpu.memory_space<vmem>> -> memref<32xi32, #tpu.memory_space<vmem>>
        %dma_wait3A_171 = arith.constant 0 : i32
        %dma_wait3A_172 = arith.constant 0 : i32
        %dma_wait3A_173 = tpu.memref_slice %arg4[%dma_wait3A_171, %dma_wait3A_172] : memref<100000x768xf32, #tpu.memory_space<hbm>> -> memref<100000x768xf32, #tpu.memory_space<hbm>>
        tpu.wait_indirect_dma semaphore(%arg16 : memref<!tpu.dma_semaphore, #tpu.memory_space<semaphore_mem>>) src(%dma_wait3A_173 : memref<100000x768xf32, #tpu.memory_space<hbm>>) dst(%arg7 : memref<32x768xf32, #tpu.memory_space<vmem>>)
      } else {
      }
      %dma_wait3A_102 = arith.constant 0 : i32
      %dma_wait3A_103 = arith.constant 0 : i32
      %dma_wait3A_104 = tpu.memref_slice %arg5[%dma_wait3A_102, %dma_wait3A_103] : memref<1024x768xf32, #tpu.memory_space<hbm>> -> memref<1024x768xf32, #tpu.memory_space<hbm>>
      tpu.wait_indirect_dma semaphore(%arg18 : memref<!tpu.dma_semaphore, #tpu.memory_space<semaphore_mem>>) src(%dma_wait3A_104 : memref<1024x768xf32, #tpu.memory_space<hbm>>) dst(%arg9 : memref<32x768xf32, #tpu.memory_space<vmem>>)
      %scan3A_105 = arith.constant 0 : i32
      %scan3A_106 = arith.constant 0 : i32
      %scan3A_107 = arith.constant 32 : i32
      %scan3A_108 = arith.addi %scan3A_106, %scan3A_107 : i32
      %scan3A_109 = arith.constant 1 : i32
      %scan3A_110 = scf.for %scan3A_170 = %scan3A_106 to %scan3A_108 step %scan3A_109 iter_args(%scan3A_171 = %scan3A_105) -> (i32)  : i32 {
        %get3A_172 = arith.index_cast %scan3A_170 : i32 to index
        %get3A_173 = arith.constant 0 : index
        %get3A_174 = tpu.vector_load %arg9[%get3A_172, %get3A_173] {strides = array<i32>} : memref<32x768xf32, #tpu.memory_space<vmem>>, vector<1x16xf32>,
        %get3A_175 = vector.shape_cast %get3A_174 : vector<1x16xf32> to vector<16xf32>
        %swap3A_176 = arith.index_cast %scan3A_170 : i32 to index
        %swap3A_177 = arith.constant 0 : index
        %swap3A_178 = tpu.vector_load %arg7[%swap3A_176, %swap3A_177] {strides = array<i32>} : memref<32x768xf32, #tpu.memory_space<vmem>>, vector<1x16xf32>,
        %swap3A_179 = vector.shape_cast %swap3A_178 : vector<1x16xf32> to vector<16xf32>
        %swap3A_180 = vector.shape_cast %get3A_175 : vector<16xf32> to vector<1x16xf32>
        tpu.vector_store %arg7[%swap3A_176, %swap3A_177], %swap3A_180 {add = true, strides = array<i32>} : memref<32x768xf32, #tpu.memory_space<vmem>>, vector<1x16xf32>,
        %get3A_181 = arith.index_cast %scan3A_170 : i32 to index
        %get3A_182 = arith.constant 16 : index
        %get3A_183 = tpu.vector_load %arg9[%get3A_181, %get3A_182] {strides = array<i32>} : memref<32x768xf32, #tpu.memory_space<vmem>>, vector<1x16xf32>,
        %get3A_184 = vector.shape_cast %get3A_183 : vector<1x16xf32> to vector<16xf32>
        %swap3A_185 = arith.index_cast %scan3A_170 : i32 to index
        %swap3A_186 = arith.constant 16 : index
        %swap3A_187 = tpu.vector_load %arg7[%swap3A_185, %swap3A_186] {strides = array<i32>} : memref<32x768xf32, #tpu.memory_space<vmem>>, vector<1x16xf32>,
        %swap3A_188 = vector.shape_cast %swap3A_187 : vector<1x16xf32> to vector<16xf32>
        %swap3A_189 = vector.shape_cast %get3A_184 : vector<16xf32> to vector<1x16xf32>
        tpu.vector_store %arg7[%swap3A_185, %swap3A_186], %swap3A_189 {add = true, strides = array<i32>} : memref<32x768xf32, #tpu.memory_space<vmem>>, vector<1x16xf32>,
        %get3A_190 = arith.index_cast %scan3A_170 : i32 to index
        %get3A_191 = arith.constant 32 : index
        %get3A_192 = tpu.vector_load %arg9[%get3A_190, %get3A_191] {strides = array<i32>} : memref<32x768xf32, #tpu.memory_space<vmem>>, vector<1x16xf32>,
        %get3A_193 = vector.shape_cast %get3A_192 : vector<1x16xf32> to vector<16xf32>
        %swap3A_194 = arith.index_cast %scan3A_170 : i32 to index
        %swap3A_195 = arith.constant 32 : index
        %swap3A_196 = tpu.vector_load %arg7[%swap3A_194, %swap3A_195] {strides = array<i32>} : memref<32x768xf32, #tpu.memory_space<vmem>>, vector<1x16xf32>,
        %swap3A_197 = vector.shape_cast %swap3A_196 : vector<1x16xf32> to vector<16xf32>
        %swap3A_198 = vector.shape_cast %get3A_193 : vector<16xf32> to vector<1x16xf32>
        tpu.vector_store %arg7[%swap3A_194, %swap3A_195], %swap3A_198 {add = true, strides = array<i32>} : memref<32x768xf32, #tpu.memory_space<vmem>>, vector<1x16xf32>,
        %get3A_199 = arith.index_cast %scan3A_170 : i32 to index
        %get3A_200 = arith.constant 48 : index
        %get3A_201 = tpu.vector_load %arg9[%get3A_199, %get3A_200] {strides = array<i32>} : memref<32x768xf32, #tpu.memory_space<vmem>>, vector<1x16xf32>,
        %get3A_202 = vector.shape_cast %get3A_201 : vector<1x16xf32> to vector<16xf32>
        %swap3A_203 = arith.index_cast %scan3A_170 : i32 to index
        %swap3A_204 = arith.constant 48 : index
        %swap3A_205 = tpu.vector_load %arg7[%swap3A_203, %swap3A_204] {strides = array<i32>} : memref<32x768xf32, #tpu.memory_space<vmem>>, vector<1x16xf32>,
        %swap3A_206 = vector.shape_cast %swap3A_205 : vector<1x16xf32> to vector<16xf32>
        %swap3A_207 = vector.shape_cast %get3A_202 : vector<16xf32> to vector<1x16xf32>
        tpu.vector_store %arg7[%swap3A_203, %swap3A_204], %swap3A_207 {add = true, strides = array<i32>} : memref<32x768xf32, #tpu.memory_space<vmem>>, vector<1x16xf32>,
        %get3A_208 = arith.index_cast %scan3A_170 : i32 to index
        %get3A_209 = arith.constant 64 : index
        %get3A_210 = tpu.vector_load %arg9[%get3A_208, %get3A_209] {strides = array<i32>} : memref<32x768xf32, #tpu.memory_space<vmem>>, vector<1x16xf32>,
        %get3A_211 = vector.shape_cast %get3A_210 : vector<1x16xf32> to vector<16xf32>
        %swap3A_212 = arith.index_cast %scan3A_170 : i32 to index
        %swap3A_213 = arith.constant 64 : index
        %swap3A_214 = tpu.vector_load %arg7[%swap3A_212, %swap3A_213] {strides = array<i32>} : memref<32x768xf32, #tpu.memory_space<vmem>>, vector<1x16xf32>,
        %swap3A_215 = vector.shape_cast %swap3A_214 : vector<1x16xf32> to vector<16xf32>
        %swap3A_216 = vector.shape_cast %get3A_211 : vector<16xf32> to vector<1x16xf32>
        tpu.vector_store %arg7[%swap3A_212, %swap3A_213], %swap3A_216 {add = true, strides = array<i32>} : memref<32x768xf32, #tpu.memory_space<vmem>>, vector<1x16xf32>,
        %get3A_217 = arith.index_cast %scan3A_170 : i32 to index
        %get3A_218 = arith.constant 80 : index
        %get3A_219 = tpu.vector_load %arg9[%get3A_217, %get3A_218] {strides = array<i32>} : memref<32x768xf32, #tpu.memory_space<vmem>>, vector<1x16xf32>,
        %get3A_220 = vector.shape_cast %get3A_219 : vector<1x16xf32> to vector<16xf32>
        %swap3A_221 = arith.index_cast %scan3A_170 : i32 to index
        %swap3A_222 = arith.constant 80 : index
        %swap3A_223 = tpu.vector_load %arg7[%swap3A_221, %swap3A_222] {strides = array<i32>} : memref<32x768xf32, #tpu.memory_space<vmem>>, vector<1x16xf32>,
        %swap3A_224 = vector.shape_cast %swap3A_223 : vector<1x16xf32> to vector<16xf32>
        %swap3A_225 = vector.shape_cast %get3A_220 : vector<16xf32> to vector<1x16xf32>
        tpu.vector_store %arg7[%swap3A_221, %swap3A_222], %swap3A_225 {add = true, strides = array<i32>} : memref<32x768xf32, #tpu.memory_space<vmem>>, vector<1x16xf32>,
        %get3A_226 = arith.index_cast %scan3A_170 : i32 to index
        %get3A_227 = arith.constant 96 : index
        %get3A_228 = tpu.vector_load %arg9[%get3A_226, %get3A_227] {strides = array<i32>} : memref<32x768xf32, #tpu.memory_space<vmem>>, vector<1x16xf32>,
        %get3A_229 = vector.shape_cast %get3A_228 : vector<1x16xf32> to vector<16xf32>
        %swap3A_230 = arith.index_cast %scan3A_170 : i32 to index
        %swap3A_231 = arith.constant 96 : index
        %swap3A_232 = tpu.vector_load %arg7[%swap3A_230, %swap3A_231] {strides = array<i32>} : memref<32x768xf32, #tpu.memory_space<vmem>>, vector<1x16xf32>,
        %swap3A_233 = vector.shape_cast %swap3A_232 : vector<1x16xf32> to vector<16xf32>
        %swap3A_234 = vector.shape_cast %get3A_229 : vector<16xf32> to vector<1x16xf32>
        tpu.vector_store %arg7[%swap3A_230, %swap3A_231], %swap3A_234 {add = true, strides = array<i32>} : memref<32x768xf32, #tpu.memory_space<vmem>>, vector<1x16xf32>,
        %get3A_235 = arith.index_cast %scan3A_170 : i32 to index
        %get3A_236 = arith.constant 112 : index
        %get3A_237 = tpu.vector_load %arg9[%get3A_235, %get3A_236] {strides = array<i32>} : memref<32x768xf32, #tpu.memory_space<vmem>>, vector<1x16xf32>,
        %get3A_238 = vector.shape_cast %get3A_237 : vector<1x16xf32> to vector<16xf32>
        %swap3A_239 = arith.index_cast %scan3A_170 : i32 to index
        %swap3A_240 = arith.constant 112 : index
        %swap3A_241 = tpu.vector_load %arg7[%swap3A_239, %swap3A_240] {strides = array<i32>} : memref<32x768xf32, #tpu.memory_space<vmem>>, vector<1x16xf32>,
        %swap3A_242 = vector.shape_cast %swap3A_241 : vector<1x16xf32> to vector<16xf32>
        %swap3A_243 = vector.shape_cast %get3A_238 : vector<16xf32> to vector<1x16xf32>
        tpu.vector_store %arg7[%swap3A_239, %swap3A_240], %swap3A_243 {add = true, strides = array<i32>} : memref<32x768xf32, #tpu.memory_space<vmem>>, vector<1x16xf32>,
        %get3A_244 = arith.index_cast %scan3A_170 : i32 to index
        %get3A_245 = arith.constant 128 : index
        %get3A_246 = tpu.vector_load %arg9[%get3A_244, %get3A_245] {strides = array<i32>} : memref<32x768xf32, #tpu.memory_space<vmem>>, vector<1x16xf32>,
        %get3A_247 = vector.shape_cast %get3A_246 : vector<1x16xf32> to vector<16xf32>
        %swap3A_248 = arith.index_cast %scan3A_170 : i32 to index
        %swap3A_249 = arith.constant 128 : index
        %swap3A_250 = tpu.vector_load %arg7[%swap3A_248, %swap3A_249] {strides = array<i32>} : memref<32x768xf32, #tpu.memory_space<vmem>>, vector<1x16xf32>,
        %swap3A_251 = vector.shape_cast %swap3A_250 : vector<1x16xf32> to vector<16xf32>
        %swap3A_252 = vector.shape_cast %get3A_247 : vector<16xf32> to vector<1x16xf32>
        tpu.vector_store %arg7[%swap3A_248, %swap3A_249], %swap3A_252 {add = true, strides = array<i32>} : memref<32x768xf32, #tpu.memory_space<vmem>>, vector<1x16xf32>,
        %get3A_253 = arith.index_cast %scan3A_170 : i32 to index
        %get3A_254 = arith.constant 144 : index
        %get3A_255 = tpu.vector_load %arg9[%get3A_253, %get3A_254] {strides = array<i32>} : memref<32x768xf32, #tpu.memory_space<vmem>>, vector<1x16xf32>,
        %get3A_256 = vector.shape_cast %get3A_255 : vector<1x16xf32> to vector<16xf32>
        %swap3A_257 = arith.index_cast %scan3A_170 : i32 to index
        %swap3A_258 = arith.constant 144 : index
        %swap3A_259 = tpu.vector_load %arg7[%swap3A_257, %swap3A_258] {strides = array<i32>} : memref<32x768xf32, #tpu.memory_space<vmem>>, vector<1x16xf32>,
        %swap3A_260 = vector.shape_cast %swap3A_259 : vector<1x16xf32> to vector<16xf32>
        %swap3A_261 = vector.shape_cast %get3A_256 : vector<16xf32> to vector<1x16xf32>
        tpu.vector_store %arg7[%swap3A_257, %swap3A_258], %swap3A_261 {add = true, strides = array<i32>} : memref<32x768xf32, #tpu.memory_space<vmem>>, vector<1x16xf32>,
        %get3A_262 = arith.index_cast %scan3A_170 : i32 to index
        %get3A_263 = arith.constant 160 : index
        %get3A_264 = tpu.vector_load %arg9[%get3A_262, %get3A_263] {strides = array<i32>} : memref<32x768xf32, #tpu.memory_space<vmem>>, vector<1x16xf32>,
        %get3A_265 = vector.shape_cast %get3A_264 : vector<1x16xf32> to vector<16xf32>
        %swap3A_266 = arith.index_cast %scan3A_170 : i32 to index
        %swap3A_267 = arith.constant 160 : index
        %swap3A_268 = tpu.vector_load %arg7[%swap3A_266, %swap3A_267] {strides = array<i32>} : memref<32x768xf32, #tpu.memory_space<vmem>>, vector<1x16xf32>,
        %swap3A_269 = vector.shape_cast %swap3A_268 : vector<1x16xf32> to vector<16xf32>
        %swap3A_270 = vector.shape_cast %get3A_265 : vector<16xf32> to vector<1x16xf32>
        tpu.vector_store %arg7[%swap3A_266, %swap3A_267], %swap3A_270 {add = true, strides = array<i32>} : memref<32x768xf32, #tpu.memory_space<vmem>>, vector<1x16xf32>,
        %get3A_271 = arith.index_cast %scan3A_170 : i32 to index
        %get3A_272 = arith.constant 176 : index
        %get3A_273 = tpu.vector_load %arg9[%get3A_271, %get3A_272] {strides = array<i32>} : memref<32x768xf32, #tpu.memory_space<vmem>>, vector<1x16xf32>,
        %get3A_274 = vector.shape_cast %get3A_273 : vector<1x16xf32> to vector<16xf32>
        %swap3A_275 = arith.index_cast %scan3A_170 : i32 to index
        %swap3A_276 = arith.constant 176 : index
        %swap3A_277 = tpu.vector_load %arg7[%swap3A_275, %swap3A_276] {strides = array<i32>} : memref<32x768xf32, #tpu.memory_space<vmem>>, vector<1x16xf32>,
        %swap3A_278 = vector.shape_cast %swap3A_277 : vector<1x16xf32> to vector<16xf32>
        %swap3A_279 = vector.shape_cast %get3A_274 : vector<16xf32> to vector<1x16xf32>
        tpu.vector_store %arg7[%swap3A_275, %swap3A_276], %swap3A_279 {add = true, strides = array<i32>} : memref<32x768xf32, #tpu.memory_space<vmem>>, vector<1x16xf32>,
        %get3A_280 = arith.index_cast %scan3A_170 : i32 to index
        %get3A_281 = arith.constant 192 : index
        %get3A_282 = tpu.vector_load %arg9[%get3A_280, %get3A_281] {strides = array<i32>} : memref<32x768xf32, #tpu.memory_space<vmem>>, vector<1x16xf32>,
        %get3A_283 = vector.shape_cast %get3A_282 : vector<1x16xf32> to vector<16xf32>
        %swap3A_284 = arith.index_cast %scan3A_170 : i32 to index
        %swap3A_285 = arith.constant 192 : index
        %swap3A_286 = tpu.vector_load %arg7[%swap3A_284, %swap3A_285] {strides = array<i32>} : memref<32x768xf32, #tpu.memory_space<vmem>>, vector<1x16xf32>,
        %swap3A_287 = vector.shape_cast %swap3A_286 : vector<1x16xf32> to vector<16xf32>
        %swap3A_288 = vector.shape_cast %get3A_283 : vector<16xf32> to vector<1x16xf32>
        tpu.vector_store %arg7[%swap3A_284, %swap3A_285], %swap3A_288 {add = true, strides = array<i32>} : memref<32x768xf32, #tpu.memory_space<vmem>>, vector<1x16xf32>,
        %get3A_289 = arith.index_cast %scan3A_170 : i32 to index
        %get3A_290 = arith.constant 208 : index
        %get3A_291 = tpu.vector_load %arg9[%get3A_289, %get3A_290] {strides = array<i32>} : memref<32x768xf32, #tpu.memory_space<vmem>>, vector<1x16xf32>,
        %get3A_292 = vector.shape_cast %get3A_291 : vector<1x16xf32> to vector<16xf32>
        %swap3A_293 = arith.index_cast %scan3A_170 : i32 to index
        %swap3A_294 = arith.constant 208 : index
        %swap3A_295 = tpu.vector_load %arg7[%swap3A_293, %swap3A_294] {strides = array<i32>} : memref<32x768xf32, #tpu.memory_space<vmem>>, vector<1x16xf32>,
        %swap3A_296 = vector.shape_cast %swap3A_295 : vector<1x16xf32> to vector<16xf32>
        %swap3A_297 = vector.shape_cast %get3A_292 : vector<16xf32> to vector<1x16xf32>
        tpu.vector_store %arg7[%swap3A_293, %swap3A_294], %swap3A_297 {add = true, strides = array<i32>} : memref<32x768xf32, #tpu.memory_space<vmem>>, vector<1x16xf32>,
        %get3A_298 = arith.index_cast %scan3A_170 : i32 to index
        %get3A_299 = arith.constant 224 : index
        %get3A_300 = tpu.vector_load %arg9[%get3A_298, %get3A_299] {strides = array<i32>} : memref<32x768xf32, #tpu.memory_space<vmem>>, vector<1x16xf32>,
        %get3A_301 = vector.shape_cast %get3A_300 : vector<1x16xf32> to vector<16xf32>
        %swap3A_302 = arith.index_cast %scan3A_170 : i32 to index
        %swap3A_303 = arith.constant 224 : index
        %swap3A_304 = tpu.vector_load %arg7[%swap3A_302, %swap3A_303] {strides = array<i32>} : memref<32x768xf32, #tpu.memory_space<vmem>>, vector<1x16xf32>,
        %swap3A_305 = vector.shape_cast %swap3A_304 : vector<1x16xf32> to vector<16xf32>
        %swap3A_306 = vector.shape_cast %get3A_301 : vector<16xf32> to vector<1x16xf32>
        tpu.vector_store %arg7[%swap3A_302, %swap3A_303], %swap3A_306 {add = true, strides = array<i32>} : memref<32x768xf32, #tpu.memory_space<vmem>>, vector<1x16xf32>,
        %get3A_307 = arith.index_cast %scan3A_170 : i32 to index
        %get3A_308 = arith.constant 240 : index
        %get3A_309 = tpu.vector_load %arg9[%get3A_307, %get3A_308] {strides = array<i32>} : memref<32x768xf32, #tpu.memory_space<vmem>>, vector<1x16xf32>,
        %get3A_310 = vector.shape_cast %get3A_309 : vector<1x16xf32> to vector<16xf32>
        %swap3A_311 = arith.index_cast %scan3A_170 : i32 to index
        %swap3A_312 = arith.constant 240 : index
        %swap3A_313 = tpu.vector_load %arg7[%swap3A_311, %swap3A_312] {strides = array<i32>} : memref<32x768xf32, #tpu.memory_space<vmem>>, vector<1x16xf32>,
        %swap3A_314 = vector.shape_cast %swap3A_313 : vector<1x16xf32> to vector<16xf32>
        %swap3A_315 = vector.shape_cast %get3A_310 : vector<16xf32> to vector<1x16xf32>
        tpu.vector_store %arg7[%swap3A_311, %swap3A_312], %swap3A_315 {add = true, strides = array<i32>} : memref<32x768xf32, #tpu.memory_space<vmem>>, vector<1x16xf32>,
        %get3A_316 = arith.index_cast %scan3A_170 : i32 to index
        %get3A_317 = arith.constant 256 : index
        %get3A_318 = tpu.vector_load %arg9[%get3A_316, %get3A_317] {strides = array<i32>} : memref<32x768xf32, #tpu.memory_space<vmem>>, vector<1x16xf32>,
        %get3A_319 = vector.shape_cast %get3A_318 : vector<1x16xf32> to vector<16xf32>
        %swap3A_320 = arith.index_cast %scan3A_170 : i32 to index
        %swap3A_321 = arith.constant 256 : index
        %swap3A_322 = tpu.vector_load %arg7[%swap3A_320, %swap3A_321] {strides = array<i32>} : memref<32x768xf32, #tpu.memory_space<vmem>>, vector<1x16xf32>,
        %swap3A_323 = vector.shape_cast %swap3A_322 : vector<1x16xf32> to vector<16xf32>
        %swap3A_324 = vector.shape_cast %get3A_319 : vector<16xf32> to vector<1x16xf32>
        tpu.vector_store %arg7[%swap3A_320, %swap3A_321], %swap3A_324 {add = true, strides = array<i32>} : memref<32x768xf32, #tpu.memory_space<vmem>>, vector<1x16xf32>,
        %get3A_325 = arith.index_cast %scan3A_170 : i32 to index
        %get3A_326 = arith.constant 272 : index
        %get3A_327 = tpu.vector_load %arg9[%get3A_325, %get3A_326] {strides = array<i32>} : memref<32x768xf32, #tpu.memory_space<vmem>>, vector<1x16xf32>,
        %get3A_328 = vector.shape_cast %get3A_327 : vector<1x16xf32> to vector<16xf32>
        %swap3A_329 = arith.index_cast %scan3A_170 : i32 to index
        %swap3A_330 = arith.constant 272 : index
        %swap3A_331 = tpu.vector_load %arg7[%swap3A_329, %swap3A_330] {strides = array<i32>} : memref<32x768xf32, #tpu.memory_space<vmem>>, vector<1x16xf32>,
        %swap3A_332 = vector.shape_cast %swap3A_331 : vector<1x16xf32> to vector<16xf32>
        %swap3A_333 = vector.shape_cast %get3A_328 : vector<16xf32> to vector<1x16xf32>
        tpu.vector_store %arg7[%swap3A_329, %swap3A_330], %swap3A_333 {add = true, strides = array<i32>} : memref<32x768xf32, #tpu.memory_space<vmem>>, vector<1x16xf32>,
        %get3A_334 = arith.index_cast %scan3A_170 : i32 to index
        %get3A_335 = arith.constant 288 : index
        %get3A_336 = tpu.vector_load %arg9[%get3A_334, %get3A_335] {strides = array<i32>} : memref<32x768xf32, #tpu.memory_space<vmem>>, vector<1x16xf32>,
        %get3A_337 = vector.shape_cast %get3A_336 : vector<1x16xf32> to vector<16xf32>
        %swap3A_338 = arith.index_cast %scan3A_170 : i32 to index
        %swap3A_339 = arith.constant 288 : index
        %swap3A_340 = tpu.vector_load %arg7[%swap3A_338, %swap3A_339] {strides = array<i32>} : memref<32x768xf32, #tpu.memory_space<vmem>>, vector<1x16xf32>,
        %swap3A_341 = vector.shape_cast %swap3A_340 : vector<1x16xf32> to vector<16xf32>
        %swap3A_342 = vector.shape_cast %get3A_337 : vector<16xf32> to vector<1x16xf32>
        tpu.vector_store %arg7[%swap3A_338, %swap3A_339], %swap3A_342 {add = true, strides = array<i32>} : memref<32x768xf32, #tpu.memory_space<vmem>>, vector<1x16xf32>,
        %get3A_343 = arith.index_cast %scan3A_170 : i32 to index
        %get3A_344 = arith.constant 304 : index
        %get3A_345 = tpu.vector_load %arg9[%get3A_343, %get3A_344] {strides = array<i32>} : memref<32x768xf32, #tpu.memory_space<vmem>>, vector<1x16xf32>,
        %get3A_346 = vector.shape_cast %get3A_345 : vector<1x16xf32> to vector<16xf32>
        %swap3A_347 = arith.index_cast %scan3A_170 : i32 to index
        %swap3A_348 = arith.constant 304 : index
        %swap3A_349 = tpu.vector_load %arg7[%swap3A_347, %swap3A_348] {strides = array<i32>} : memref<32x768xf32, #tpu.memory_space<vmem>>, vector<1x16xf32>,
        %swap3A_350 = vector.shape_cast %swap3A_349 : vector<1x16xf32> to vector<16xf32>
        %swap3A_351 = vector.shape_cast %get3A_346 : vector<16xf32> to vector<1x16xf32>
        tpu.vector_store %arg7[%swap3A_347, %swap3A_348], %swap3A_351 {add = true, strides = array<i32>} : memref<32x768xf32, #tpu.memory_space<vmem>>, vector<1x16xf32>,
        %get3A_352 = arith.index_cast %scan3A_170 : i32 to index
        %get3A_353 = arith.constant 320 : index
        %get3A_354 = tpu.vector_load %arg9[%get3A_352, %get3A_353] {strides = array<i32>} : memref<32x768xf32, #tpu.memory_space<vmem>>, vector<1x16xf32>,
        %get3A_355 = vector.shape_cast %get3A_354 : vector<1x16xf32> to vector<16xf32>
        %swap3A_356 = arith.index_cast %scan3A_170 : i32 to index
        %swap3A_357 = arith.constant 320 : index
        %swap3A_358 = tpu.vector_load %arg7[%swap3A_356, %swap3A_357] {strides = array<i32>} : memref<32x768xf32, #tpu.memory_space<vmem>>, vector<1x16xf32>,
        %swap3A_359 = vector.shape_cast %swap3A_358 : vector<1x16xf32> to vector<16xf32>
        %swap3A_360 = vector.shape_cast %get3A_355 : vector<16xf32> to vector<1x16xf32>
        tpu.vector_store %arg7[%swap3A_356, %swap3A_357], %swap3A_360 {add = true, strides = array<i32>} : memref<32x768xf32, #tpu.memory_space<vmem>>, vector<1x16xf32>,
        %get3A_361 = arith.index_cast %scan3A_170 : i32 to index
        %get3A_362 = arith.constant 336 : index
        %get3A_363 = tpu.vector_load %arg9[%get3A_361, %get3A_362] {strides = array<i32>} : memref<32x768xf32, #tpu.memory_space<vmem>>, vector<1x16xf32>,
        %get3A_364 = vector.shape_cast %get3A_363 : vector<1x16xf32> to vector<16xf32>
        %swap3A_365 = arith.index_cast %scan3A_170 : i32 to index
        %swap3A_366 = arith.constant 336 : index
        %swap3A_367 = tpu.vector_load %arg7[%swap3A_365, %swap3A_366] {strides = array<i32>} : memref<32x768xf32, #tpu.memory_space<vmem>>, vector<1x16xf32>,
        %swap3A_368 = vector.shape_cast %swap3A_367 : vector<1x16xf32> to vector<16xf32>
        %swap3A_369 = vector.shape_cast %get3A_364 : vector<16xf32> to vector<1x16xf32>
        tpu.vector_store %arg7[%swap3A_365, %swap3A_366], %swap3A_369 {add = true, strides = array<i32>} : memref<32x768xf32, #tpu.memory_space<vmem>>, vector<1x16xf32>,
        %get3A_370 = arith.index_cast %scan3A_170 : i32 to index
        %get3A_371 = arith.constant 352 : index
        %get3A_372 = tpu.vector_load %arg9[%get3A_370, %get3A_371] {strides = array<i32>} : memref<32x768xf32, #tpu.memory_space<vmem>>, vector<1x16xf32>,
        %get3A_373 = vector.shape_cast %get3A_372 : vector<1x16xf32> to vector<16xf32>
        %swap3A_374 = arith.index_cast %scan3A_170 : i32 to index
        %swap3A_375 = arith.constant 352 : index
        %swap3A_376 = tpu.vector_load %arg7[%swap3A_374, %swap3A_375] {strides = array<i32>} : memref<32x768xf32, #tpu.memory_space<vmem>>, vector<1x16xf32>,
        %swap3A_377 = vector.shape_cast %swap3A_376 : vector<1x16xf32> to vector<16xf32>
        %swap3A_378 = vector.shape_cast %get3A_373 : vector<16xf32> to vector<1x16xf32>
        tpu.vector_store %arg7[%swap3A_374, %swap3A_375], %swap3A_378 {add = true, strides = array<i32>} : memref<32x768xf32, #tpu.memory_space<vmem>>, vector<1x16xf32>,
        %get3A_379 = arith.index_cast %scan3A_170 : i32 to index
        %get3A_380 = arith.constant 368 : index
        %get3A_381 = tpu.vector_load %arg9[%get3A_379, %get3A_380] {strides = array<i32>} : memref<32x768xf32, #tpu.memory_space<vmem>>, vector<1x16xf32>,
        %get3A_382 = vector.shape_cast %get3A_381 : vector<1x16xf32> to vector<16xf32>
        %swap3A_383 = arith.index_cast %scan3A_170 : i32 to index
        %swap3A_384 = arith.constant 368 : index
        %swap3A_385 = tpu.vector_load %arg7[%swap3A_383, %swap3A_384] {strides = array<i32>} : memref<32x768xf32, #tpu.memory_space<vmem>>, vector<1x16xf32>,
        %swap3A_386 = vector.shape_cast %swap3A_385 : vector<1x16xf32> to vector<16xf32>
        %swap3A_387 = vector.shape_cast %get3A_382 : vector<16xf32> to vector<1x16xf32>
        tpu.vector_store %arg7[%swap3A_383, %swap3A_384], %swap3A_387 {add = true, strides = array<i32>} : memref<32x768xf32, #tpu.memory_space<vmem>>, vector<1x16xf32>,
        %get3A_388 = arith.index_cast %scan3A_170 : i32 to index
        %get3A_389 = arith.constant 384 : index
        %get3A_390 = tpu.vector_load %arg9[%get3A_388, %get3A_389] {strides = array<i32>} : memref<32x768xf32, #tpu.memory_space<vmem>>, vector<1x16xf32>,
        %get3A_391 = vector.shape_cast %get3A_390 : vector<1x16xf32> to vector<16xf32>
        %swap3A_392 = arith.index_cast %scan3A_170 : i32 to index
        %swap3A_393 = arith.constant 384 : index
        %swap3A_394 = tpu.vector_load %arg7[%swap3A_392, %swap3A_393] {strides = array<i32>} : memref<32x768xf32, #tpu.memory_space<vmem>>, vector<1x16xf32>,
        %swap3A_395 = vector.shape_cast %swap3A_394 : vector<1x16xf32> to vector<16xf32>
        %swap3A_396 = vector.shape_cast %get3A_391 : vector<16xf32> to vector<1x16xf32>
        tpu.vector_store %arg7[%swap3A_392, %swap3A_393], %swap3A_396 {add = true, strides = array<i32>} : memref<32x768xf32, #tpu.memory_space<vmem>>, vector<1x16xf32>,
        %get3A_397 = arith.index_cast %scan3A_170 : i32 to index
        %get3A_398 = arith.constant 400 : index
        %get3A_399 = tpu.vector_load %arg9[%get3A_397, %get3A_398] {strides = array<i32>} : memref<32x768xf32, #tpu.memory_space<vmem>>, vector<1x16xf32>,
        %get3A_400 = vector.shape_cast %get3A_399 : vector<1x16xf32> to vector<16xf32>
        %swap3A_401 = arith.index_cast %scan3A_170 : i32 to index
        %swap3A_402 = arith.constant 400 : index
        %swap3A_403 = tpu.vector_load %arg7[%swap3A_401, %swap3A_402] {strides = array<i32>} : memref<32x768xf32, #tpu.memory_space<vmem>>, vector<1x16xf32>,
        %swap3A_404 = vector.shape_cast %swap3A_403 : vector<1x16xf32> to vector<16xf32>
        %swap3A_405 = vector.shape_cast %get3A_400 : vector<16xf32> to vector<1x16xf32>
        tpu.vector_store %arg7[%swap3A_401, %swap3A_402], %swap3A_405 {add = true, strides = array<i32>} : memref<32x768xf32, #tpu.memory_space<vmem>>, vector<1x16xf32>,
        %get3A_406 = arith.index_cast %scan3A_170 : i32 to index
        %get3A_407 = arith.constant 416 : index
        %get3A_408 = tpu.vector_load %arg9[%get3A_406, %get3A_407] {strides = array<i32>} : memref<32x768xf32, #tpu.memory_space<vmem>>, vector<1x16xf32>,
        %get3A_409 = vector.shape_cast %get3A_408 : vector<1x16xf32> to vector<16xf32>
        %swap3A_410 = arith.index_cast %scan3A_170 : i32 to index
        %swap3A_411 = arith.constant 416 : index
        %swap3A_412 = tpu.vector_load %arg7[%swap3A_410, %swap3A_411] {strides = array<i32>} : memref<32x768xf32, #tpu.memory_space<vmem>>, vector<1x16xf32>,
        %swap3A_413 = vector.shape_cast %swap3A_412 : vector<1x16xf32> to vector<16xf32>
        %swap3A_414 = vector.shape_cast %get3A_409 : vector<16xf32> to vector<1x16xf32>
        tpu.vector_store %arg7[%swap3A_410, %swap3A_411], %swap3A_414 {add = true, strides = array<i32>} : memref<32x768xf32, #tpu.memory_space<vmem>>, vector<1x16xf32>,
        %get3A_415 = arith.index_cast %scan3A_170 : i32 to index
        %get3A_416 = arith.constant 432 : index
        %get3A_417 = tpu.vector_load %arg9[%get3A_415, %get3A_416] {strides = array<i32>} : memref<32x768xf32, #tpu.memory_space<vmem>>, vector<1x16xf32>,
        %get3A_418 = vector.shape_cast %get3A_417 : vector<1x16xf32> to vector<16xf32>
        %swap3A_419 = arith.index_cast %scan3A_170 : i32 to index
        %swap3A_420 = arith.constant 432 : index
        %swap3A_421 = tpu.vector_load %arg7[%swap3A_419, %swap3A_420] {strides = array<i32>} : memref<32x768xf32, #tpu.memory_space<vmem>>, vector<1x16xf32>,
        %swap3A_422 = vector.shape_cast %swap3A_421 : vector<1x16xf32> to vector<16xf32>
        %swap3A_423 = vector.shape_cast %get3A_418 : vector<16xf32> to vector<1x16xf32>
        tpu.vector_store %arg7[%swap3A_419, %swap3A_420], %swap3A_423 {add = true, strides = array<i32>} : memref<32x768xf32, #tpu.memory_space<vmem>>, vector<1x16xf32>,
        %get3A_424 = arith.index_cast %scan3A_170 : i32 to index
        %get3A_425 = arith.constant 448 : index
        %get3A_426 = tpu.vector_load %arg9[%get3A_424, %get3A_425] {strides = array<i32>} : memref<32x768xf32, #tpu.memory_space<vmem>>, vector<1x16xf32>,
        %get3A_427 = vector.shape_cast %get3A_426 : vector<1x16xf32> to vector<16xf32>
        %swap3A_428 = arith.index_cast %scan3A_170 : i32 to index
        %swap3A_429 = arith.constant 448 : index
        %swap3A_430 = tpu.vector_load %arg7[%swap3A_428, %swap3A_429] {strides = array<i32>} : memref<32x768xf32, #tpu.memory_space<vmem>>, vector<1x16xf32>,
        %swap3A_431 = vector.shape_cast %swap3A_430 : vector<1x16xf32> to vector<16xf32>
        %swap3A_432 = vector.shape_cast %get3A_427 : vector<16xf32> to vector<1x16xf32>
        tpu.vector_store %arg7[%swap3A_428, %swap3A_429], %swap3A_432 {add = true, strides = array<i32>} : memref<32x768xf32, #tpu.memory_space<vmem>>, vector<1x16xf32>,
        %get3A_433 = arith.index_cast %scan3A_170 : i32 to index
        %get3A_434 = arith.constant 464 : index
        %get3A_435 = tpu.vector_load %arg9[%get3A_433, %get3A_434] {strides = array<i32>} : memref<32x768xf32, #tpu.memory_space<vmem>>, vector<1x16xf32>,
        %get3A_436 = vector.shape_cast %get3A_435 : vector<1x16xf32> to vector<16xf32>
        %swap3A_437 = arith.index_cast %scan3A_170 : i32 to index
        %swap3A_438 = arith.constant 464 : index
        %swap3A_439 = tpu.vector_load %arg7[%swap3A_437, %swap3A_438] {strides = array<i32>} : memref<32x768xf32, #tpu.memory_space<vmem>>, vector<1x16xf32>,
        %swap3A_440 = vector.shape_cast %swap3A_439 : vector<1x16xf32> to vector<16xf32>
        %swap3A_441 = vector.shape_cast %get3A_436 : vector<16xf32> to vector<1x16xf32>
        tpu.vector_store %arg7[%swap3A_437, %swap3A_438], %swap3A_441 {add = true, strides = array<i32>} : memref<32x768xf32, #tpu.memory_space<vmem>>, vector<1x16xf32>,
        %get3A_442 = arith.index_cast %scan3A_170 : i32 to index
        %get3A_443 = arith.constant 480 : index
        %get3A_444 = tpu.vector_load %arg9[%get3A_442, %get3A_443] {strides = array<i32>} : memref<32x768xf32, #tpu.memory_space<vmem>>, vector<1x16xf32>,
        %get3A_445 = vector.shape_cast %get3A_444 : vector<1x16xf32> to vector<16xf32>
        %swap3A_446 = arith.index_cast %scan3A_170 : i32 to index
        %swap3A_447 = arith.constant 480 : index
        %swap3A_448 = tpu.vector_load %arg7[%swap3A_446, %swap3A_447] {strides = array<i32>} : memref<32x768xf32, #tpu.memory_space<vmem>>, vector<1x16xf32>,
        %swap3A_449 = vector.shape_cast %swap3A_448 : vector<1x16xf32> to vector<16xf32>
        %swap3A_450 = vector.shape_cast %get3A_445 : vector<16xf32> to vector<1x16xf32>
        tpu.vector_store %arg7[%swap3A_446, %swap3A_447], %swap3A_450 {add = true, strides = array<i32>} : memref<32x768xf32, #tpu.memory_space<vmem>>, vector<1x16xf32>,
        %get3A_451 = arith.index_cast %scan3A_170 : i32 to index
        %get3A_452 = arith.constant 496 : index
        %get3A_453 = tpu.vector_load %arg9[%get3A_451, %get3A_452] {strides = array<i32>} : memref<32x768xf32, #tpu.memory_space<vmem>>, vector<1x16xf32>,
        %get3A_454 = vector.shape_cast %get3A_453 : vector<1x16xf32> to vector<16xf32>
        %swap3A_455 = arith.index_cast %scan3A_170 : i32 to index
        %swap3A_456 = arith.constant 496 : index
        %swap3A_457 = tpu.vector_load %arg7[%swap3A_455, %swap3A_456] {strides = array<i32>} : memref<32x768xf32, #tpu.memory_space<vmem>>, vector<1x16xf32>,
        %swap3A_458 = vector.shape_cast %swap3A_457 : vector<1x16xf32> to vector<16xf32>
        %swap3A_459 = vector.shape_cast %get3A_454 : vector<16xf32> to vector<1x16xf32>
        tpu.vector_store %arg7[%swap3A_455, %swap3A_456], %swap3A_459 {add = true, strides = array<i32>} : memref<32x768xf32, #tpu.memory_space<vmem>>, vector<1x16xf32>,
        %get3A_460 = arith.index_cast %scan3A_170 : i32 to index
        %get3A_461 = arith.constant 512 : index
        %get3A_462 = tpu.vector_load %arg9[%get3A_460, %get3A_461] {strides = array<i32>} : memref<32x768xf32, #tpu.memory_space<vmem>>, vector<1x16xf32>,
        %get3A_463 = vector.shape_cast %get3A_462 : vector<1x16xf32> to vector<16xf32>
        %swap3A_464 = arith.index_cast %scan3A_170 : i32 to index
        %swap3A_465 = arith.constant 512 : index
        %swap3A_466 = tpu.vector_load %arg7[%swap3A_464, %swap3A_465] {strides = array<i32>} : memref<32x768xf32, #tpu.memory_space<vmem>>, vector<1x16xf32>,
        %swap3A_467 = vector.shape_cast %swap3A_466 : vector<1x16xf32> to vector<16xf32>
        %swap3A_468 = vector.shape_cast %get3A_463 : vector<16xf32> to vector<1x16xf32>
        tpu.vector_store %arg7[%swap3A_464, %swap3A_465], %swap3A_468 {add = true, strides = array<i32>} : memref<32x768xf32, #tpu.memory_space<vmem>>, vector<1x16xf32>,
        %get3A_469 = arith.index_cast %scan3A_170 : i32 to index
        %get3A_470 = arith.constant 528 : index
        %get3A_471 = tpu.vector_load %arg9[%get3A_469, %get3A_470] {strides = array<i32>} : memref<32x768xf32, #tpu.memory_space<vmem>>, vector<1x16xf32>,
        %get3A_472 = vector.shape_cast %get3A_471 : vector<1x16xf32> to vector<16xf32>
        %swap3A_473 = arith.index_cast %scan3A_170 : i32 to index
        %swap3A_474 = arith.constant 528 : index
        %swap3A_475 = tpu.vector_load %arg7[%swap3A_473, %swap3A_474] {strides = array<i32>} : memref<32x768xf32, #tpu.memory_space<vmem>>, vector<1x16xf32>,
        %swap3A_476 = vector.shape_cast %swap3A_475 : vector<1x16xf32> to vector<16xf32>
        %swap3A_477 = vector.shape_cast %get3A_472 : vector<16xf32> to vector<1x16xf32>
        tpu.vector_store %arg7[%swap3A_473, %swap3A_474], %swap3A_477 {add = true, strides = array<i32>} : memref<32x768xf32, #tpu.memory_space<vmem>>, vector<1x16xf32>,
        %get3A_478 = arith.index_cast %scan3A_170 : i32 to index
        %get3A_479 = arith.constant 544 : index
        %get3A_480 = tpu.vector_load %arg9[%get3A_478, %get3A_479] {strides = array<i32>} : memref<32x768xf32, #tpu.memory_space<vmem>>, vector<1x16xf32>,
        %get3A_481 = vector.shape_cast %get3A_480 : vector<1x16xf32> to vector<16xf32>
        %swap3A_482 = arith.index_cast %scan3A_170 : i32 to index
        %swap3A_483 = arith.constant 544 : index
        %swap3A_484 = tpu.vector_load %arg7[%swap3A_482, %swap3A_483] {strides = array<i32>} : memref<32x768xf32, #tpu.memory_space<vmem>>, vector<1x16xf32>,
        %swap3A_485 = vector.shape_cast %swap3A_484 : vector<1x16xf32> to vector<16xf32>
        %swap3A_486 = vector.shape_cast %get3A_481 : vector<16xf32> to vector<1x16xf32>
        tpu.vector_store %arg7[%swap3A_482, %swap3A_483], %swap3A_486 {add = true, strides = array<i32>} : memref<32x768xf32, #tpu.memory_space<vmem>>, vector<1x16xf32>,
        %get3A_487 = arith.index_cast %scan3A_170 : i32 to index
        %get3A_488 = arith.constant 560 : index
        %get3A_489 = tpu.vector_load %arg9[%get3A_487, %get3A_488] {strides = array<i32>} : memref<32x768xf32, #tpu.memory_space<vmem>>, vector<1x16xf32>,
        %get3A_490 = vector.shape_cast %get3A_489 : vector<1x16xf32> to vector<16xf32>
        %swap3A_491 = arith.index_cast %scan3A_170 : i32 to index
        %swap3A_492 = arith.constant 560 : index
        %swap3A_493 = tpu.vector_load %arg7[%swap3A_491, %swap3A_492] {strides = array<i32>} : memref<32x768xf32, #tpu.memory_space<vmem>>, vector<1x16xf32>,
        %swap3A_494 = vector.shape_cast %swap3A_493 : vector<1x16xf32> to vector<16xf32>
        %swap3A_495 = vector.shape_cast %get3A_490 : vector<16xf32> to vector<1x16xf32>
        tpu.vector_store %arg7[%swap3A_491, %swap3A_492], %swap3A_495 {add = true, strides = array<i32>} : memref<32x768xf32, #tpu.memory_space<vmem>>, vector<1x16xf32>,
        %get3A_496 = arith.index_cast %scan3A_170 : i32 to index
        %get3A_497 = arith.constant 576 : index
        %get3A_498 = tpu.vector_load %arg9[%get3A_496, %get3A_497] {strides = array<i32>} : memref<32x768xf32, #tpu.memory_space<vmem>>, vector<1x16xf32>,
        %get3A_499 = vector.shape_cast %get3A_498 : vector<1x16xf32> to vector<16xf32>
        %swap3A_500 = arith.index_cast %scan3A_170 : i32 to index
        %swap3A_501 = arith.constant 576 : index
        %swap3A_502 = tpu.vector_load %arg7[%swap3A_500, %swap3A_501] {strides = array<i32>} : memref<32x768xf32, #tpu.memory_space<vmem>>, vector<1x16xf32>,
        %swap3A_503 = vector.shape_cast %swap3A_502 : vector<1x16xf32> to vector<16xf32>
        %swap3A_504 = vector.shape_cast %get3A_499 : vector<16xf32> to vector<1x16xf32>
        tpu.vector_store %arg7[%swap3A_500, %swap3A_501], %swap3A_504 {add = true, strides = array<i32>} : memref<32x768xf32, #tpu.memory_space<vmem>>, vector<1x16xf32>,
        %get3A_505 = arith.index_cast %scan3A_170 : i32 to index
        %get3A_506 = arith.constant 592 : index
        %get3A_507 = tpu.vector_load %arg9[%get3A_505, %get3A_506] {strides = array<i32>} : memref<32x768xf32, #tpu.memory_space<vmem>>, vector<1x16xf32>,
        %get3A_508 = vector.shape_cast %get3A_507 : vector<1x16xf32> to vector<16xf32>
        %swap3A_509 = arith.index_cast %scan3A_170 : i32 to index
        %swap3A_510 = arith.constant 592 : index
        %swap3A_511 = tpu.vector_load %arg7[%swap3A_509, %swap3A_510] {strides = array<i32>} : memref<32x768xf32, #tpu.memory_space<vmem>>, vector<1x16xf32>,
        %swap3A_512 = vector.shape_cast %swap3A_511 : vector<1x16xf32> to vector<16xf32>
        %swap3A_513 = vector.shape_cast %get3A_508 : vector<16xf32> to vector<1x16xf32>
        tpu.vector_store %arg7[%swap3A_509, %swap3A_510], %swap3A_513 {add = true, strides = array<i32>} : memref<32x768xf32, #tpu.memory_space<vmem>>, vector<1x16xf32>,
        %get3A_514 = arith.index_cast %scan3A_170 : i32 to index
        %get3A_515 = arith.constant 608 : index
        %get3A_516 = tpu.vector_load %arg9[%get3A_514, %get3A_515] {strides = array<i32>} : memref<32x768xf32, #tpu.memory_space<vmem>>, vector<1x16xf32>,
        %get3A_517 = vector.shape_cast %get3A_516 : vector<1x16xf32> to vector<16xf32>
        %swap3A_518 = arith.index_cast %scan3A_170 : i32 to index
        %swap3A_519 = arith.constant 608 : index
        %swap3A_520 = tpu.vector_load %arg7[%swap3A_518, %swap3A_519] {strides = array<i32>} : memref<32x768xf32, #tpu.memory_space<vmem>>, vector<1x16xf32>,
        %swap3A_521 = vector.shape_cast %swap3A_520 : vector<1x16xf32> to vector<16xf32>
        %swap3A_522 = vector.shape_cast %get3A_517 : vector<16xf32> to vector<1x16xf32>
        tpu.vector_store %arg7[%swap3A_518, %swap3A_519], %swap3A_522 {add = true, strides = array<i32>} : memref<32x768xf32, #tpu.memory_space<vmem>>, vector<1x16xf32>,
        %get3A_523 = arith.index_cast %scan3A_170 : i32 to index
        %get3A_524 = arith.constant 624 : index
        %get3A_525 = tpu.vector_load %arg9[%get3A_523, %get3A_524] {strides = array<i32>} : memref<32x768xf32, #tpu.memory_space<vmem>>, vector<1x16xf32>,
        %get3A_526 = vector.shape_cast %get3A_525 : vector<1x16xf32> to vector<16xf32>
        %swap3A_527 = arith.index_cast %scan3A_170 : i32 to index
        %swap3A_528 = arith.constant 624 : index
        %swap3A_529 = tpu.vector_load %arg7[%swap3A_527, %swap3A_528] {strides = array<i32>} : memref<32x768xf32, #tpu.memory_space<vmem>>, vector<1x16xf32>,
        %swap3A_530 = vector.shape_cast %swap3A_529 : vector<1x16xf32> to vector<16xf32>
        %swap3A_531 = vector.shape_cast %get3A_526 : vector<16xf32> to vector<1x16xf32>
        tpu.vector_store %arg7[%swap3A_527, %swap3A_528], %swap3A_531 {add = true, strides = array<i32>} : memref<32x768xf32, #tpu.memory_space<vmem>>, vector<1x16xf32>,
        %get3A_532 = arith.index_cast %scan3A_170 : i32 to index
        %get3A_533 = arith.constant 640 : index
        %get3A_534 = tpu.vector_load %arg9[%get3A_532, %get3A_533] {strides = array<i32>} : memref<32x768xf32, #tpu.memory_space<vmem>>, vector<1x16xf32>,
        %get3A_535 = vector.shape_cast %get3A_534 : vector<1x16xf32> to vector<16xf32>
        %swap3A_536 = arith.index_cast %scan3A_170 : i32 to index
        %swap3A_537 = arith.constant 640 : index
        %swap3A_538 = tpu.vector_load %arg7[%swap3A_536, %swap3A_537] {strides = array<i32>} : memref<32x768xf32, #tpu.memory_space<vmem>>, vector<1x16xf32>,
        %swap3A_539 = vector.shape_cast %swap3A_538 : vector<1x16xf32> to vector<16xf32>
        %swap3A_540 = vector.shape_cast %get3A_535 : vector<16xf32> to vector<1x16xf32>
        tpu.vector_store %arg7[%swap3A_536, %swap3A_537], %swap3A_540 {add = true, strides = array<i32>} : memref<32x768xf32, #tpu.memory_space<vmem>>, vector<1x16xf32>,
        %get3A_541 = arith.index_cast %scan3A_170 : i32 to index
        %get3A_542 = arith.constant 656 : index
        %get3A_543 = tpu.vector_load %arg9[%get3A_541, %get3A_542] {strides = array<i32>} : memref<32x768xf32, #tpu.memory_space<vmem>>, vector<1x16xf32>,
        %get3A_544 = vector.shape_cast %get3A_543 : vector<1x16xf32> to vector<16xf32>
        %swap3A_545 = arith.index_cast %scan3A_170 : i32 to index
        %swap3A_546 = arith.constant 656 : index
        %swap3A_547 = tpu.vector_load %arg7[%swap3A_545, %swap3A_546] {strides = array<i32>} : memref<32x768xf32, #tpu.memory_space<vmem>>, vector<1x16xf32>,
        %swap3A_548 = vector.shape_cast %swap3A_547 : vector<1x16xf32> to vector<16xf32>
        %swap3A_549 = vector.shape_cast %get3A_544 : vector<16xf32> to vector<1x16xf32>
        tpu.vector_store %arg7[%swap3A_545, %swap3A_546], %swap3A_549 {add = true, strides = array<i32>} : memref<32x768xf32, #tpu.memory_space<vmem>>, vector<1x16xf32>,
        %get3A_550 = arith.index_cast %scan3A_170 : i32 to index
        %get3A_551 = arith.constant 672 : index
        %get3A_552 = tpu.vector_load %arg9[%get3A_550, %get3A_551] {strides = array<i32>} : memref<32x768xf32, #tpu.memory_space<vmem>>, vector<1x16xf32>,
        %get3A_553 = vector.shape_cast %get3A_552 : vector<1x16xf32> to vector<16xf32>
        %swap3A_554 = arith.index_cast %scan3A_170 : i32 to index
        %swap3A_555 = arith.constant 672 : index
        %swap3A_556 = tpu.vector_load %arg7[%swap3A_554, %swap3A_555] {strides = array<i32>} : memref<32x768xf32, #tpu.memory_space<vmem>>, vector<1x16xf32>,
        %swap3A_557 = vector.shape_cast %swap3A_556 : vector<1x16xf32> to vector<16xf32>
        %swap3A_558 = vector.shape_cast %get3A_553 : vector<16xf32> to vector<1x16xf32>
        tpu.vector_store %arg7[%swap3A_554, %swap3A_555], %swap3A_558 {add = true, strides = array<i32>} : memref<32x768xf32, #tpu.memory_space<vmem>>, vector<1x16xf32>,
        %get3A_559 = arith.index_cast %scan3A_170 : i32 to index
        %get3A_560 = arith.constant 688 : index
        %get3A_561 = tpu.vector_load %arg9[%get3A_559, %get3A_560] {strides = array<i32>} : memref<32x768xf32, #tpu.memory_space<vmem>>, vector<1x16xf32>,
        %get3A_562 = vector.shape_cast %get3A_561 : vector<1x16xf32> to vector<16xf32>
        %swap3A_563 = arith.index_cast %scan3A_170 : i32 to index
        %swap3A_564 = arith.constant 688 : index
        %swap3A_565 = tpu.vector_load %arg7[%swap3A_563, %swap3A_564] {strides = array<i32>} : memref<32x768xf32, #tpu.memory_space<vmem>>, vector<1x16xf32>,
        %swap3A_566 = vector.shape_cast %swap3A_565 : vector<1x16xf32> to vector<16xf32>
        %swap3A_567 = vector.shape_cast %get3A_562 : vector<16xf32> to vector<1x16xf32>
        tpu.vector_store %arg7[%swap3A_563, %swap3A_564], %swap3A_567 {add = true, strides = array<i32>} : memref<32x768xf32, #tpu.memory_space<vmem>>, vector<1x16xf32>,
        %get3A_568 = arith.index_cast %scan3A_170 : i32 to index
        %get3A_569 = arith.constant 704 : index
        %get3A_570 = tpu.vector_load %arg9[%get3A_568, %get3A_569] {strides = array<i32>} : memref<32x768xf32, #tpu.memory_space<vmem>>, vector<1x16xf32>,
        %get3A_571 = vector.shape_cast %get3A_570 : vector<1x16xf32> to vector<16xf32>
        %swap3A_572 = arith.index_cast %scan3A_170 : i32 to index
        %swap3A_573 = arith.constant 704 : index
        %swap3A_574 = tpu.vector_load %arg7[%swap3A_572, %swap3A_573] {strides = array<i32>} : memref<32x768xf32, #tpu.memory_space<vmem>>, vector<1x16xf32>,
        %swap3A_575 = vector.shape_cast %swap3A_574 : vector<1x16xf32> to vector<16xf32>
        %swap3A_576 = vector.shape_cast %get3A_571 : vector<16xf32> to vector<1x16xf32>
        tpu.vector_store %arg7[%swap3A_572, %swap3A_573], %swap3A_576 {add = true, strides = array<i32>} : memref<32x768xf32, #tpu.memory_space<vmem>>, vector<1x16xf32>,
        %get3A_577 = arith.index_cast %scan3A_170 : i32 to index
        %get3A_578 = arith.constant 720 : index
        %get3A_579 = tpu.vector_load %arg9[%get3A_577, %get3A_578] {strides = array<i32>} : memref<32x768xf32, #tpu.memory_space<vmem>>, vector<1x16xf32>,
        %get3A_580 = vector.shape_cast %get3A_579 : vector<1x16xf32> to vector<16xf32>
        %swap3A_581 = arith.index_cast %scan3A_170 : i32 to index
        %swap3A_582 = arith.constant 720 : index
        %swap3A_583 = tpu.vector_load %arg7[%swap3A_581, %swap3A_582] {strides = array<i32>} : memref<32x768xf32, #tpu.memory_space<vmem>>, vector<1x16xf32>,
        %swap3A_584 = vector.shape_cast %swap3A_583 : vector<1x16xf32> to vector<16xf32>
        %swap3A_585 = vector.shape_cast %get3A_580 : vector<16xf32> to vector<1x16xf32>
        tpu.vector_store %arg7[%swap3A_581, %swap3A_582], %swap3A_585 {add = true, strides = array<i32>} : memref<32x768xf32, #tpu.memory_space<vmem>>, vector<1x16xf32>,
        %get3A_586 = arith.index_cast %scan3A_170 : i32 to index
        %get3A_587 = arith.constant 736 : index
        %get3A_588 = tpu.vector_load %arg9[%get3A_586, %get3A_587] {strides = array<i32>} : memref<32x768xf32, #tpu.memory_space<vmem>>, vector<1x16xf32>,
        %get3A_589 = vector.shape_cast %get3A_588 : vector<1x16xf32> to vector<16xf32>
        %swap3A_590 = arith.index_cast %scan3A_170 : i32 to index
        %swap3A_591 = arith.constant 736 : index
        %swap3A_592 = tpu.vector_load %arg7[%swap3A_590, %swap3A_591] {strides = array<i32>} : memref<32x768xf32, #tpu.memory_space<vmem>>, vector<1x16xf32>,
        %swap3A_593 = vector.shape_cast %swap3A_592 : vector<1x16xf32> to vector<16xf32>
        %swap3A_594 = vector.shape_cast %get3A_589 : vector<16xf32> to vector<1x16xf32>
        tpu.vector_store %arg7[%swap3A_590, %swap3A_591], %swap3A_594 {add = true, strides = array<i32>} : memref<32x768xf32, #tpu.memory_space<vmem>>, vector<1x16xf32>,
        %get3A_595 = arith.index_cast %scan3A_170 : i32 to index
        %get3A_596 = arith.constant 752 : index
        %get3A_597 = tpu.vector_load %arg9[%get3A_595, %get3A_596] {strides = array<i32>} : memref<32x768xf32, #tpu.memory_space<vmem>>, vector<1x16xf32>,
        %get3A_598 = vector.shape_cast %get3A_597 : vector<1x16xf32> to vector<16xf32>
        %swap3A_599 = arith.index_cast %scan3A_170 : i32 to index
        %swap3A_600 = arith.constant 752 : index
        %swap3A_601 = tpu.vector_load %arg7[%swap3A_599, %swap3A_600] {strides = array<i32>} : memref<32x768xf32, #tpu.memory_space<vmem>>, vector<1x16xf32>,
        %swap3A_602 = vector.shape_cast %swap3A_601 : vector<1x16xf32> to vector<16xf32>
        %swap3A_603 = vector.shape_cast %get3A_598 : vector<16xf32> to vector<1x16xf32>
        tpu.vector_store %arg7[%swap3A_599, %swap3A_600], %swap3A_603 {add = true, strides = array<i32>} : memref<32x768xf32, #tpu.memory_space<vmem>>, vector<1x16xf32>,
        %scan3A_604 = arith.constant 0 : i32
        scf.yield %scan3A_604 : i32
      }
      %scan3A_111 = arith.constant 32 : i32
      %mul3A_112 = arith.constant 32 : i32
      %mul3A_113 = arith.muli %add3A_71, %mul3A_112 : i32
      %add3A_114 = arith.addi %mul3A_2, %mul3A_113 : i32
      %dma_start3A_115 = arith.constant 0 : i32
      %dma_start3A_116 = tpu.memref_slice %arg6[%add3A_114, %dma_start3A_115] : memref<524288x768xf32, #tpu.memory_space<hbm>> -> memref<32x768xf32, #tpu.memory_space<hbm>>
      %dma_start3A_117 = arith.constant 0 : i32
      %dma_start3A_118 = tpu.memref_slice %arg6[%add3A_114, %dma_start3A_117] : memref<524288x768xf32, #tpu.memory_space<hbm>> -> memref<32x768xf32, #tpu.memory_space<hbm>>
      tpu.enqueue_dma source(%arg7 : memref<32x768xf32, #tpu.memory_space<vmem>>) target(%dma_start3A_118 : memref<32x768xf32, #tpu.memory_space<hbm>>) target_semaphore(%arg20 : memref<!tpu.dma_semaphore, #tpu.memory_space<semaphore_mem>>)
      %add3A_119 = arith.constant 1 : i32
      %add3A_120 = arith.addi %mul3A_69, %add3A_119 : i32
      %ge3A_121 = arith.constant 1 : i32
      %ge3A_122 = arith.cmpi sge, %add3A_120, %ge3A_121 : i32
      %convert_element_type3A_123 = arith.extui %ge3A_122 : i1 to i32
      %cond3A_124 = arith.constant 0 : i32
      %cond3A_125 = arith.cmpi ne, %convert_element_type3A_123, %cond3A_124 : i32
      scf.if %cond3A_125 {
        %dma_wait3A_170 = arith.constant 0 : i32
        %dma_wait3A_171 = tpu.memref_slice %arg6[%mul3A_2, %dma_wait3A_170] : memref<524288x768xf32, #tpu.memory_space<hbm>> -> memref<32x768xf32, #tpu.memory_space<hbm>>
        %dma_wait3A_172 = arith.constant 0 : i32
        %dma_wait3A_173 = tpu.memref_slice %arg6[%mul3A_2, %dma_wait3A_172] : memref<524288x768xf32, #tpu.memory_space<hbm>> -> memref<32x768xf32, #tpu.memory_space<hbm>>
        tpu.wait_dma2 semaphore(%arg20 : memref<!tpu.dma_semaphore, #tpu.memory_space<semaphore_mem>>) src(%arg7 : memref<32x768xf32, #tpu.memory_space<vmem>>) dst(%dma_wait3A_173 : memref<32x768xf32, #tpu.memory_space<hbm>>)
      } else {
      }
      %add3A_126 = arith.constant 1 : i32
      %add3A_127 = arith.addi %add3A_120, %add3A_126 : i32
      %lt3A_128 = arith.constant 512 : i32
      %lt3A_129 = arith.cmpi slt, %add3A_127, %lt3A_128 : i32
      %convert_element_type3A_130 = arith.extui %lt3A_129 : i1 to i32
      %cond3A_131 = arith.constant 0 : i32
      %cond3A_132 = arith.cmpi ne, %convert_element_type3A_130, %cond3A_131 : i32
      scf.if %cond3A_132 {
        %add3A_170 = arith.constant 1 : i32
        %add3A_171 = arith.addi %add3A_120, %add3A_170 : i32
        %div3A_172 = arith.constant 32 : i32
        %div3A_173 = arith.divsi %add3A_171, %div3A_172 : i32
        %rem3A_174 = arith.constant 32 : i32
        %rem3A_175 = arith.remsi %add3A_171, %rem3A_174 : i32
        %mul3A_176 = arith.constant 32 : i32
        %mul3A_177 = arith.muli %rem3A_175, %mul3A_176 : i32
        %rem3A_178 = arith.constant 2 : i32
        %rem3A_179 = arith.remsi %div3A_173, %rem3A_178 : i32
        %eq3A_180 = arith.constant 0 : i32
        %eq3A_181 = arith.cmpi eq, %rem3A_179, %eq3A_180 : i32
        %convert_element_type3A_182 = arith.extui %eq3A_181 : i1 to i32
        %cond3A_183 = arith.constant 0 : i32
        %cond3A_184 = arith.cmpi ne, %convert_element_type3A_182, %cond3A_183 : i32
        scf.if %cond3A_184 {
          %eq3A_235 = arith.constant 0 : i32
          %eq3A_236 = arith.cmpi eq, %mul3A_177, %eq3A_235 : i32
          %convert_element_type3A_237 = arith.extui %eq3A_236 : i1 to i32
          %cond3A_238 = arith.constant 0 : i32
          %cond3A_239 = arith.cmpi ne, %convert_element_type3A_237, %cond3A_238 : i32
          scf.if %cond3A_239 {
            %mul3A_244 = arith.constant 1024 : i32
            %mul3A_245 = arith.muli %div3A_173, %mul3A_244 : i32
            %add3A_246 = arith.addi %mul3A_2, %mul3A_245 : i32
            "tpu.region"() ({
              %run_scoped3A = tpu.sem_alloc : memref<!tpu.dma_semaphore, #tpu.memory_space<semaphore_mem>>
              %dma_start3A_250 = tpu.memref_slice %arg2[%add3A_246] : memref<524288xi32, #tpu.memory_space<hbm>> -> memref<1024xi32, #tpu.memory_space<hbm>>
              %dma_start3A_251 = tpu.memref_slice %arg2[%add3A_246] : memref<524288xi32, #tpu.memory_space<hbm>> -> memref<1024xi32, #tpu.memory_space<hbm>>
              tpu.enqueue_dma source(%dma_start3A_251 : memref<1024xi32, #tpu.memory_space<hbm>>) target(%arg13 : memref<1024xi32, #tpu.memory_space<vmem>>) target_semaphore(%run_scoped3A : memref<!tpu.dma_semaphore, #tpu.memory_space<semaphore_mem>>)
              %dma_wait3A_252 = tpu.memref_slice %arg2[%add3A_246] : memref<524288xi32, #tpu.memory_space<hbm>> -> memref<1024xi32, #tpu.memory_space<hbm>>
              %dma_wait3A_253 = tpu.memref_slice %arg2[%add3A_246] : memref<524288xi32, #tpu.memory_space<hbm>> -> memref<1024xi32, #tpu.memory_space<hbm>>
              tpu.wait_dma2 semaphore(%run_scoped3A : memref<!tpu.dma_semaphore, #tpu.memory_space<semaphore_mem>>) src(%dma_wait3A_253 : memref<1024xi32, #tpu.memory_space<hbm>>) dst(%arg13 : memref<1024xi32, #tpu.memory_space<vmem>>)
              tpu.yield
            }) : () -> ()
            %mul3A_247 = arith.constant 1024 : i32
            %mul3A_248 = arith.muli %div3A_173, %mul3A_247 : i32
            %add3A_249 = arith.addi %mul3A_2, %mul3A_248 : i32
            "tpu.region"() ({
              %run_scoped3A = tpu.sem_alloc : memref<!tpu.dma_semaphore, #tpu.memory_space<semaphore_mem>>
              %dma_start3A_250 = tpu.memref_slice %arg3[%add3A_249] : memref<524288xi32, #tpu.memory_space<hbm>> -> memref<1024xi32, #tpu.memory_space<hbm>>
              %dma_start3A_251 = tpu.memref_slice %arg3[%add3A_249] : memref<524288xi32, #tpu.memory_space<hbm>> -> memref<1024xi32, #tpu.memory_space<hbm>>
              tpu.enqueue_dma source(%dma_start3A_251 : memref<1024xi32, #tpu.memory_space<hbm>>) target(%arg15 : memref<1024xi32, #tpu.memory_space<vmem>>) target_semaphore(%run_scoped3A : memref<!tpu.dma_semaphore, #tpu.memory_space<semaphore_mem>>)
              %dma_wait3A_252 = tpu.memref_slice %arg3[%add3A_249] : memref<524288xi32, #tpu.memory_space<hbm>> -> memref<1024xi32, #tpu.memory_space<hbm>>
              %dma_wait3A_253 = tpu.memref_slice %arg3[%add3A_249] : memref<524288xi32, #tpu.memory_space<hbm>> -> memref<1024xi32, #tpu.memory_space<hbm>>
              tpu.wait_dma2 semaphore(%run_scoped3A : memref<!tpu.dma_semaphore, #tpu.memory_space<semaphore_mem>>) src(%dma_wait3A_253 : memref<1024xi32, #tpu.memory_space<hbm>>) dst(%arg15 : memref<1024xi32, #tpu.memory_space<vmem>>)
              tpu.yield
            }) : () -> ()
          } else {
          }
          %dma_start3A_240 = tpu.memref_slice %arg13[%mul3A_177] : memref<1024xi32, #tpu.memory_space<vmem>> -> memref<32xi32, #tpu.memory_space<vmem>>
          %dma_start3A_241 = arith.constant 0 : i32
          %dma_start3A_242 = arith.constant 0 : i32
          %dma_start3A_243 = tpu.memref_slice %arg4[%dma_start3A_241, %dma_start3A_242] : memref<100000x768xf32, #tpu.memory_space<hbm>> -> memref<100000x768xf32, #tpu.memory_space<hbm>>
          tpu.enqueue_indirect_dma source(%dma_start3A_243 : memref<100000x768xf32, #tpu.memory_space<hbm>>) target(%arg7 : memref<32x768xf32, #tpu.memory_space<vmem>>) offsets(%dma_start3A_240 : memref<32xi32, #tpu.memory_space<vmem>>) semaphore(%arg16 : memref<!tpu.dma_semaphore, #tpu.memory_space<semaphore_mem>>)
        } else {
        }
        %rem3A_185 = arith.constant 2 : i32
        %rem3A_186 = arith.remsi %div3A_173, %rem3A_185 : i32
        %eq3A_187 = arith.constant 1 : i32
        %eq3A_188 = arith.cmpi eq, %rem3A_186, %eq3A_187 : i32
        %convert_element_type3A_189 = arith.extui %eq3A_188 : i1 to i32
        %cond3A_190 = arith.constant 0 : i32
        %cond3A_191 = arith.cmpi ne, %convert_element_type3A_189, %cond3A_190 : i32
        scf.if %cond3A_191 {
          %eq3A_235 = arith.constant 0 : i32
          %eq3A_236 = arith.cmpi eq, %mul3A_177, %eq3A_235 : i32
          %convert_element_type3A_237 = arith.extui %eq3A_236 : i1 to i32
          %cond3A_238 = arith.constant 0 : i32
          %cond3A_239 = arith.cmpi ne, %convert_element_type3A_237, %cond3A_238 : i32
          scf.if %cond3A_239 {
            %mul3A_244 = arith.constant 1024 : i32
            %mul3A_245 = arith.muli %div3A_173, %mul3A_244 : i32
            %add3A_246 = arith.addi %mul3A_2, %mul3A_245 : i32
            "tpu.region"() ({
              %run_scoped3A = tpu.sem_alloc : memref<!tpu.dma_semaphore, #tpu.memory_space<semaphore_mem>>
              %dma_start3A_250 = tpu.memref_slice %arg2[%add3A_246] : memref<524288xi32, #tpu.memory_space<hbm>> -> memref<1024xi32, #tpu.memory_space<hbm>>
              %dma_start3A_251 = tpu.memref_slice %arg2[%add3A_246] : memref<524288xi32, #tpu.memory_space<hbm>> -> memref<1024xi32, #tpu.memory_space<hbm>>
              tpu.enqueue_dma source(%dma_start3A_251 : memref<1024xi32, #tpu.memory_space<hbm>>) target(%arg14 : memref<1024xi32, #tpu.memory_space<vmem>>) target_semaphore(%run_scoped3A : memref<!tpu.dma_semaphore, #tpu.memory_space<semaphore_mem>>)
              %dma_wait3A_252 = tpu.memref_slice %arg2[%add3A_246] : memref<524288xi32, #tpu.memory_space<hbm>> -> memref<1024xi32, #tpu.memory_space<hbm>>
              %dma_wait3A_253 = tpu.memref_slice %arg2[%add3A_246] : memref<524288xi32, #tpu.memory_space<hbm>> -> memref<1024xi32, #tpu.memory_space<hbm>>
              tpu.wait_dma2 semaphore(%run_scoped3A : memref<!tpu.dma_semaphore, #tpu.memory_space<semaphore_mem>>) src(%dma_wait3A_253 : memref<1024xi32, #tpu.memory_space<hbm>>) dst(%arg14 : memref<1024xi32, #tpu.memory_space<vmem>>)
              tpu.yield
            }) : () -> ()
            %mul3A_247 = arith.constant 1024 : i32
            %mul3A_248 = arith.muli %div3A_173, %mul3A_247 : i32
            %add3A_249 = arith.addi %mul3A_2, %mul3A_248 : i32
            "tpu.region"() ({
              %run_scoped3A = tpu.sem_alloc : memref<!tpu.dma_semaphore, #tpu.memory_space<semaphore_mem>>
              %dma_start3A_250 = tpu.memref_slice %arg3[%add3A_249] : memref<524288xi32, #tpu.memory_space<hbm>> -> memref<1024xi32, #tpu.memory_space<hbm>>
              %dma_start3A_251 = tpu.memref_slice %arg3[%add3A_249] : memref<524288xi32, #tpu.memory_space<hbm>> -> memref<1024xi32, #tpu.memory_space<hbm>>
              tpu.enqueue_dma source(%dma_start3A_251 : memref<1024xi32, #tpu.memory_space<hbm>>) target(%arg15 : memref<1024xi32, #tpu.memory_space<vmem>>) target_semaphore(%run_scoped3A : memref<!tpu.dma_semaphore, #tpu.memory_space<semaphore_mem>>)
              %dma_wait3A_252 = tpu.memref_slice %arg3[%add3A_249] : memref<524288xi32, #tpu.memory_space<hbm>> -> memref<1024xi32, #tpu.memory_space<hbm>>
              %dma_wait3A_253 = tpu.memref_slice %arg3[%add3A_249] : memref<524288xi32, #tpu.memory_space<hbm>> -> memref<1024xi32, #tpu.memory_space<hbm>>
              tpu.wait_dma2 semaphore(%run_scoped3A : memref<!tpu.dma_semaphore, #tpu.memory_space<semaphore_mem>>) src(%dma_wait3A_253 : memref<1024xi32, #tpu.memory_space<hbm>>) dst(%arg15 : memref<1024xi32, #tpu.memory_space<vmem>>)
              tpu.yield
            }) : () -> ()
          } else {
          }
          %dma_start3A_240 = tpu.memref_slice %arg14[%mul3A_177] : memref<1024xi32, #tpu.memory_space<vmem>> -> memref<32xi32, #tpu.memory_space<vmem>>
          %dma_start3A_241 = arith.constant 0 : i32
          %dma_start3A_242 = arith.constant 0 : i32
          %dma_start3A_243 = tpu.memref_slice %arg4[%dma_start3A_241, %dma_start3A_242] : memref<100000x768xf32, #tpu.memory_space<hbm>> -> memref<100000x768xf32, #tpu.memory_space<hbm>>
          tpu.enqueue_indirect_dma source(%dma_start3A_243 : memref<100000x768xf32, #tpu.memory_space<hbm>>) target(%arg7 : memref<32x768xf32, #tpu.memory_space<vmem>>) offsets(%dma_start3A_240 : memref<32xi32, #tpu.memory_space<vmem>>) semaphore(%arg16 : memref<!tpu.dma_semaphore, #tpu.memory_space<semaphore_mem>>)
        } else {
        }
        %mul3A_192 = arith.constant 32 : i32
        %mul3A_193 = arith.muli %add3A_171, %mul3A_192 : i32
        %rem3A_194 = arith.constant 512 : i32
        %rem3A_195 = arith.remsi %mul3A_193, %rem3A_194 : i32
        %add3A_196 = arith.constant 0 : i32
        %add3A_197 = arith.addi %mul3A_177, %add3A_196 : i32
        %get3A_198 = arith.index_cast %add3A_197 : i32 to index
        %get3A_199 = tpu.vector_load %arg15[%get3A_198] {strides = array<i32>} : memref<1024xi32, #tpu.memory_space<vmem>>, vector<16xi32>,
        %get3A_200 = vector.shape_cast %get3A_199 : vector<16xi32> to vector<16xi32>
        %mul3A_201 = arith.constant 512 : i32
        %mul3A_202 = vector.broadcast %mul3A_201 : i32 to vector<16xi32>
        %mul3A_203 = arith.muli %get3A_200, %mul3A_202 : vector<16xi32>
        %add3A_204 = arith.constant 0 : i32
        %add3A_205 = vector.broadcast %add3A_204 : i32 to vector<16xi32>
        %add3A_206 = arith.addi %iota3A, %add3A_205 : vector<16xi32>
        %add3A_207 = arith.addi %mul3A_203, %add3A_206 : vector<16xi32>
        %add3A_208 = vector.broadcast %rem3A_195 : i32 to vector<16xi32>
        %add3A_209 = arith.addi %add3A_207, %add3A_208 : vector<16xi32>
        %swap3A_210 = arith.constant 0 : index
        %swap3A_211 = tpu.vector_load %arg11[%swap3A_210] {strides = array<i32>} : memref<32xi32, #tpu.memory_space<vmem>>, vector<16xi32>,
        %swap3A_212 = vector.shape_cast %swap3A_211 : vector<16xi32> to vector<16xi32>
        %swap3A_213 = vector.shape_cast %add3A_209 : vector<16xi32> to vector<16xi32>
        tpu.vector_store %arg11[%swap3A_210], %swap3A_213 {strides = array<i32>} : memref<32xi32, #tpu.memory_space<vmem>>, vector<16xi32>,
        %add3A_214 = arith.constant 16 : i32
        %add3A_215 = arith.addi %mul3A_177, %add3A_214 : i32
        %get3A_216 = arith.index_cast %add3A_215 : i32 to index
        %get3A_217 = tpu.vector_load %arg15[%get3A_216] {strides = array<i32>} : memref<1024xi32, #tpu.memory_space<vmem>>, vector<16xi32>,
        %get3A_218 = vector.shape_cast %get3A_217 : vector<16xi32> to vector<16xi32>
        %mul3A_219 = arith.constant 512 : i32
        %mul3A_220 = vector.broadcast %mul3A_219 : i32 to vector<16xi32>
        %mul3A_221 = arith.muli %get3A_218, %mul3A_220 : vector<16xi32>
        %add3A_222 = arith.constant 16 : i32
        %add3A_223 = vector.broadcast %add3A_222 : i32 to vector<16xi32>
        %add3A_224 = arith.addi %iota3A, %add3A_223 : vector<16xi32>
        %add3A_225 = arith.addi %mul3A_221, %add3A_224 : vector<16xi32>
        %add3A_226 = vector.broadcast %rem3A_195 : i32 to vector<16xi32>
        %add3A_227 = arith.addi %add3A_225, %add3A_226 : vector<16xi32>
        %swap3A_228 = arith.constant 16 : index
        %swap3A_229 = tpu.vector_load %arg11[%swap3A_228] {strides = array<i32>} : memref<32xi32, #tpu.memory_space<vmem>>, vector<16xi32>,
        %swap3A_230 = vector.shape_cast %swap3A_229 : vector<16xi32> to vector<16xi32>
        %swap3A_231 = vector.shape_cast %add3A_227 : vector<16xi32> to vector<16xi32>
        tpu.vector_store %arg11[%swap3A_228], %swap3A_231 {strides = array<i32>} : memref<32xi32, #tpu.memory_space<vmem>>, vector<16xi32>,
        %dma_start3A_232 = arith.constant 0 : i32
        %dma_start3A_233 = arith.constant 0 : i32
        %dma_start3A_234 = tpu.memref_slice %arg5[%dma_start3A_232, %dma_start3A_233] : memref<1024x768xf32, #tpu.memory_space<hbm>> -> memref<1024x768xf32, #tpu.memory_space<hbm>>
        tpu.enqueue_indirect_dma source(%dma_start3A_234 : memref<1024x768xf32, #tpu.memory_space<hbm>>) target(%arg9 : memref<32x768xf32, #tpu.memory_space<vmem>>) offsets(%arg11 : memref<32xi32, #tpu.memory_space<vmem>>) semaphore(%arg18 : memref<!tpu.dma_semaphore, #tpu.memory_space<semaphore_mem>>)
      } else {
      }
      %div3A_133 = arith.constant 32 : i32
      %div3A_134 = arith.divsi %add3A_120, %div3A_133 : i32
      %rem3A_135 = arith.constant 32 : i32
      %rem3A_136 = arith.remsi %add3A_120, %rem3A_135 : i32
      %mul3A_137 = arith.constant 32 : i32
      %mul3A_138 = arith.muli %rem3A_136, %mul3A_137 : i32
      %rem3A_139 = arith.constant 2 : i32
      %rem3A_140 = arith.remsi %div3A_134, %rem3A_139 : i32
      %eq3A_141 = arith.constant 0 : i32
      %eq3A_142 = arith.cmpi eq, %rem3A_140, %eq3A_141 : i32
      %convert_element_type3A_143 = arith.extui %eq3A_142 : i1 to i32
      %cond3A_144 = arith.constant 0 : i32
      %cond3A_145 = arith.cmpi ne, %convert_element_type3A_143, %cond3A_144 : i32
      scf.if %cond3A_145 {
        %dma_wait3A_170 = tpu.memref_slice %arg13[%mul3A_138] : memref<1024xi32, #tpu.memory_space<vmem>> -> memref<32xi32, #tpu.memory_space<vmem>>
        %dma_wait3A_171 = arith.constant 0 : i32
        %dma_wait3A_172 = arith.constant 0 : i32
        %dma_wait3A_173 = tpu.memref_slice %arg4[%dma_wait3A_171, %dma_wait3A_172] : memref<100000x768xf32, #tpu.memory_space<hbm>> -> memref<100000x768xf32, #tpu.memory_space<hbm>>
        tpu.wait_indirect_dma semaphore(%arg17 : memref<!tpu.dma_semaphore, #tpu.memory_space<semaphore_mem>>) src(%dma_wait3A_173 : memref<100000x768xf32, #tpu.memory_space<hbm>>) dst(%arg8 : memref<32x768xf32, #tpu.memory_space<vmem>>)
      } else {
      }
      %rem3A_146 = arith.constant 2 : i32
      %rem3A_147 = arith.remsi %div3A_134, %rem3A_146 : i32
      %eq3A_148 = arith.constant 1 : i32
      %eq3A_149 = arith.cmpi eq, %rem3A_147, %eq3A_148 : i32
      %convert_element_type3A_150 = arith.extui %eq3A_149 : i1 to i32
      %cond3A_151 = arith.constant 0 : i32
      %cond3A_152 = arith.cmpi ne, %convert_element_type3A_150, %cond3A_151 : i32
      scf.if %cond3A_152 {
        %dma_wait3A_170 = tpu.memref_slice %arg14[%mul3A_138] : memref<1024xi32, #tpu.memory_space<vmem>> -> memref<32xi32, #tpu.memory_space<vmem>>
        %dma_wait3A_171 = arith.constant 0 : i32
        %dma_wait3A_172 = arith.constant 0 : i32
        %dma_wait3A_173 = tpu.memref_slice %arg4[%dma_wait3A_171, %dma_wait3A_172] : memref<100000x768xf32, #tpu.memory_space<hbm>> -> memref<100000x768xf32, #tpu.memory_space<hbm>>
        tpu.wait_indirect_dma semaphore(%arg17 : memref<!tpu.dma_semaphore, #tpu.memory_space<semaphore_mem>>) src(%dma_wait3A_173 : memref<100000x768xf32, #tpu.memory_space<hbm>>) dst(%arg8 : memref<32x768xf32, #tpu.memory_space<vmem>>)
      } else {
      }
      %dma_wait3A_153 = arith.constant 0 : i32
      %dma_wait3A_154 = arith.constant 0 : i32
      %dma_wait3A_155 = tpu.memref_slice %arg5[%dma_wait3A_153, %dma_wait3A_154] : memref<1024x768xf32, #tpu.memory_space<hbm>> -> memref<1024x768xf32, #tpu.memory_space<hbm>>
      tpu.wait_indirect_dma semaphore(%arg19 : memref<!tpu.dma_semaphore, #tpu.memory_space<semaphore_mem>>) src(%dma_wait3A_155 : memref<1024x768xf32, #tpu.memory_space<hbm>>) dst(%arg10 : memref<32x768xf32, #tpu.memory_space<vmem>>)
      %scan3A_156 = arith.constant 0 : i32
      %scan3A_157 = arith.constant 0 : i32
      %scan3A_158 = arith.constant 32 : i32
      %scan3A_159 = arith.addi %scan3A_157, %scan3A_158 : i32
      %scan3A_160 = arith.constant 1 : i32
      %scan3A_161 = scf.for %scan3A_170 = %scan3A_157 to %scan3A_159 step %scan3A_160 iter_args(%scan3A_171 = %scan3A_156) -> (i32)  : i32 {
        %get3A_172 = arith.index_cast %scan3A_170 : i32 to index
        %get3A_173 = arith.constant 0 : index
        %get3A_174 = tpu.vector_load %arg10[%get3A_172, %get3A_173] {strides = array<i32>} : memref<32x768xf32, #tpu.memory_space<vmem>>, vector<1x16xf32>,
        %get3A_175 = vector.shape_cast %get3A_174 : vector<1x16xf32> to vector<16xf32>
        %swap3A_176 = arith.index_cast %scan3A_170 : i32 to index
        %swap3A_177 = arith.constant 0 : index
        %swap3A_178 = tpu.vector_load %arg8[%swap3A_176, %swap3A_177] {strides = array<i32>} : memref<32x768xf32, #tpu.memory_space<vmem>>, vector<1x16xf32>,
        %swap3A_179 = vector.shape_cast %swap3A_178 : vector<1x16xf32> to vector<16xf32>
        %swap3A_180 = vector.shape_cast %get3A_175 : vector<16xf32> to vector<1x16xf32>
        tpu.vector_store %arg8[%swap3A_176, %swap3A_177], %swap3A_180 {add = true, strides = array<i32>} : memref<32x768xf32, #tpu.memory_space<vmem>>, vector<1x16xf32>,
        %get3A_181 = arith.index_cast %scan3A_170 : i32 to index
        %get3A_182 = arith.constant 16 : index
        %get3A_183 = tpu.vector_load %arg10[%get3A_181, %get3A_182] {strides = array<i32>} : memref<32x768xf32, #tpu.memory_space<vmem>>, vector<1x16xf32>,
        %get3A_184 = vector.shape_cast %get3A_183 : vector<1x16xf32> to vector<16xf32>
        %swap3A_185 = arith.index_cast %scan3A_170 : i32 to index
        %swap3A_186 = arith.constant 16 : index
        %swap3A_187 = tpu.vector_load %arg8[%swap3A_185, %swap3A_186] {strides = array<i32>} : memref<32x768xf32, #tpu.memory_space<vmem>>, vector<1x16xf32>,
        %swap3A_188 = vector.shape_cast %swap3A_187 : vector<1x16xf32> to vector<16xf32>
        %swap3A_189 = vector.shape_cast %get3A_184 : vector<16xf32> to vector<1x16xf32>
        tpu.vector_store %arg8[%swap3A_185, %swap3A_186], %swap3A_189 {add = true, strides = array<i32>} : memref<32x768xf32, #tpu.memory_space<vmem>>, vector<1x16xf32>,
        %get3A_190 = arith.index_cast %scan3A_170 : i32 to index
        %get3A_191 = arith.constant 32 : index
        %get3A_192 = tpu.vector_load %arg10[%get3A_190, %get3A_191] {strides = array<i32>} : memref<32x768xf32, #tpu.memory_space<vmem>>, vector<1x16xf32>,
        %get3A_193 = vector.shape_cast %get3A_192 : vector<1x16xf32> to vector<16xf32>
        %swap3A_194 = arith.index_cast %scan3A_170 : i32 to index
        %swap3A_195 = arith.constant 32 : index
        %swap3A_196 = tpu.vector_load %arg8[%swap3A_194, %swap3A_195] {strides = array<i32>} : memref<32x768xf32, #tpu.memory_space<vmem>>, vector<1x16xf32>,
        %swap3A_197 = vector.shape_cast %swap3A_196 : vector<1x16xf32> to vector<16xf32>
        %swap3A_198 = vector.shape_cast %get3A_193 : vector<16xf32> to vector<1x16xf32>
        tpu.vector_store %arg8[%swap3A_194, %swap3A_195], %swap3A_198 {add = true, strides = array<i32>} : memref<32x768xf32, #tpu.memory_space<vmem>>, vector<1x16xf32>,
        %get3A_199 = arith.index_cast %scan3A_170 : i32 to index
        %get3A_200 = arith.constant 48 : index
        %get3A_201 = tpu.vector_load %arg10[%get3A_199, %get3A_200] {strides = array<i32>} : memref<32x768xf32, #tpu.memory_space<vmem>>, vector<1x16xf32>,
        %get3A_202 = vector.shape_cast %get3A_201 : vector<1x16xf32> to vector<16xf32>
        %swap3A_203 = arith.index_cast %scan3A_170 : i32 to index
        %swap3A_204 = arith.constant 48 : index
        %swap3A_205 = tpu.vector_load %arg8[%swap3A_203, %swap3A_204] {strides = array<i32>} : memref<32x768xf32, #tpu.memory_space<vmem>>, vector<1x16xf32>,
        %swap3A_206 = vector.shape_cast %swap3A_205 : vector<1x16xf32> to vector<16xf32>
        %swap3A_207 = vector.shape_cast %get3A_202 : vector<16xf32> to vector<1x16xf32>
        tpu.vector_store %arg8[%swap3A_203, %swap3A_204], %swap3A_207 {add = true, strides = array<i32>} : memref<32x768xf32, #tpu.memory_space<vmem>>, vector<1x16xf32>,
        %get3A_208 = arith.index_cast %scan3A_170 : i32 to index
        %get3A_209 = arith.constant 64 : index
        %get3A_210 = tpu.vector_load %arg10[%get3A_208, %get3A_209] {strides = array<i32>} : memref<32x768xf32, #tpu.memory_space<vmem>>, vector<1x16xf32>,
        %get3A_211 = vector.shape_cast %get3A_210 : vector<1x16xf32> to vector<16xf32>
        %swap3A_212 = arith.index_cast %scan3A_170 : i32 to index
        %swap3A_213 = arith.constant 64 : index
        %swap3A_214 = tpu.vector_load %arg8[%swap3A_212, %swap3A_213] {strides = array<i32>} : memref<32x768xf32, #tpu.memory_space<vmem>>, vector<1x16xf32>,
        %swap3A_215 = vector.shape_cast %swap3A_214 : vector<1x16xf32> to vector<16xf32>
        %swap3A_216 = vector.shape_cast %get3A_211 : vector<16xf32> to vector<1x16xf32>
        tpu.vector_store %arg8[%swap3A_212, %swap3A_213], %swap3A_216 {add = true, strides = array<i32>} : memref<32x768xf32, #tpu.memory_space<vmem>>, vector<1x16xf32>,
        %get3A_217 = arith.index_cast %scan3A_170 : i32 to index
        %get3A_218 = arith.constant 80 : index
        %get3A_219 = tpu.vector_load %arg10[%get3A_217, %get3A_218] {strides = array<i32>} : memref<32x768xf32, #tpu.memory_space<vmem>>, vector<1x16xf32>,
        %get3A_220 = vector.shape_cast %get3A_219 : vector<1x16xf32> to vector<16xf32>
        %swap3A_221 = arith.index_cast %scan3A_170 : i32 to index
        %swap3A_222 = arith.constant 80 : index
        %swap3A_223 = tpu.vector_load %arg8[%swap3A_221, %swap3A_222] {strides = array<i32>} : memref<32x768xf32, #tpu.memory_space<vmem>>, vector<1x16xf32>,
        %swap3A_224 = vector.shape_cast %swap3A_223 : vector<1x16xf32> to vector<16xf32>
        %swap3A_225 = vector.shape_cast %get3A_220 : vector<16xf32> to vector<1x16xf32>
        tpu.vector_store %arg8[%swap3A_221, %swap3A_222], %swap3A_225 {add = true, strides = array<i32>} : memref<32x768xf32, #tpu.memory_space<vmem>>, vector<1x16xf32>,
        %get3A_226 = arith.index_cast %scan3A_170 : i32 to index
        %get3A_227 = arith.constant 96 : index
        %get3A_228 = tpu.vector_load %arg10[%get3A_226, %get3A_227] {strides = array<i32>} : memref<32x768xf32, #tpu.memory_space<vmem>>, vector<1x16xf32>,
        %get3A_229 = vector.shape_cast %get3A_228 : vector<1x16xf32> to vector<16xf32>
        %swap3A_230 = arith.index_cast %scan3A_170 : i32 to index
        %swap3A_231 = arith.constant 96 : index
        %swap3A_232 = tpu.vector_load %arg8[%swap3A_230, %swap3A_231] {strides = array<i32>} : memref<32x768xf32, #tpu.memory_space<vmem>>, vector<1x16xf32>,
        %swap3A_233 = vector.shape_cast %swap3A_232 : vector<1x16xf32> to vector<16xf32>
        %swap3A_234 = vector.shape_cast %get3A_229 : vector<16xf32> to vector<1x16xf32>
        tpu.vector_store %arg8[%swap3A_230, %swap3A_231], %swap3A_234 {add = true, strides = array<i32>} : memref<32x768xf32, #tpu.memory_space<vmem>>, vector<1x16xf32>,
        %get3A_235 = arith.index_cast %scan3A_170 : i32 to index
        %get3A_236 = arith.constant 112 : index
        %get3A_237 = tpu.vector_load %arg10[%get3A_235, %get3A_236] {strides = array<i32>} : memref<32x768xf32, #tpu.memory_space<vmem>>, vector<1x16xf32>,
        %get3A_238 = vector.shape_cast %get3A_237 : vector<1x16xf32> to vector<16xf32>
        %swap3A_239 = arith.index_cast %scan3A_170 : i32 to index
        %swap3A_240 = arith.constant 112 : index
        %swap3A_241 = tpu.vector_load %arg8[%swap3A_239, %swap3A_240] {strides = array<i32>} : memref<32x768xf32, #tpu.memory_space<vmem>>, vector<1x16xf32>,
        %swap3A_242 = vector.shape_cast %swap3A_241 : vector<1x16xf32> to vector<16xf32>
        %swap3A_243 = vector.shape_cast %get3A_238 : vector<16xf32> to vector<1x16xf32>
        tpu.vector_store %arg8[%swap3A_239, %swap3A_240], %swap3A_243 {add = true, strides = array<i32>} : memref<32x768xf32, #tpu.memory_space<vmem>>, vector<1x16xf32>,
        %get3A_244 = arith.index_cast %scan3A_170 : i32 to index
        %get3A_245 = arith.constant 128 : index
        %get3A_246 = tpu.vector_load %arg10[%get3A_244, %get3A_245] {strides = array<i32>} : memref<32x768xf32, #tpu.memory_space<vmem>>, vector<1x16xf32>,
        %get3A_247 = vector.shape_cast %get3A_246 : vector<1x16xf32> to vector<16xf32>
        %swap3A_248 = arith.index_cast %scan3A_170 : i32 to index
        %swap3A_249 = arith.constant 128 : index
        %swap3A_250 = tpu.vector_load %arg8[%swap3A_248, %swap3A_249] {strides = array<i32>} : memref<32x768xf32, #tpu.memory_space<vmem>>, vector<1x16xf32>,
        %swap3A_251 = vector.shape_cast %swap3A_250 : vector<1x16xf32> to vector<16xf32>
        %swap3A_252 = vector.shape_cast %get3A_247 : vector<16xf32> to vector<1x16xf32>
        tpu.vector_store %arg8[%swap3A_248, %swap3A_249], %swap3A_252 {add = true, strides = array<i32>} : memref<32x768xf32, #tpu.memory_space<vmem>>, vector<1x16xf32>,
        %get3A_253 = arith.index_cast %scan3A_170 : i32 to index
        %get3A_254 = arith.constant 144 : index
        %get3A_255 = tpu.vector_load %arg10[%get3A_253, %get3A_254] {strides = array<i32>} : memref<32x768xf32, #tpu.memory_space<vmem>>, vector<1x16xf32>,
        %get3A_256 = vector.shape_cast %get3A_255 : vector<1x16xf32> to vector<16xf32>
        %swap3A_257 = arith.index_cast %scan3A_170 : i32 to index
        %swap3A_258 = arith.constant 144 : index
        %swap3A_259 = tpu.vector_load %arg8[%swap3A_257, %swap3A_258] {strides = array<i32>} : memref<32x768xf32, #tpu.memory_space<vmem>>, vector<1x16xf32>,
        %swap3A_260 = vector.shape_cast %swap3A_259 : vector<1x16xf32> to vector<16xf32>
        %swap3A_261 = vector.shape_cast %get3A_256 : vector<16xf32> to vector<1x16xf32>
        tpu.vector_store %arg8[%swap3A_257, %swap3A_258], %swap3A_261 {add = true, strides = array<i32>} : memref<32x768xf32, #tpu.memory_space<vmem>>, vector<1x16xf32>,
        %get3A_262 = arith.index_cast %scan3A_170 : i32 to index
        %get3A_263 = arith.constant 160 : index
        %get3A_264 = tpu.vector_load %arg10[%get3A_262, %get3A_263] {strides = array<i32>} : memref<32x768xf32, #tpu.memory_space<vmem>>, vector<1x16xf32>,
        %get3A_265 = vector.shape_cast %get3A_264 : vector<1x16xf32> to vector<16xf32>
        %swap3A_266 = arith.index_cast %scan3A_170 : i32 to index
        %swap3A_267 = arith.constant 160 : index
        %swap3A_268 = tpu.vector_load %arg8[%swap3A_266, %swap3A_267] {strides = array<i32>} : memref<32x768xf32, #tpu.memory_space<vmem>>, vector<1x16xf32>,
        %swap3A_269 = vector.shape_cast %swap3A_268 : vector<1x16xf32> to vector<16xf32>
        %swap3A_270 = vector.shape_cast %get3A_265 : vector<16xf32> to vector<1x16xf32>
        tpu.vector_store %arg8[%swap3A_266, %swap3A_267], %swap3A_270 {add = true, strides = array<i32>} : memref<32x768xf32, #tpu.memory_space<vmem>>, vector<1x16xf32>,
        %get3A_271 = arith.index_cast %scan3A_170 : i32 to index
        %get3A_272 = arith.constant 176 : index
        %get3A_273 = tpu.vector_load %arg10[%get3A_271, %get3A_272] {strides = array<i32>} : memref<32x768xf32, #tpu.memory_space<vmem>>, vector<1x16xf32>,
        %get3A_274 = vector.shape_cast %get3A_273 : vector<1x16xf32> to vector<16xf32>
        %swap3A_275 = arith.index_cast %scan3A_170 : i32 to index
        %swap3A_276 = arith.constant 176 : index
        %swap3A_277 = tpu.vector_load %arg8[%swap3A_275, %swap3A_276] {strides = array<i32>} : memref<32x768xf32, #tpu.memory_space<vmem>>, vector<1x16xf32>,
        %swap3A_278 = vector.shape_cast %swap3A_277 : vector<1x16xf32> to vector<16xf32>
        %swap3A_279 = vector.shape_cast %get3A_274 : vector<16xf32> to vector<1x16xf32>
        tpu.vector_store %arg8[%swap3A_275, %swap3A_276], %swap3A_279 {add = true, strides = array<i32>} : memref<32x768xf32, #tpu.memory_space<vmem>>, vector<1x16xf32>,
        %get3A_280 = arith.index_cast %scan3A_170 : i32 to index
        %get3A_281 = arith.constant 192 : index
        %get3A_282 = tpu.vector_load %arg10[%get3A_280, %get3A_281] {strides = array<i32>} : memref<32x768xf32, #tpu.memory_space<vmem>>, vector<1x16xf32>,
        %get3A_283 = vector.shape_cast %get3A_282 : vector<1x16xf32> to vector<16xf32>
        %swap3A_284 = arith.index_cast %scan3A_170 : i32 to index
        %swap3A_285 = arith.constant 192 : index
        %swap3A_286 = tpu.vector_load %arg8[%swap3A_284, %swap3A_285] {strides = array<i32>} : memref<32x768xf32, #tpu.memory_space<vmem>>, vector<1x16xf32>,
        %swap3A_287 = vector.shape_cast %swap3A_286 : vector<1x16xf32> to vector<16xf32>
        %swap3A_288 = vector.shape_cast %get3A_283 : vector<16xf32> to vector<1x16xf32>
        tpu.vector_store %arg8[%swap3A_284, %swap3A_285], %swap3A_288 {add = true, strides = array<i32>} : memref<32x768xf32, #tpu.memory_space<vmem>>, vector<1x16xf32>,
        %get3A_289 = arith.index_cast %scan3A_170 : i32 to index
        %get3A_290 = arith.constant 208 : index
        %get3A_291 = tpu.vector_load %arg10[%get3A_289, %get3A_290] {strides = array<i32>} : memref<32x768xf32, #tpu.memory_space<vmem>>, vector<1x16xf32>,
        %get3A_292 = vector.shape_cast %get3A_291 : vector<1x16xf32> to vector<16xf32>
        %swap3A_293 = arith.index_cast %scan3A_170 : i32 to index
        %swap3A_294 = arith.constant 208 : index
        %swap3A_295 = tpu.vector_load %arg8[%swap3A_293, %swap3A_294] {strides = array<i32>} : memref<32x768xf32, #tpu.memory_space<vmem>>, vector<1x16xf32>,
        %swap3A_296 = vector.shape_cast %swap3A_295 : vector<1x16xf32> to vector<16xf32>
        %swap3A_297 = vector.shape_cast %get3A_292 : vector<16xf32> to vector<1x16xf32>
        tpu.vector_store %arg8[%swap3A_293, %swap3A_294], %swap3A_297 {add = true, strides = array<i32>} : memref<32x768xf32, #tpu.memory_space<vmem>>, vector<1x16xf32>,
        %get3A_298 = arith.index_cast %scan3A_170 : i32 to index
        %get3A_299 = arith.constant 224 : index
        %get3A_300 = tpu.vector_load %arg10[%get3A_298, %get3A_299] {strides = array<i32>} : memref<32x768xf32, #tpu.memory_space<vmem>>, vector<1x16xf32>,
        %get3A_301 = vector.shape_cast %get3A_300 : vector<1x16xf32> to vector<16xf32>
        %swap3A_302 = arith.index_cast %scan3A_170 : i32 to index
        %swap3A_303 = arith.constant 224 : index
        %swap3A_304 = tpu.vector_load %arg8[%swap3A_302, %swap3A_303] {strides = array<i32>} : memref<32x768xf32, #tpu.memory_space<vmem>>, vector<1x16xf32>,
        %swap3A_305 = vector.shape_cast %swap3A_304 : vector<1x16xf32> to vector<16xf32>
        %swap3A_306 = vector.shape_cast %get3A_301 : vector<16xf32> to vector<1x16xf32>
        tpu.vector_store %arg8[%swap3A_302, %swap3A_303], %swap3A_306 {add = true, strides = array<i32>} : memref<32x768xf32, #tpu.memory_space<vmem>>, vector<1x16xf32>,
        %get3A_307 = arith.index_cast %scan3A_170 : i32 to index
        %get3A_308 = arith.constant 240 : index
        %get3A_309 = tpu.vector_load %arg10[%get3A_307, %get3A_308] {strides = array<i32>} : memref<32x768xf32, #tpu.memory_space<vmem>>, vector<1x16xf32>,
        %get3A_310 = vector.shape_cast %get3A_309 : vector<1x16xf32> to vector<16xf32>
        %swap3A_311 = arith.index_cast %scan3A_170 : i32 to index
        %swap3A_312 = arith.constant 240 : index
        %swap3A_313 = tpu.vector_load %arg8[%swap3A_311, %swap3A_312] {strides = array<i32>} : memref<32x768xf32, #tpu.memory_space<vmem>>, vector<1x16xf32>,
        %swap3A_314 = vector.shape_cast %swap3A_313 : vector<1x16xf32> to vector<16xf32>
        %swap3A_315 = vector.shape_cast %get3A_310 : vector<16xf32> to vector<1x16xf32>
        tpu.vector_store %arg8[%swap3A_311, %swap3A_312], %swap3A_315 {add = true, strides = array<i32>} : memref<32x768xf32, #tpu.memory_space<vmem>>, vector<1x16xf32>,
        %get3A_316 = arith.index_cast %scan3A_170 : i32 to index
        %get3A_317 = arith.constant 256 : index
        %get3A_318 = tpu.vector_load %arg10[%get3A_316, %get3A_317] {strides = array<i32>} : memref<32x768xf32, #tpu.memory_space<vmem>>, vector<1x16xf32>,
        %get3A_319 = vector.shape_cast %get3A_318 : vector<1x16xf32> to vector<16xf32>
        %swap3A_320 = arith.index_cast %scan3A_170 : i32 to index
        %swap3A_321 = arith.constant 256 : index
        %swap3A_322 = tpu.vector_load %arg8[%swap3A_320, %swap3A_321] {strides = array<i32>} : memref<32x768xf32, #tpu.memory_space<vmem>>, vector<1x16xf32>,
        %swap3A_323 = vector.shape_cast %swap3A_322 : vector<1x16xf32> to vector<16xf32>
        %swap3A_324 = vector.shape_cast %get3A_319 : vector<16xf32> to vector<1x16xf32>
        tpu.vector_store %arg8[%swap3A_320, %swap3A_321], %swap3A_324 {add = true, strides = array<i32>} : memref<32x768xf32, #tpu.memory_space<vmem>>, vector<1x16xf32>,
        %get3A_325 = arith.index_cast %scan3A_170 : i32 to index
        %get3A_326 = arith.constant 272 : index
        %get3A_327 = tpu.vector_load %arg10[%get3A_325, %get3A_326] {strides = array<i32>} : memref<32x768xf32, #tpu.memory_space<vmem>>, vector<1x16xf32>,
        %get3A_328 = vector.shape_cast %get3A_327 : vector<1x16xf32> to vector<16xf32>
        %swap3A_329 = arith.index_cast %scan3A_170 : i32 to index
        %swap3A_330 = arith.constant 272 : index
        %swap3A_331 = tpu.vector_load %arg8[%swap3A_329, %swap3A_330] {strides = array<i32>} : memref<32x768xf32, #tpu.memory_space<vmem>>, vector<1x16xf32>,
        %swap3A_332 = vector.shape_cast %swap3A_331 : vector<1x16xf32> to vector<16xf32>
        %swap3A_333 = vector.shape_cast %get3A_328 : vector<16xf32> to vector<1x16xf32>
        tpu.vector_store %arg8[%swap3A_329, %swap3A_330], %swap3A_333 {add = true, strides = array<i32>} : memref<32x768xf32, #tpu.memory_space<vmem>>, vector<1x16xf32>,
        %get3A_334 = arith.index_cast %scan3A_170 : i32 to index
        %get3A_335 = arith.constant 288 : index
        %get3A_336 = tpu.vector_load %arg10[%get3A_334, %get3A_335] {strides = array<i32>} : memref<32x768xf32, #tpu.memory_space<vmem>>, vector<1x16xf32>,
        %get3A_337 = vector.shape_cast %get3A_336 : vector<1x16xf32> to vector<16xf32>
        %swap3A_338 = arith.index_cast %scan3A_170 : i32 to index
        %swap3A_339 = arith.constant 288 : index
        %swap3A_340 = tpu.vector_load %arg8[%swap3A_338, %swap3A_339] {strides = array<i32>} : memref<32x768xf32, #tpu.memory_space<vmem>>, vector<1x16xf32>,
        %swap3A_341 = vector.shape_cast %swap3A_340 : vector<1x16xf32> to vector<16xf32>
        %swap3A_342 = vector.shape_cast %get3A_337 : vector<16xf32> to vector<1x16xf32>
        tpu.vector_store %arg8[%swap3A_338, %swap3A_339], %swap3A_342 {add = true, strides = array<i32>} : memref<32x768xf32, #tpu.memory_space<vmem>>, vector<1x16xf32>,
        %get3A_343 = arith.index_cast %scan3A_170 : i32 to index
        %get3A_344 = arith.constant 304 : index
        %get3A_345 = tpu.vector_load %arg10[%get3A_343, %get3A_344] {strides = array<i32>} : memref<32x768xf32, #tpu.memory_space<vmem>>, vector<1x16xf32>,
        %get3A_346 = vector.shape_cast %get3A_345 : vector<1x16xf32> to vector<16xf32>
        %swap3A_347 = arith.index_cast %scan3A_170 : i32 to index
        %swap3A_348 = arith.constant 304 : index
        %swap3A_349 = tpu.vector_load %arg8[%swap3A_347, %swap3A_348] {strides = array<i32>} : memref<32x768xf32, #tpu.memory_space<vmem>>, vector<1x16xf32>,
        %swap3A_350 = vector.shape_cast %swap3A_349 : vector<1x16xf32> to vector<16xf32>
        %swap3A_351 = vector.shape_cast %get3A_346 : vector<16xf32> to vector<1x16xf32>
        tpu.vector_store %arg8[%swap3A_347, %swap3A_348], %swap3A_351 {add = true, strides = array<i32>} : memref<32x768xf32, #tpu.memory_space<vmem>>, vector<1x16xf32>,
        %get3A_352 = arith.index_cast %scan3A_170 : i32 to index
        %get3A_353 = arith.constant 320 : index
        %get3A_354 = tpu.vector_load %arg10[%get3A_352, %get3A_353] {strides = array<i32>} : memref<32x768xf32, #tpu.memory_space<vmem>>, vector<1x16xf32>,
        %get3A_355 = vector.shape_cast %get3A_354 : vector<1x16xf32> to vector<16xf32>
        %swap3A_356 = arith.index_cast %scan3A_170 : i32 to index
        %swap3A_357 = arith.constant 320 : index
        %swap3A_358 = tpu.vector_load %arg8[%swap3A_356, %swap3A_357] {strides = array<i32>} : memref<32x768xf32, #tpu.memory_space<vmem>>, vector<1x16xf32>,
        %swap3A_359 = vector.shape_cast %swap3A_358 : vector<1x16xf32> to vector<16xf32>
        %swap3A_360 = vector.shape_cast %get3A_355 : vector<16xf32> to vector<1x16xf32>
        tpu.vector_store %arg8[%swap3A_356, %swap3A_357], %swap3A_360 {add = true, strides = array<i32>} : memref<32x768xf32, #tpu.memory_space<vmem>>, vector<1x16xf32>,
        %get3A_361 = arith.index_cast %scan3A_170 : i32 to index
        %get3A_362 = arith.constant 336 : index
        %get3A_363 = tpu.vector_load %arg10[%get3A_361, %get3A_362] {strides = array<i32>} : memref<32x768xf32, #tpu.memory_space<vmem>>, vector<1x16xf32>,
        %get3A_364 = vector.shape_cast %get3A_363 : vector<1x16xf32> to vector<16xf32>
        %swap3A_365 = arith.index_cast %scan3A_170 : i32 to index
        %swap3A_366 = arith.constant 336 : index
        %swap3A_367 = tpu.vector_load %arg8[%swap3A_365, %swap3A_366] {strides = array<i32>} : memref<32x768xf32, #tpu.memory_space<vmem>>, vector<1x16xf32>,
        %swap3A_368 = vector.shape_cast %swap3A_367 : vector<1x16xf32> to vector<16xf32>
        %swap3A_369 = vector.shape_cast %get3A_364 : vector<16xf32> to vector<1x16xf32>
        tpu.vector_store %arg8[%swap3A_365, %swap3A_366], %swap3A_369 {add = true, strides = array<i32>} : memref<32x768xf32, #tpu.memory_space<vmem>>, vector<1x16xf32>,
        %get3A_370 = arith.index_cast %scan3A_170 : i32 to index
        %get3A_371 = arith.constant 352 : index
        %get3A_372 = tpu.vector_load %arg10[%get3A_370, %get3A_371] {strides = array<i32>} : memref<32x768xf32, #tpu.memory_space<vmem>>, vector<1x16xf32>,
        %get3A_373 = vector.shape_cast %get3A_372 : vector<1x16xf32> to vector<16xf32>
        %swap3A_374 = arith.index_cast %scan3A_170 : i32 to index
        %swap3A_375 = arith.constant 352 : index
        %swap3A_376 = tpu.vector_load %arg8[%swap3A_374, %swap3A_375] {strides = array<i32>} : memref<32x768xf32, #tpu.memory_space<vmem>>, vector<1x16xf32>,
        %swap3A_377 = vector.shape_cast %swap3A_376 : vector<1x16xf32> to vector<16xf32>
        %swap3A_378 = vector.shape_cast %get3A_373 : vector<16xf32> to vector<1x16xf32>
        tpu.vector_store %arg8[%swap3A_374, %swap3A_375], %swap3A_378 {add = true, strides = array<i32>} : memref<32x768xf32, #tpu.memory_space<vmem>>, vector<1x16xf32>,
        %get3A_379 = arith.index_cast %scan3A_170 : i32 to index
        %get3A_380 = arith.constant 368 : index
        %get3A_381 = tpu.vector_load %arg10[%get3A_379, %get3A_380] {strides = array<i32>} : memref<32x768xf32, #tpu.memory_space<vmem>>, vector<1x16xf32>,
        %get3A_382 = vector.shape_cast %get3A_381 : vector<1x16xf32> to vector<16xf32>
        %swap3A_383 = arith.index_cast %scan3A_170 : i32 to index
        %swap3A_384 = arith.constant 368 : index
        %swap3A_385 = tpu.vector_load %arg8[%swap3A_383, %swap3A_384] {strides = array<i32>} : memref<32x768xf32, #tpu.memory_space<vmem>>, vector<1x16xf32>,
        %swap3A_386 = vector.shape_cast %swap3A_385 : vector<1x16xf32> to vector<16xf32>
        %swap3A_387 = vector.shape_cast %get3A_382 : vector<16xf32> to vector<1x16xf32>
        tpu.vector_store %arg8[%swap3A_383, %swap3A_384], %swap3A_387 {add = true, strides = array<i32>} : memref<32x768xf32, #tpu.memory_space<vmem>>, vector<1x16xf32>,
        %get3A_388 = arith.index_cast %scan3A_170 : i32 to index
        %get3A_389 = arith.constant 384 : index
        %get3A_390 = tpu.vector_load %arg10[%get3A_388, %get3A_389] {strides = array<i32>} : memref<32x768xf32, #tpu.memory_space<vmem>>, vector<1x16xf32>,
        %get3A_391 = vector.shape_cast %get3A_390 : vector<1x16xf32> to vector<16xf32>
        %swap3A_392 = arith.index_cast %scan3A_170 : i32 to index
        %swap3A_393 = arith.constant 384 : index
        %swap3A_394 = tpu.vector_load %arg8[%swap3A_392, %swap3A_393] {strides = array<i32>} : memref<32x768xf32, #tpu.memory_space<vmem>>, vector<1x16xf32>,
        %swap3A_395 = vector.shape_cast %swap3A_394 : vector<1x16xf32> to vector<16xf32>
        %swap3A_396 = vector.shape_cast %get3A_391 : vector<16xf32> to vector<1x16xf32>
        tpu.vector_store %arg8[%swap3A_392, %swap3A_393], %swap3A_396 {add = true, strides = array<i32>} : memref<32x768xf32, #tpu.memory_space<vmem>>, vector<1x16xf32>,
        %get3A_397 = arith.index_cast %scan3A_170 : i32 to index
        %get3A_398 = arith.constant 400 : index
        %get3A_399 = tpu.vector_load %arg10[%get3A_397, %get3A_398] {strides = array<i32>} : memref<32x768xf32, #tpu.memory_space<vmem>>, vector<1x16xf32>,
        %get3A_400 = vector.shape_cast %get3A_399 : vector<1x16xf32> to vector<16xf32>
        %swap3A_401 = arith.index_cast %scan3A_170 : i32 to index
        %swap3A_402 = arith.constant 400 : index
        %swap3A_403 = tpu.vector_load %arg8[%swap3A_401, %swap3A_402] {strides = array<i32>} : memref<32x768xf32, #tpu.memory_space<vmem>>, vector<1x16xf32>,
        %swap3A_404 = vector.shape_cast %swap3A_403 : vector<1x16xf32> to vector<16xf32>
        %swap3A_405 = vector.shape_cast %get3A_400 : vector<16xf32> to vector<1x16xf32>
        tpu.vector_store %arg8[%swap3A_401, %swap3A_402], %swap3A_405 {add = true, strides = array<i32>} : memref<32x768xf32, #tpu.memory_space<vmem>>, vector<1x16xf32>,
        %get3A_406 = arith.index_cast %scan3A_170 : i32 to index
        %get3A_407 = arith.constant 416 : index
        %get3A_408 = tpu.vector_load %arg10[%get3A_406, %get3A_407] {strides = array<i32>} : memref<32x768xf32, #tpu.memory_space<vmem>>, vector<1x16xf32>,
        %get3A_409 = vector.shape_cast %get3A_408 : vector<1x16xf32> to vector<16xf32>
        %swap3A_410 = arith.index_cast %scan3A_170 : i32 to index
        %swap3A_411 = arith.constant 416 : index
        %swap3A_412 = tpu.vector_load %arg8[%swap3A_410, %swap3A_411] {strides = array<i32>} : memref<32x768xf32, #tpu.memory_space<vmem>>, vector<1x16xf32>,
        %swap3A_413 = vector.shape_cast %swap3A_412 : vector<1x16xf32> to vector<16xf32>
        %swap3A_414 = vector.shape_cast %get3A_409 : vector<16xf32> to vector<1x16xf32>
        tpu.vector_store %arg8[%swap3A_410, %swap3A_411], %swap3A_414 {add = true, strides = array<i32>} : memref<32x768xf32, #tpu.memory_space<vmem>>, vector<1x16xf32>,
        %get3A_415 = arith.index_cast %scan3A_170 : i32 to index
        %get3A_416 = arith.constant 432 : index
        %get3A_417 = tpu.vector_load %arg10[%get3A_415, %get3A_416] {strides = array<i32>} : memref<32x768xf32, #tpu.memory_space<vmem>>, vector<1x16xf32>,
        %get3A_418 = vector.shape_cast %get3A_417 : vector<1x16xf32> to vector<16xf32>
        %swap3A_419 = arith.index_cast %scan3A_170 : i32 to index
        %swap3A_420 = arith.constant 432 : index
        %swap3A_421 = tpu.vector_load %arg8[%swap3A_419, %swap3A_420] {strides = array<i32>} : memref<32x768xf32, #tpu.memory_space<vmem>>, vector<1x16xf32>,
        %swap3A_422 = vector.shape_cast %swap3A_421 : vector<1x16xf32> to vector<16xf32>
        %swap3A_423 = vector.shape_cast %get3A_418 : vector<16xf32> to vector<1x16xf32>
        tpu.vector_store %arg8[%swap3A_419, %swap3A_420], %swap3A_423 {add = true, strides = array<i32>} : memref<32x768xf32, #tpu.memory_space<vmem>>, vector<1x16xf32>,
        %get3A_424 = arith.index_cast %scan3A_170 : i32 to index
        %get3A_425 = arith.constant 448 : index
        %get3A_426 = tpu.vector_load %arg10[%get3A_424, %get3A_425] {strides = array<i32>} : memref<32x768xf32, #tpu.memory_space<vmem>>, vector<1x16xf32>,
        %get3A_427 = vector.shape_cast %get3A_426 : vector<1x16xf32> to vector<16xf32>
        %swap3A_428 = arith.index_cast %scan3A_170 : i32 to index
        %swap3A_429 = arith.constant 448 : index
        %swap3A_430 = tpu.vector_load %arg8[%swap3A_428, %swap3A_429] {strides = array<i32>} : memref<32x768xf32, #tpu.memory_space<vmem>>, vector<1x16xf32>,
        %swap3A_431 = vector.shape_cast %swap3A_430 : vector<1x16xf32> to vector<16xf32>
        %swap3A_432 = vector.shape_cast %get3A_427 : vector<16xf32> to vector<1x16xf32>
        tpu.vector_store %arg8[%swap3A_428, %swap3A_429], %swap3A_432 {add = true, strides = array<i32>} : memref<32x768xf32, #tpu.memory_space<vmem>>, vector<1x16xf32>,
        %get3A_433 = arith.index_cast %scan3A_170 : i32 to index
        %get3A_434 = arith.constant 464 : index
        %get3A_435 = tpu.vector_load %arg10[%get3A_433, %get3A_434] {strides = array<i32>} : memref<32x768xf32, #tpu.memory_space<vmem>>, vector<1x16xf32>,
        %get3A_436 = vector.shape_cast %get3A_435 : vector<1x16xf32> to vector<16xf32>
        %swap3A_437 = arith.index_cast %scan3A_170 : i32 to index
        %swap3A_438 = arith.constant 464 : index
        %swap3A_439 = tpu.vector_load %arg8[%swap3A_437, %swap3A_438] {strides = array<i32>} : memref<32x768xf32, #tpu.memory_space<vmem>>, vector<1x16xf32>,
        %swap3A_440 = vector.shape_cast %swap3A_439 : vector<1x16xf32> to vector<16xf32>
        %swap3A_441 = vector.shape_cast %get3A_436 : vector<16xf32> to vector<1x16xf32>
        tpu.vector_store %arg8[%swap3A_437, %swap3A_438], %swap3A_441 {add = true, strides = array<i32>} : memref<32x768xf32, #tpu.memory_space<vmem>>, vector<1x16xf32>,
        %get3A_442 = arith.index_cast %scan3A_170 : i32 to index
        %get3A_443 = arith.constant 480 : index
        %get3A_444 = tpu.vector_load %arg10[%get3A_442, %get3A_443] {strides = array<i32>} : memref<32x768xf32, #tpu.memory_space<vmem>>, vector<1x16xf32>,
        %get3A_445 = vector.shape_cast %get3A_444 : vector<1x16xf32> to vector<16xf32>
        %swap3A_446 = arith.index_cast %scan3A_170 : i32 to index
        %swap3A_447 = arith.constant 480 : index
        %swap3A_448 = tpu.vector_load %arg8[%swap3A_446, %swap3A_447] {strides = array<i32>} : memref<32x768xf32, #tpu.memory_space<vmem>>, vector<1x16xf32>,
        %swap3A_449 = vector.shape_cast %swap3A_448 : vector<1x16xf32> to vector<16xf32>
        %swap3A_450 = vector.shape_cast %get3A_445 : vector<16xf32> to vector<1x16xf32>
        tpu.vector_store %arg8[%swap3A_446, %swap3A_447], %swap3A_450 {add = true, strides = array<i32>} : memref<32x768xf32, #tpu.memory_space<vmem>>, vector<1x16xf32>,
        %get3A_451 = arith.index_cast %scan3A_170 : i32 to index
        %get3A_452 = arith.constant 496 : index
        %get3A_453 = tpu.vector_load %arg10[%get3A_451, %get3A_452] {strides = array<i32>} : memref<32x768xf32, #tpu.memory_space<vmem>>, vector<1x16xf32>,
        %get3A_454 = vector.shape_cast %get3A_453 : vector<1x16xf32> to vector<16xf32>
        %swap3A_455 = arith.index_cast %scan3A_170 : i32 to index
        %swap3A_456 = arith.constant 496 : index
        %swap3A_457 = tpu.vector_load %arg8[%swap3A_455, %swap3A_456] {strides = array<i32>} : memref<32x768xf32, #tpu.memory_space<vmem>>, vector<1x16xf32>,
        %swap3A_458 = vector.shape_cast %swap3A_457 : vector<1x16xf32> to vector<16xf32>
        %swap3A_459 = vector.shape_cast %get3A_454 : vector<16xf32> to vector<1x16xf32>
        tpu.vector_store %arg8[%swap3A_455, %swap3A_456], %swap3A_459 {add = true, strides = array<i32>} : memref<32x768xf32, #tpu.memory_space<vmem>>, vector<1x16xf32>,
        %get3A_460 = arith.index_cast %scan3A_170 : i32 to index
        %get3A_461 = arith.constant 512 : index
        %get3A_462 = tpu.vector_load %arg10[%get3A_460, %get3A_461] {strides = array<i32>} : memref<32x768xf32, #tpu.memory_space<vmem>>, vector<1x16xf32>,
        %get3A_463 = vector.shape_cast %get3A_462 : vector<1x16xf32> to vector<16xf32>
        %swap3A_464 = arith.index_cast %scan3A_170 : i32 to index
        %swap3A_465 = arith.constant 512 : index
        %swap3A_466 = tpu.vector_load %arg8[%swap3A_464, %swap3A_465] {strides = array<i32>} : memref<32x768xf32, #tpu.memory_space<vmem>>, vector<1x16xf32>,
        %swap3A_467 = vector.shape_cast %swap3A_466 : vector<1x16xf32> to vector<16xf32>
        %swap3A_468 = vector.shape_cast %get3A_463 : vector<16xf32> to vector<1x16xf32>
        tpu.vector_store %arg8[%swap3A_464, %swap3A_465], %swap3A_468 {add = true, strides = array<i32>} : memref<32x768xf32, #tpu.memory_space<vmem>>, vector<1x16xf32>,
        %get3A_469 = arith.index_cast %scan3A_170 : i32 to index
        %get3A_470 = arith.constant 528 : index
        %get3A_471 = tpu.vector_load %arg10[%get3A_469, %get3A_470] {strides = array<i32>} : memref<32x768xf32, #tpu.memory_space<vmem>>, vector<1x16xf32>,
        %get3A_472 = vector.shape_cast %get3A_471 : vector<1x16xf32> to vector<16xf32>
        %swap3A_473 = arith.index_cast %scan3A_170 : i32 to index
        %swap3A_474 = arith.constant 528 : index
        %swap3A_475 = tpu.vector_load %arg8[%swap3A_473, %swap3A_474] {strides = array<i32>} : memref<32x768xf32, #tpu.memory_space<vmem>>, vector<1x16xf32>,
        %swap3A_476 = vector.shape_cast %swap3A_475 : vector<1x16xf32> to vector<16xf32>
        %swap3A_477 = vector.shape_cast %get3A_472 : vector<16xf32> to vector<1x16xf32>
        tpu.vector_store %arg8[%swap3A_473, %swap3A_474], %swap3A_477 {add = true, strides = array<i32>} : memref<32x768xf32, #tpu.memory_space<vmem>>, vector<1x16xf32>,
        %get3A_478 = arith.index_cast %scan3A_170 : i32 to index
        %get3A_479 = arith.constant 544 : index
        %get3A_480 = tpu.vector_load %arg10[%get3A_478, %get3A_479] {strides = array<i32>} : memref<32x768xf32, #tpu.memory_space<vmem>>, vector<1x16xf32>,
        %get3A_481 = vector.shape_cast %get3A_480 : vector<1x16xf32> to vector<16xf32>
        %swap3A_482 = arith.index_cast %scan3A_170 : i32 to index
        %swap3A_483 = arith.constant 544 : index
        %swap3A_484 = tpu.vector_load %arg8[%swap3A_482, %swap3A_483] {strides = array<i32>} : memref<32x768xf32, #tpu.memory_space<vmem>>, vector<1x16xf32>,
        %swap3A_485 = vector.shape_cast %swap3A_484 : vector<1x16xf32> to vector<16xf32>
        %swap3A_486 = vector.shape_cast %get3A_481 : vector<16xf32> to vector<1x16xf32>
        tpu.vector_store %arg8[%swap3A_482, %swap3A_483], %swap3A_486 {add = true, strides = array<i32>} : memref<32x768xf32, #tpu.memory_space<vmem>>, vector<1x16xf32>,
        %get3A_487 = arith.index_cast %scan3A_170 : i32 to index
        %get3A_488 = arith.constant 560 : index
        %get3A_489 = tpu.vector_load %arg10[%get3A_487, %get3A_488] {strides = array<i32>} : memref<32x768xf32, #tpu.memory_space<vmem>>, vector<1x16xf32>,
        %get3A_490 = vector.shape_cast %get3A_489 : vector<1x16xf32> to vector<16xf32>
        %swap3A_491 = arith.index_cast %scan3A_170 : i32 to index
        %swap3A_492 = arith.constant 560 : index
        %swap3A_493 = tpu.vector_load %arg8[%swap3A_491, %swap3A_492] {strides = array<i32>} : memref<32x768xf32, #tpu.memory_space<vmem>>, vector<1x16xf32>,
        %swap3A_494 = vector.shape_cast %swap3A_493 : vector<1x16xf32> to vector<16xf32>
        %swap3A_495 = vector.shape_cast %get3A_490 : vector<16xf32> to vector<1x16xf32>
        tpu.vector_store %arg8[%swap3A_491, %swap3A_492], %swap3A_495 {add = true, strides = array<i32>} : memref<32x768xf32, #tpu.memory_space<vmem>>, vector<1x16xf32>,
        %get3A_496 = arith.index_cast %scan3A_170 : i32 to index
        %get3A_497 = arith.constant 576 : index
        %get3A_498 = tpu.vector_load %arg10[%get3A_496, %get3A_497] {strides = array<i32>} : memref<32x768xf32, #tpu.memory_space<vmem>>, vector<1x16xf32>,
        %get3A_499 = vector.shape_cast %get3A_498 : vector<1x16xf32> to vector<16xf32>
        %swap3A_500 = arith.index_cast %scan3A_170 : i32 to index
        %swap3A_501 = arith.constant 576 : index
        %swap3A_502 = tpu.vector_load %arg8[%swap3A_500, %swap3A_501] {strides = array<i32>} : memref<32x768xf32, #tpu.memory_space<vmem>>, vector<1x16xf32>,
        %swap3A_503 = vector.shape_cast %swap3A_502 : vector<1x16xf32> to vector<16xf32>
        %swap3A_504 = vector.shape_cast %get3A_499 : vector<16xf32> to vector<1x16xf32>
        tpu.vector_store %arg8[%swap3A_500, %swap3A_501], %swap3A_504 {add = true, strides = array<i32>} : memref<32x768xf32, #tpu.memory_space<vmem>>, vector<1x16xf32>,
        %get3A_505 = arith.index_cast %scan3A_170 : i32 to index
        %get3A_506 = arith.constant 592 : index
        %get3A_507 = tpu.vector_load %arg10[%get3A_505, %get3A_506] {strides = array<i32>} : memref<32x768xf32, #tpu.memory_space<vmem>>, vector<1x16xf32>,
        %get3A_508 = vector.shape_cast %get3A_507 : vector<1x16xf32> to vector<16xf32>
        %swap3A_509 = arith.index_cast %scan3A_170 : i32 to index
        %swap3A_510 = arith.constant 592 : index
        %swap3A_511 = tpu.vector_load %arg8[%swap3A_509, %swap3A_510] {strides = array<i32>} : memref<32x768xf32, #tpu.memory_space<vmem>>, vector<1x16xf32>,
        %swap3A_512 = vector.shape_cast %swap3A_511 : vector<1x16xf32> to vector<16xf32>
        %swap3A_513 = vector.shape_cast %get3A_508 : vector<16xf32> to vector<1x16xf32>
        tpu.vector_store %arg8[%swap3A_509, %swap3A_510], %swap3A_513 {add = true, strides = array<i32>} : memref<32x768xf32, #tpu.memory_space<vmem>>, vector<1x16xf32>,
        %get3A_514 = arith.index_cast %scan3A_170 : i32 to index
        %get3A_515 = arith.constant 608 : index
        %get3A_516 = tpu.vector_load %arg10[%get3A_514, %get3A_515] {strides = array<i32>} : memref<32x768xf32, #tpu.memory_space<vmem>>, vector<1x16xf32>,
        %get3A_517 = vector.shape_cast %get3A_516 : vector<1x16xf32> to vector<16xf32>
        %swap3A_518 = arith.index_cast %scan3A_170 : i32 to index
        %swap3A_519 = arith.constant 608 : index
        %swap3A_520 = tpu.vector_load %arg8[%swap3A_518, %swap3A_519] {strides = array<i32>} : memref<32x768xf32, #tpu.memory_space<vmem>>, vector<1x16xf32>,
        %swap3A_521 = vector.shape_cast %swap3A_520 : vector<1x16xf32> to vector<16xf32>
        %swap3A_522 = vector.shape_cast %get3A_517 : vector<16xf32> to vector<1x16xf32>
        tpu.vector_store %arg8[%swap3A_518, %swap3A_519], %swap3A_522 {add = true, strides = array<i32>} : memref<32x768xf32, #tpu.memory_space<vmem>>, vector<1x16xf32>,
        %get3A_523 = arith.index_cast %scan3A_170 : i32 to index
        %get3A_524 = arith.constant 624 : index
        %get3A_525 = tpu.vector_load %arg10[%get3A_523, %get3A_524] {strides = array<i32>} : memref<32x768xf32, #tpu.memory_space<vmem>>, vector<1x16xf32>,
        %get3A_526 = vector.shape_cast %get3A_525 : vector<1x16xf32> to vector<16xf32>
        %swap3A_527 = arith.index_cast %scan3A_170 : i32 to index
        %swap3A_528 = arith.constant 624 : index
        %swap3A_529 = tpu.vector_load %arg8[%swap3A_527, %swap3A_528] {strides = array<i32>} : memref<32x768xf32, #tpu.memory_space<vmem>>, vector<1x16xf32>,
        %swap3A_530 = vector.shape_cast %swap3A_529 : vector<1x16xf32> to vector<16xf32>
        %swap3A_531 = vector.shape_cast %get3A_526 : vector<16xf32> to vector<1x16xf32>
        tpu.vector_store %arg8[%swap3A_527, %swap3A_528], %swap3A_531 {add = true, strides = array<i32>} : memref<32x768xf32, #tpu.memory_space<vmem>>, vector<1x16xf32>,
        %get3A_532 = arith.index_cast %scan3A_170 : i32 to index
        %get3A_533 = arith.constant 640 : index
        %get3A_534 = tpu.vector_load %arg10[%get3A_532, %get3A_533] {strides = array<i32>} : memref<32x768xf32, #tpu.memory_space<vmem>>, vector<1x16xf32>,
        %get3A_535 = vector.shape_cast %get3A_534 : vector<1x16xf32> to vector<16xf32>
        %swap3A_536 = arith.index_cast %scan3A_170 : i32 to index
        %swap3A_537 = arith.constant 640 : index
        %swap3A_538 = tpu.vector_load %arg8[%swap3A_536, %swap3A_537] {strides = array<i32>} : memref<32x768xf32, #tpu.memory_space<vmem>>, vector<1x16xf32>,
        %swap3A_539 = vector.shape_cast %swap3A_538 : vector<1x16xf32> to vector<16xf32>
        %swap3A_540 = vector.shape_cast %get3A_535 : vector<16xf32> to vector<1x16xf32>
        tpu.vector_store %arg8[%swap3A_536, %swap3A_537], %swap3A_540 {add = true, strides = array<i32>} : memref<32x768xf32, #tpu.memory_space<vmem>>, vector<1x16xf32>,
        %get3A_541 = arith.index_cast %scan3A_170 : i32 to index
        %get3A_542 = arith.constant 656 : index
        %get3A_543 = tpu.vector_load %arg10[%get3A_541, %get3A_542] {strides = array<i32>} : memref<32x768xf32, #tpu.memory_space<vmem>>, vector<1x16xf32>,
        %get3A_544 = vector.shape_cast %get3A_543 : vector<1x16xf32> to vector<16xf32>
        %swap3A_545 = arith.index_cast %scan3A_170 : i32 to index
        %swap3A_546 = arith.constant 656 : index
        %swap3A_547 = tpu.vector_load %arg8[%swap3A_545, %swap3A_546] {strides = array<i32>} : memref<32x768xf32, #tpu.memory_space<vmem>>, vector<1x16xf32>,
        %swap3A_548 = vector.shape_cast %swap3A_547 : vector<1x16xf32> to vector<16xf32>
        %swap3A_549 = vector.shape_cast %get3A_544 : vector<16xf32> to vector<1x16xf32>
        tpu.vector_store %arg8[%swap3A_545, %swap3A_546], %swap3A_549 {add = true, strides = array<i32>} : memref<32x768xf32, #tpu.memory_space<vmem>>, vector<1x16xf32>,
        %get3A_550 = arith.index_cast %scan3A_170 : i32 to index
        %get3A_551 = arith.constant 672 : index
        %get3A_552 = tpu.vector_load %arg10[%get3A_550, %get3A_551] {strides = array<i32>} : memref<32x768xf32, #tpu.memory_space<vmem>>, vector<1x16xf32>,
        %get3A_553 = vector.shape_cast %get3A_552 : vector<1x16xf32> to vector<16xf32>
        %swap3A_554 = arith.index_cast %scan3A_170 : i32 to index
        %swap3A_555 = arith.constant 672 : index
        %swap3A_556 = tpu.vector_load %arg8[%swap3A_554, %swap3A_555] {strides = array<i32>} : memref<32x768xf32, #tpu.memory_space<vmem>>, vector<1x16xf32>,
        %swap3A_557 = vector.shape_cast %swap3A_556 : vector<1x16xf32> to vector<16xf32>
        %swap3A_558 = vector.shape_cast %get3A_553 : vector<16xf32> to vector<1x16xf32>
        tpu.vector_store %arg8[%swap3A_554, %swap3A_555], %swap3A_558 {add = true, strides = array<i32>} : memref<32x768xf32, #tpu.memory_space<vmem>>, vector<1x16xf32>,
        %get3A_559 = arith.index_cast %scan3A_170 : i32 to index
        %get3A_560 = arith.constant 688 : index
        %get3A_561 = tpu.vector_load %arg10[%get3A_559, %get3A_560] {strides = array<i32>} : memref<32x768xf32, #tpu.memory_space<vmem>>, vector<1x16xf32>,
        %get3A_562 = vector.shape_cast %get3A_561 : vector<1x16xf32> to vector<16xf32>
        %swap3A_563 = arith.index_cast %scan3A_170 : i32 to index
        %swap3A_564 = arith.constant 688 : index
        %swap3A_565 = tpu.vector_load %arg8[%swap3A_563, %swap3A_564] {strides = array<i32>} : memref<32x768xf32, #tpu.memory_space<vmem>>, vector<1x16xf32>,
        %swap3A_566 = vector.shape_cast %swap3A_565 : vector<1x16xf32> to vector<16xf32>
        %swap3A_567 = vector.shape_cast %get3A_562 : vector<16xf32> to vector<1x16xf32>
        tpu.vector_store %arg8[%swap3A_563, %swap3A_564], %swap3A_567 {add = true, strides = array<i32>} : memref<32x768xf32, #tpu.memory_space<vmem>>, vector<1x16xf32>,
        %get3A_568 = arith.index_cast %scan3A_170 : i32 to index
        %get3A_569 = arith.constant 704 : index
        %get3A_570 = tpu.vector_load %arg10[%get3A_568, %get3A_569] {strides = array<i32>} : memref<32x768xf32, #tpu.memory_space<vmem>>, vector<1x16xf32>,
        %get3A_571 = vector.shape_cast %get3A_570 : vector<1x16xf32> to vector<16xf32>
        %swap3A_572 = arith.index_cast %scan3A_170 : i32 to index
        %swap3A_573 = arith.constant 704 : index
        %swap3A_574 = tpu.vector_load %arg8[%swap3A_572, %swap3A_573] {strides = array<i32>} : memref<32x768xf32, #tpu.memory_space<vmem>>, vector<1x16xf32>,
        %swap3A_575 = vector.shape_cast %swap3A_574 : vector<1x16xf32> to vector<16xf32>
        %swap3A_576 = vector.shape_cast %get3A_571 : vector<16xf32> to vector<1x16xf32>
        tpu.vector_store %arg8[%swap3A_572, %swap3A_573], %swap3A_576 {add = true, strides = array<i32>} : memref<32x768xf32, #tpu.memory_space<vmem>>, vector<1x16xf32>,
        %get3A_577 = arith.index_cast %scan3A_170 : i32 to index
        %get3A_578 = arith.constant 720 : index
        %get3A_579 = tpu.vector_load %arg10[%get3A_577, %get3A_578] {strides = array<i32>} : memref<32x768xf32, #tpu.memory_space<vmem>>, vector<1x16xf32>,
        %get3A_580 = vector.shape_cast %get3A_579 : vector<1x16xf32> to vector<16xf32>
        %swap3A_581 = arith.index_cast %scan3A_170 : i32 to index
        %swap3A_582 = arith.constant 720 : index
        %swap3A_583 = tpu.vector_load %arg8[%swap3A_581, %swap3A_582] {strides = array<i32>} : memref<32x768xf32, #tpu.memory_space<vmem>>, vector<1x16xf32>,
        %swap3A_584 = vector.shape_cast %swap3A_583 : vector<1x16xf32> to vector<16xf32>
        %swap3A_585 = vector.shape_cast %get3A_580 : vector<16xf32> to vector<1x16xf32>
        tpu.vector_store %arg8[%swap3A_581, %swap3A_582], %swap3A_585 {add = true, strides = array<i32>} : memref<32x768xf32, #tpu.memory_space<vmem>>, vector<1x16xf32>,
        %get3A_586 = arith.index_cast %scan3A_170 : i32 to index
        %get3A_587 = arith.constant 736 : index
        %get3A_588 = tpu.vector_load %arg10[%get3A_586, %get3A_587] {strides = array<i32>} : memref<32x768xf32, #tpu.memory_space<vmem>>, vector<1x16xf32>,
        %get3A_589 = vector.shape_cast %get3A_588 : vector<1x16xf32> to vector<16xf32>
        %swap3A_590 = arith.index_cast %scan3A_170 : i32 to index
        %swap3A_591 = arith.constant 736 : index
        %swap3A_592 = tpu.vector_load %arg8[%swap3A_590, %swap3A_591] {strides = array<i32>} : memref<32x768xf32, #tpu.memory_space<vmem>>, vector<1x16xf32>,
        %swap3A_593 = vector.shape_cast %swap3A_592 : vector<1x16xf32> to vector<16xf32>
        %swap3A_594 = vector.shape_cast %get3A_589 : vector<16xf32> to vector<1x16xf32>
        tpu.vector_store %arg8[%swap3A_590, %swap3A_591], %swap3A_594 {add = true, strides = array<i32>} : memref<32x768xf32, #tpu.memory_space<vmem>>, vector<1x16xf32>,
        %get3A_595 = arith.index_cast %scan3A_170 : i32 to index
        %get3A_596 = arith.constant 752 : index
        %get3A_597 = tpu.vector_load %arg10[%get3A_595, %get3A_596] {strides = array<i32>} : memref<32x768xf32, #tpu.memory_space<vmem>>, vector<1x16xf32>,
        %get3A_598 = vector.shape_cast %get3A_597 : vector<1x16xf32> to vector<16xf32>
        %swap3A_599 = arith.index_cast %scan3A_170 : i32 to index
        %swap3A_600 = arith.constant 752 : index
        %swap3A_601 = tpu.vector_load %arg8[%swap3A_599, %swap3A_600] {strides = array<i32>} : memref<32x768xf32, #tpu.memory_space<vmem>>, vector<1x16xf32>,
        %swap3A_602 = vector.shape_cast %swap3A_601 : vector<1x16xf32> to vector<16xf32>
        %swap3A_603 = vector.shape_cast %get3A_598 : vector<16xf32> to vector<1x16xf32>
        tpu.vector_store %arg8[%swap3A_599, %swap3A_600], %swap3A_603 {add = true, strides = array<i32>} : memref<32x768xf32, #tpu.memory_space<vmem>>, vector<1x16xf32>,
        %scan3A_604 = arith.constant 0 : i32
        scf.yield %scan3A_604 : i32
      }
      %scan3A_162 = arith.constant 32 : i32
      %mul3A_163 = arith.constant 32 : i32
      %mul3A_164 = arith.muli %add3A_120, %mul3A_163 : i32
      %add3A_165 = arith.addi %mul3A_2, %mul3A_164 : i32
      %dma_start3A_166 = arith.constant 0 : i32
      %dma_start3A_167 = tpu.memref_slice %arg6[%add3A_165, %dma_start3A_166] : memref<524288x768xf32, #tpu.memory_space<hbm>> -> memref<32x768xf32, #tpu.memory_space<hbm>>
      %dma_start3A_168 = arith.constant 0 : i32
      %dma_start3A_169 = tpu.memref_slice %arg6[%add3A_165, %dma_start3A_168] : memref<524288x768xf32, #tpu.memory_space<hbm>> -> memref<32x768xf32, #tpu.memory_space<hbm>>
      tpu.enqueue_dma source(%arg8 : memref<32x768xf32, #tpu.memory_space<vmem>>) target(%dma_start3A_169 : memref<32x768xf32, #tpu.memory_space<hbm>>) target_semaphore(%arg21 : memref<!tpu.dma_semaphore, #tpu.memory_space<semaphore_mem>>)
    }
    %scan3A_63 = arith.constant 256 : i32
    %dma_wait3A = arith.constant 0 : i32
    %dma_wait3A_64 = tpu.memref_slice %arg6[%mul3A_2, %dma_wait3A] : memref<524288x768xf32, #tpu.memory_space<hbm>> -> memref<32x768xf32, #tpu.memory_space<hbm>>
    %dma_wait3A_65 = arith.constant 0 : i32
    %dma_wait3A_66 = tpu.memref_slice %arg6[%mul3A_2, %dma_wait3A_65] : memref<524288x768xf32, #tpu.memory_space<hbm>> -> memref<32x768xf32, #tpu.memory_space<hbm>>
    tpu.wait_dma2 semaphore(%arg21 : memref<!tpu.dma_semaphore, #tpu.memory_space<semaphore_mem>>) src(%arg8 : memref<32x768xf32, #tpu.memory_space<vmem>>) dst(%dma_wait3A_66 : memref<32x768xf32, #tpu.memory_space<hbm>>)
    return
  }
}

</mosaic_0001>

<sc_bundles>
// kernel: _sc_embed.3.cloned.1.call-start
scs
__scs_entry_jumppad:
0x0: {  	(pc) =	sbr.rel $0x88, $3  }
0x1: {  	(tag) =	ssettag $0x0;
	lr =	simm.s32 $0x1  }
0x2: {  	[smem:$0x3F9D] =	sst lr;
	_ =	strace $0xD0000000  }
0x3: {  	_ = 	snop  }
0x4: {  	_ = 	snop  }
0x5: {  	_ = 	snop  }
0x6: {  	_ = 	snop  }
0x7: {  	_ = 	snop  }
__scs_overlays_trampoline_lowered:
0x8: {  	[smem:$0x3FAC] =	sst s0  }
0x9: {  	[smem:$0x3FAD] =	sst s1  }
0xa: {  	[smem:$0x3FAE] =	sst s2  }
0xb: {  	[smem:$0x3FAF] =	sst s3  }
0xc: {  	[smem:$0x3FB0] =	sst s4  }
0xd: {  	[smem:$0x3FB1] =	sst s5  }
0xe: {  	[smem:$0x3FB2] =	sst s6  }
0xf: {  	[smem:$0x3FB3] =	sst s7  }
0x10: {  	[smem:$0x3FB4] =	sst s8  }
0x11: {  	[smem:$0x3FB5] =	sst s9;
	s0 =	simm.s32 @!p0 $0x0  }
0x12: {  	s1 =	sld [smem:$0x3F9B];
	s0 =	simm.s32 @p0 $0x1  }
0x13: {  	[smem:$0x3FB6] =	sst s0;
	s0 =	simm.s32 @!p1 $0x0  }
0x14: {  	s2 =	sld [smem:$0x3F9A];
	s0 =	simm.s32 @p1 $0x1  }
0x15: {  	[smem:$0x3FB7] =	sst s0;
	s0 =	simm.s32 @!p2 $0x0  }
0x16: {  	s3 =	sld [smem:$0x3FDB];
	s0 =	simm.s32 @p2 $0x1  }
0x17: {  	s4 =	simm.s32 $0x1BF5;
	[smem:$0x3FB9] =	sst s0  }
0x18: {  	s0 =	sld [smem:$0x3F9C];
	_ =	swait.ge [sflag:s4], $0x0  }
0x19: {  	s7 =	sld [smem:$0x3F9D]  }
0x1a: {  	s8 =	sadd.s32 $0xFFFFE003, lr  }
0x1b: {  	s9 =	sadd.s32 $0xFFFFFEF7, lr;
	s5 =	simm.s32 $0xFFFFFFFF;
	p2 =	slt.u32 s8, $0xFFFFF086  }
0x1c: {  	p1 =	slt.u32 s9, $0xF7A;
	s5 =	simm.s32 @!p2 $0x0  }
0x1d: {  	s5 =	simm.s32 @p1 $0x1;
	p0 =	seq.s32 s7, s2  }
0x1e: {  	s7 =	smul.u32 @!p0 $0xF7A, s2;
	p2 =	seq.s32 @!p0 s5, $0x0  }
0x1f: {  	s9 =	smul.u32 $0xF7A, s1;
	s8 =	simm.s32 @!p0 $0x1BF5;
	p2 =	por !p2, p0  }
0x20: {  	[sflag:s8] =	ssyncset.s32 @!p0 $0xFFFFF086;
	s6 =	sadd.s32 @!p0 s3, s7;
	s7 =	simm.s32 @!p0 $0x108  }
0x21: {  	s3 =	sadd.s32 s3, s9;
	s6 =	sadd.s32 @!p0 $0x88, s6;
	s7 =	simm.s32 @p2 $0x1082  }
0x22: {  	[simem:s7], [sflag:s8] =	dma.local @!p0 [hbm:s6], $0xF7A  }
0x23: {  	s9 =	sor.u32 $0xD0000000, s2;
	s6 =	simm.s32 $0x108;
	_ =	swait.ge @!p0 [sflag:s8], $0x0  }
0x24: {  	s3 =	sadd.s32 $0x88, s3;
	s6 =	simm.s32 @!p1 $0x1082;
	[sflag:s4] =	ssyncset.s32 $0xFFFFF086  }
0x25: {  	[simem:s6], [sflag:s4] =	dma.local [hbm:s3], $0xF7A  }
0x26: {  	[smem:$0x3F9D] =	sst s1;
	(tag) =	ssettag s2;
	_ =	strace s9  }
0x27: {  	s1 =	sld [smem:$0x3FAD]  }
0x28: {  	s2 =	sld [smem:$0x3FAE]  }
0x29: {  	s4 =	sld [smem:$0x3FB0]  }
0x2a: {  	p0 =	seq.s32 s5, $0x0;
	s5 =	sld [smem:$0x3FB1]  }
0x2b: {  	s6 =	sld [smem:$0x3FB2]  }
0x2c: {  	s7 =	sld [smem:$0x3FB3]  }
0x2d: {  	s3 =	simm.s32 $0x108;
	s8 =	sld [smem:$0x3FB4]  }
0x2e: {  	s3 =	simm.s32 @!p0 $0x1082;
	s9 =	sld [smem:$0x3FB5]  }
0x2f: {  	lr =	sadd.s32 s0, s3;
	s0 =	sld [smem:$0x3FAC]  }
0x30: {  	s3 =	sld [smem:$0x3FAF]  }
0x31: {  	[smem:$0x3FB8] =	sst s10  }
0x32: {  	s10 =	sld [smem:$0x3FB6];
	_ =	sdelay $0x3  }
0x33: {  	p0 =	seq.s32 s10, $0x1;
	s10 =	sld [smem:$0x3FB8];
	_ =	sdelay $0x3  }
0x34: {  	[smem:$0x3FB8] =	sst s10  }
0x35: {  	s10 =	sld [smem:$0x3FB7];
	_ =	sdelay $0x3  }
0x36: {  	p1 =	seq.s32 s10, $0x1;
	s10 =	sld [smem:$0x3FB8];
	_ =	sdelay $0x3  }
0x37: {  	[smem:$0x3FB8] =	sst s10  }
0x38: {  	s10 =	sld [smem:$0x3FB9]  }
0x39: {  	_ = 	snop;
	(pc) =	sbr.ind lr, $3  }
0x3a: {  	_ = 	snop  }
0x3b: {  	_ = 	snop  }
0x3c: {  	p2 =	seq.s32 s10, $0x1;
	s10 =	sld [smem:$0x3FB8]  }
0x3d: {  	_ =	shalt  }
0x3e: {  	_ =	shalt  }
0x3f: {  	_ =	shalt  }
0x40: {  	_ =	shalt  }
0x41: {  	_ =	shalt  }
0x42: {  	_ =	shalt  }
0x43: {  	_ =	shalt  }
0x44: {  	_ =	shalt  }
0x45: {  	_ =	shalt  }
0x46: {  	_ =	shalt  }
0x47: {  	_ =	shalt  }
0x48: {  	_ =	shalt  }
0x49: {  	_ =	shalt  }
0x4a: {  	_ =	shalt  }
0x4b: {  	_ =	shalt  }
0x4c: {  	_ =	shalt  }
0x4d: {  	_ =	shalt  }
0x4e: {  	_ =	shalt  }
0x4f: {  	_ =	shalt  }
0x50: {  	_ =	shalt  }
0x51: {  	_ =	shalt  }
0x52: {  	_ =	shalt  }
0x53: {  	_ =	shalt  }
0x54: {  	_ =	shalt  }
0x55: {  	_ =	shalt  }
0x56: {  	_ =	shalt  }
0x57: {  	_ =	shalt  }
0x58: {  	_ =	shalt  }
0x59: {  	_ =	shalt  }
0x5a: {  	_ =	shalt  }
0x5b: {  	_ =	shalt  }
0x5c: {  	_ =	shalt  }
0x5d: {  	_ =	shalt  }
0x5e: {  	_ =	shalt  }
0x5f: {  	_ =	shalt  }
0x60: {  	_ =	shalt  }
0x61: {  	_ =	shalt  }
0x62: {  	_ =	shalt  }
0x63: {  	_ =	shalt  }
0x64: {  	_ =	shalt  }
0x65: {  	_ =	shalt  }
0x66: {  	_ =	shalt  }
0x67: {  	_ =	shalt  }
0x68: {  	_ =	shalt  }
0x69: {  	_ =	shalt  }
0x6a: {  	_ =	shalt  }
0x6b: {  	_ =	shalt  }
0x6c: {  	_ =	shalt  }
0x6d: {  	_ =	shalt  }
0x6e: {  	_ =	shalt  }
0x6f: {  	_ =	shalt  }
0x70: {  	_ =	shalt  }
0x71: {  	_ =	shalt  }
0x72: {  	_ =	shalt  }
0x73: {  	_ =	shalt  }
0x74: {  	_ =	shalt  }
0x75: {  	_ =	shalt  }
0x76: {  	_ =	shalt  }
0x77: {  	_ =	shalt  }
0x78: {  	_ =	shalt  }
0x79: {  	_ =	shalt  }
0x7a: {  	_ =	shalt  }
0x7b: {  	_ =	shalt  }
0x7c: {  	_ =	shalt  }
0x7d: {  	_ =	shalt  }
0x7e: {  	_ =	shalt  }
0x7f: {  	_ =	shalt  }
0x80: {  	_ =	shalt  }
0x81: {  	_ =	shalt  }
0x82: {  	_ =	shalt  }
0x83: {  	_ =	shalt  }
0x84: {  	_ =	shalt  }
0x85: {  	_ =	shalt  }
0x86: {  	_ =	shalt  }
0x87: {  	_ =	shalt  }
.Lfunc_end0:
.L_simem_size_0:
called_computation_lowered:
.L_overlay_start_0:
0x88: {  	s2 =	sld [smem:$0x3FD9]  }
0x89: {  	s3 =	sld [smem:$0x3FFE];
	_ =	sdelay $0x1  }
0x8a: {  	s1 =	srdreg.scid  }
0x8b: {  	s0 =	sand.u32 $0x1, s1  }
0x8c: {  	s18 =	sshll.u32 s0, $0xA;
	s2 =	sadd.s32 s3, s2  }
0x8d: {  	s2 =	sadd.s32 s2, s18  }
0x8e: {  	[smem:$0x3FC4] =	sst s2  }
0x8f: {  	_ = 	snop  }
0x90: {  	s2 =	sld [smem:$0x3FC9]  }
0x91: {  	s19 =	sld [smem:$0x3FC8]  }
0x92: {  	s4 =	sld [smem:$0x3FC7]  }
0x93: {  	s5 =	sld [smem:$0x3FC6]  }
0x94: {  	s6 =	sld [smem:$0x3FD0];
	(tm) =	ssettm $0x1  }
0x95: {  	s7 =	sld [smem:$0x3FFB];
	_ =	sdelay $0x3  }
0x96: {  	_ =	strace s7  }
0x97: {  	s7 =	sld [smem:$0x3FFC];
	_ =	sdelay $0x3  }
0x98: {  	_ =	strace s7  }
0x99: {  	s7 =	sld [smem:$0x3FFD];
	_ =	sdelay $0x3  }
0x9a: {  	_ =	strace s7  }
0x9b: {  	_ =	strace $0x8FFFFFFF  }
0x9c: {  	s20 =	sld [smem:$0x3FDB];
	_ =	sdelay $0x1  }
0x9d: {  	s8 =	simm.s32 $_scs_section_size  }
0x9e: {  	s9 =	simm.s32 $_size__tile_overlayer_lowered;
	s10 =	simm.s32 $_tile_overlayer_lowered  }
0x9f: {  	s23 =	simm.s32 $0x1BFF;
	s22 =	sshll.u32 s10, $0x1;
	s7 =	sadd.s32 s8, s20  }
0xa0: {  	s11 =	simm.s32 $0x0;
	s21 =	sshll.u32 s9, $0x1;
	s9 =	sadd.s32 s22, s7  }
0xa1: {  	[timem:s11], [sflag:s23] =	dma.local [hbm:s9], s21  }
0xa2: {  	_ =	swait.ge [sflag:s23], s21  }
0xa3: {  	s8 =	ssub.s32 $0x0, s21;
	[sflag:s23] =	ssyncset.done $0x0  }
0xa4: {  	[sflag:s23] =	ssyncadd.s32 s8;
	_ =	sdelay $0x1  }
0xa5: {  	s24 =	simm.s32 $0x1B8B  }
0xa6: {  	_ =	swait.ge [sflag:s24], $0x1  }
0xa7: {  	[sflag:s24] =	ssyncset.done $0x0  }
0xa8: {  	s25 =	simm.s32 $0x1B8E;
	[sflag:s24] =	ssyncadd.s32 $0xFFFFFFFF  }
0xa9: {  	s26 =	simm.s32 $execute0_lowered;
	[smem:$0x3FD2] =	sst s25  }
0xaa: {  	s8 =	sshll.u32 s26, $0x1;
	_ =	strace $0x80000046;
	[dreg:$0x1] =	wrdreg $0xFFFFFFFF  }
0xab: {  	s28 =	simm.s32 $_size_execute0_lowered;
	s7 =	sadd.s32 s7, s8;
	[dreg:$0x0] =	wrdreg $0x0  }
0xac: {  	s8 =	sshll.u32 s28, $0x1;
	[dreg:$0x2] =	wrdreg s7  }
0xad: {  	[dreg:$0x3] =	wrdreg s8  }
0xae: {  	[dreg:$0x4] =	wrdreg $0xC0  }
0xaf: {  	_ =	task [dreg:s11], $0x5FFFF  }
0xb0: {  	[dreg:$0x1] =	wrdreg $0xFFFFFFFF  }
0xb1: {  	[dreg:$0x0] =	wrdreg $0x60  }
0xb2: {  	[dreg:$0x2] =	wrdreg s2  }
0xb3: {  	[dreg:$0x3] =	wrdreg s19  }
0xb4: {  	[dreg:$0x4] =	wrdreg s4  }
0xb5: {  	[dreg:$0x5] =	wrdreg s5  }
0xb6: {  	[dreg:$0x6] =	wrdreg s6  }
0xb7: {  	[dreg:$0x7] =	wrdreg $0x9  }
0xb8: {  	_ =	task.clear_ibuf [dreg:s11], $0x8FFFF;
	_ =	strace $0x90000046  }
0xb9: {  	s29 =	simm.s32 $0x9;
	_ =	strace $0x80000048  }
0xba: {  	_ =	swait.ge [sflag:s29], $0x1  }
0xbb: {  	[sflag:s29] =	ssyncadd.s32 $0xFFFFFFFF  }
0xbc: {  	_ =	strace $0x90000048  }
0xbd: {  	_ =	sfence  }
0xbe: {  	s30 =	sld [smem:$0x0];
	_ =	sdelay $0x2  }
0xbf: {  	s31 =	sshll.u32 s1, $0xD;
	s1 =	sshrl.u32 s1, $0x2  }
0xc0: {  	s3 =	sand.u32 $0x4000, s31;
	s1 =	sadd.s32 s1, s30  }
0xc1: {  	s0 =	sor.u32 s3, s0;
	s1 =	sshll.u32 s1, $0x11  }
0xc2: {  	s0 =	sor.u32 s1, s0  }
0xc3: {  	s0 =	sadd.s32 $0x8F2B, s0  }
0xc4: {  	[sflag:s0] =	ssyncadd.remote.s32 $0x1  }
0xc5: {  	_ =	sfence.sel $0xFFFF  }
0xc6: {  	[dreg:$0x0] =	wrdreg $0xFFFFFFFF;
	(pc) =	sbr.abs _section_cstart, $3  }
0xc7: {  	[dreg:$0x1] =	wrdreg $0xFFFFFFFF  }
0xc8: {  	_ =	task.clear_ibuf [dreg:s11], $0x2FFFF;
	_ =	strace $0x9FFFFFFF  }
0xc9: {  	(tm) =	ssettm $0x7FFFFFFF  }
tec
execute0_lowered:
.L_overlay_start_1:
0x0: {  	(tag) =	ssettag $0x1  }
0x1: {  	s3 =	rddreg [dreg:$0x0]  }
0x2: {  	s9 =	rddreg [dreg:$0x1]  }
0x3: {  	s4 =	rddreg [dreg:$0x2]  }
0x4: {  	s5 =	rddreg [dreg:$0x3]  }
0x5: {  	s0 =	srdreg.scid;
	s6 =	rddreg [dreg:$0x4]  }
0x6: {  	s1 =	stileid.u32;
	s7 =	simm.s32 $0x0;
	s20 =	simm.s32 $0x6000  }
0x7: {  	s15 =	simm.s32 $0x14800;
	s17 =	simm.s32 $0x15000;
	s19 =	simm.s32 $0x16800  }
0x8: {  	s21 =	simm.s32 $0x17000;
	s22 =	simm.s32 $0x17800;
	s23 =	simm.s32 $0x1  }
0x9: {  	s24 =	simm.s32 $0x3;
	s25 =	simm.s32 $0x5;
	s26 =	simm.s32 $0x2  }
0xa: {  	s28 =	simm.s32 $0x4;
	s0 =	sand.u32 $0x1, s0;
	s1 =	sshll.u32 s1, $0xF  }
0xb: {  	[smem:$0x7FF] =	sst s7;
	s11 =	sadd.s32 $0x100, s4;
	s2 =	sshll.u32 s0, $0xE  }
0xc: {  	s12 =	sadd.s32 $0x200, s4;
	s13 =	sadd.s32 $0x100, s5;
	s8 =	sor.u32 s2, s1  }
0xd: {  	s14 =	sadd.s32 $0x200, s5;
	s0 =	ssub.s32 $0x2, s0;
	s2 =	sshrl.u32 s8, $0x3  }
0xe: {  	_ =	strace $0x80000047;
	s29 =	sshrl.u32 s0, $0x1;
	s30 =	sadd.s32 s3, s2  }
0xf: {  	v0 =	vlaneseq.u32;
	s0 =	ssub.s32 s0, s29;
	s31 =	sadd.s32 s9, s2;
	[dreg:$0x6] =	wrdreg s30  }
0x10: {  	vm0 =	vmmov $0xffff;
	v2 =	vshrl.u32 v0, $0x3;
	v1 =	vand.u32 $0x7, v0;
	s1 =	simm.s32 $0x16000;
	s0 =	smax.u32 s0, $0x1;
	[dreg:$0x7] =	wrdreg s31  }
0x11: {  	v3 =	vor.u32 $0x8, v0;
	v4 =	vor.u32 $0x10, v0;
	v2 =	vmul.u32 $0x8, v2;
	s9 =	simm.s32 $0x0;
	[dreg:$0x8] =	wrdreg s0;
	s0 =	simm.s32 $0x15800  }
.LBB2_1:
0x12: {  	[dreg:$0x9] =	wrdreg s9  }
0x13: {  	s2 =	rddreg [dreg:$0x6];
	s3 =	simm.s32 $0x18100;
	s10 =	simm.s32 $0x7  }
0x14: {  	[tilespmem:s3], [sflag:$0x7] =	stream.linear.gather [hbm4b:s2+s7], $0x400, $0x38;
	[tilespmem:$0x18D00] =	vst v63  }
0x15: {  	_ =	swait.ge [sflag:s10], $0x400  }
0x16: {  	[sflag:s10] =	ssyncset.done $0x0  }
0x17: {  	s18 =	simm.s32 $0x18900;
	s16 =	rddreg [dreg:$0x7];
	[sflag:s10] =	ssyncadd.s32 $0xFFFFFC00  }
0x18: {  	[tilespmem:s18], [sflag:$0x7] =	stream.linear.gather [hbm4b:s16+s7], $0x400, $0x38;
	[tilespmem:$0x18D00] =	vst v63  }
0x19: {  	_ =	swait.ge [sflag:s10], $0x400  }
0x1a: {  	[sflag:s10] =	ssyncset.done $0x0  }
0x1b: {  	[sflag:s10] =	ssyncadd.s32 $0xFFFFFC00  }
0x1c: {  	v5 =	vld [tilespmem:$0x18100];
	_ =	sdelay $0x4  }
0x1d: {  	v6 =	vshrl.u32 v5, $0x3  }
0x1e: {  	v6 =	vmul.u32 $0x30, v6  }
0x1f: {  	v5 =	vand.u32 $0x7, v5  }
0x20: {  	v5 =	vor.u32 v5, v6  }
0x21: {  	v6 =	vperm.xlane v5, v1;
	_ =	sdelay $0x1  }
0x22: {  	v6 =	vadd.s32 v2, v6;
	_ =	sdelay $0x3  }
0x23: {  	v5 =	vperm.xlane v5, v3  }
0x24: {  	[tilespmem:s7], [sflag:$0x1] =	stream.indirect_vreg.gather [hbm4b:s4+s7], $0x80, v6, vm0, $0xb8;
	[tilespmem:$0x18D00] =	vst v63  }
0x25: {  	s30 =	simm.s32 $0x800;
	v5 =	vadd.s32 v2, v5  }
0x26: {  	[tilespmem:s30], [sflag:$0x1] =	stream.indirect_vreg.gather [hbm4b:s11+s7], $0x80, v6, vm0, $0xb8;
	[tilespmem:$0x18D00] =	vst v63  }
0x27: {  	s31 =	simm.s32 $0x1000  }
0x28: {  	[tilespmem:s31], [sflag:$0x1] =	stream.indirect_vreg.gather [hbm4b:s12+s7], $0x80, v6, vm0, $0xb8;
	[tilespmem:$0x18D00] =	vst v63  }
0x29: {  	s3 =	simm.s32 $0x1800  }
0x2a: {  	[tilespmem:s3], [sflag:$0x1] =	stream.indirect_vreg.gather [hbm4b:s4+s7], $0x80, v5, vm0, $0xb8;
	[tilespmem:$0x18D00] =	vst v63  }
0x2b: {  	s9 =	simm.s32 $0x2000  }
0x2c: {  	[tilespmem:s9], [sflag:$0x1] =	stream.indirect_vreg.gather [hbm4b:s11+s7], $0x80, v5, vm0, $0xb8;
	[tilespmem:$0x18D00] =	vst v63  }
0x2d: {  	s10 =	simm.s32 $0x2800  }
0x2e: {  	[tilespmem:s10], [sflag:$0x1] =	stream.indirect_vreg.gather [hbm4b:s12+s7], $0x80, v5, vm0, $0xb8;
	[tilespmem:$0x18D00] =	vst v63  }
0x2f: {  	v5 =	vld [tilespmem:$0x18110];
	_ =	sdelay $0x4  }
0x30: {  	v6 =	vshrl.u32 v5, $0x3  }
0x31: {  	v6 =	vmul.u32 $0x30, v6  }
0x32: {  	v5 =	vand.u32 $0x7, v5  }
0x33: {  	v5 =	vor.u32 v5, v6  }
0x34: {  	v6 =	vperm.xlane v5, v1;
	_ =	sdelay $0x1  }
0x35: {  	v6 =	vadd.s32 v2, v6;
	_ =	sdelay $0x3  }
0x36: {  	s16 =	simm.s32 $0x3000;
	v5 =	vperm.xlane v5, v3  }
0x37: {  	[tilespmem:s16], [sflag:$0x1] =	stream.indirect_vreg.gather [hbm4b:s4+s7], $0x80, v6, vm0, $0xb8;
	[tilespmem:$0x18D00] =	vst v63  }
0x38: {  	s18 =	simm.s32 $0x3800;
	v5 =	vadd.s32 v2, v5  }
0x39: {  	[tilespmem:s18], [sflag:$0x1] =	stream.indirect_vreg.gather [hbm4b:s11+s7], $0x80, v6, vm0, $0xb8;
	[tilespmem:$0x18D00] =	vst v63  }
0x3a: {  	s30 =	simm.s32 $0x4000  }
0x3b: {  	[tilespmem:s30], [sflag:$0x1] =	stream.indirect_vreg.gather [hbm4b:s12+s7], $0x80, v6, vm0, $0xb8;
	[tilespmem:$0x18D00] =	vst v63  }
0x3c: {  	s31 =	simm.s32 $0x4800  }
0x3d: {  	[tilespmem:s31], [sflag:$0x1] =	stream.indirect_vreg.gather [hbm4b:s4+s7], $0x80, v5, vm0, $0xb8;
	[tilespmem:$0x18D00] =	vst v63  }
0x3e: {  	s3 =	simm.s32 $0x5000  }
0x3f: {  	[tilespmem:s3], [sflag:$0x1] =	stream.indirect_vreg.gather [hbm4b:s11+s7], $0x80, v5, vm0, $0xb8;
	[tilespmem:$0x18D00] =	vst v63  }
0x40: {  	s9 =	simm.s32 $0x5800  }
0x41: {  	[tilespmem:s9], [sflag:$0x1] =	stream.indirect_vreg.gather [hbm4b:s12+s7], $0x80, v5, vm0, $0xb8;
	[tilespmem:$0x18D00] =	vst v63  }
0x42: {  	v5 =	vld [tilespmem:$0x18900];
	_ =	sdelay $0x4  }
0x43: {  	v5 =	vshll.u32 v5, $0x9  }
0x44: {  	v5 =	vor.u32 v0, v5  }
0x45: {  	v6 =	vshrl.u32 v5, $0x3  }
0x46: {  	v6 =	vmul.u32 $0x30, v6;
	_ =	sdelay $0x1  }
0x47: {  	v7 =	vld [tilespmem:$0x18910];
	v6 =	vor.u32 v1, v6  }
0x48: {  	v8 =	vperm.xlane v6, v1;
	_ =	sdelay $0x1  }
0x49: {  	v8 =	vadd.s32 v2, v8;
	_ =	sdelay $0x1  }
0x4a: {  	v7 =	vshll.u32 v7, $0x9  }
0x4b: {  	[tilespmem:$0x18000] =	vst v5;
	v5 =	vor.u32 v4, v7  }
0x4c: {  	s10 =	simm.s32 $0xC000;
	[tilespmem:$0x18010] =	vst v5;
	v5 =	vperm.xlane v6, v3  }
0x4d: {  	[tilespmem:s10], [sflag:$0x3] =	stream.indirect_vreg.gather [hbm4b:s5+s7], $0x80, v8, vm0, $0xb8;
	[tilespmem:$0x18D00] =	vst v63  }
0x4e: {  	s16 =	simm.s32 $0xC800;
	v5 =	vadd.s32 v2, v5  }
0x4f: {  	[tilespmem:s16], [sflag:$0x3] =	stream.indirect_vreg.gather [hbm4b:s13+s7], $0x80, v8, vm0, $0xb8;
	[tilespmem:$0x18D00] =	vst v63  }
0x50: {  	s18 =	simm.s32 $0xD000  }
0x51: {  	[tilespmem:s18], [sflag:$0x3] =	stream.indirect_vreg.gather [hbm4b:s14+s7], $0x80, v8, vm0, $0xb8;
	[tilespmem:$0x18D00] =	vst v63  }
0x52: {  	s30 =	simm.s32 $0xD800  }
0x53: {  	[tilespmem:s30], [sflag:$0x3] =	stream.indirect_vreg.gather [hbm4b:s5+s7], $0x80, v5, vm0, $0xb8;
	[tilespmem:$0x18D00] =	vst v63  }
0x54: {  	s31 =	simm.s32 $0xE000  }
0x55: {  	[tilespmem:s31], [sflag:$0x3] =	stream.indirect_vreg.gather [hbm4b:s13+s7], $0x80, v5, vm0, $0xb8;
	[tilespmem:$0x18D00] =	vst v63  }
0x56: {  	s3 =	simm.s32 $0xE800  }
0x57: {  	[tilespmem:s3], [sflag:$0x3] =	stream.indirect_vreg.gather [hbm4b:s14+s7], $0x80, v5, vm0, $0xb8;
	[tilespmem:$0x18D00] =	vst v63  }
0x58: {  	v5 =	vld [tilespmem:$0x18010];
	_ =	sdelay $0x4  }
0x59: {  	v6 =	vshrl.u32 v5, $0x3  }
0x5a: {  	v6 =	vmul.u32 $0x30, v6  }
0x5b: {  	v5 =	vand.u32 $0x7, v5  }
0x5c: {  	v5 =	vor.u32 v5, v6  }
0x5d: {  	v6 =	vperm.xlane v5, v1;
	_ =	sdelay $0x1  }
0x5e: {  	v6 =	vadd.s32 v2, v6;
	_ =	sdelay $0x3  }
0x5f: {  	s9 =	simm.s32 $0xF000;
	v5 =	vperm.xlane v5, v3  }
0x60: {  	[tilespmem:s9], [sflag:$0x3] =	stream.indirect_vreg.gather [hbm4b:s5+s7], $0x80, v6, vm0, $0xb8;
	[tilespmem:$0x18D00] =	vst v63  }
0x61: {  	s10 =	simm.s32 $0xF800;
	v5 =	vadd.s32 v2, v5  }
0x62: {  	[tilespmem:s10], [sflag:$0x3] =	stream.indirect_vreg.gather [hbm4b:s13+s7], $0x80, v6, vm0, $0xb8;
	[tilespmem:$0x18D00] =	vst v63  }
0x63: {  	s16 =	simm.s32 $0x10000  }
0x64: {  	[tilespmem:s16], [sflag:$0x3] =	stream.indirect_vreg.gather [hbm4b:s14+s7], $0x80, v6, vm0, $0xb8;
	[tilespmem:$0x18D00] =	vst v63  }
0x65: {  	s18 =	simm.s32 $0x10800  }
0x66: {  	[tilespmem:s18], [sflag:$0x3] =	stream.indirect_vreg.gather [hbm4b:s5+s7], $0x80, v5, vm0, $0xb8;
	[tilespmem:$0x18D00] =	vst v63  }
0x67: {  	s30 =	simm.s32 $0x11000  }
0x68: {  	[tilespmem:s30], [sflag:$0x3] =	stream.indirect_vreg.gather [hbm4b:s13+s7], $0x80, v5, vm0, $0xb8;
	[tilespmem:$0x18D00] =	vst v63  }
0x69: {  	s29 =	simm.s32 $0x0;
	s31 =	simm.s32 $0x11800  }
0x6a: {  	[tilespmem:s31], [sflag:$0x3] =	stream.indirect_vreg.gather [hbm4b:s14+s7], $0x80, v5, vm0, $0xb8;
	[tilespmem:$0x18D00] =	vst v63  }
.LBB2_2:
0x6b: {  	p0 =	seq.s32 s29, $0x0  }
0x6c: {  	s3 =	sand.u32 @!p0 $0x10, s29  }
0x6d: {  	p1 =	sne.s32 @!p0 s3, $0x0  }
0x6e: {  	p1 =	por p0, !p1  }
.Ltmp0:
0x6f: {  	_ = 	snop;
	(pc) =	sbr.rel @!p1 .LBB2_4-.Ltmp0, $4  }
0x70: {  	s2 =	simm.s32 @!p0 $0x6  }
0x71: {  	s16 =	sshll.u32 @!p0 s29, $0x6;
	_ =	swait.ge @!p0 [sflag:s2], $0x6000  }
0x72: {  	s30 =	sor.u32 @!p0 $0x20, s16;
	[sflag:s2] =	ssyncset.done @!p0 $0x0  }
0x73: {  	s3 =	sand.u32 @!p0 $0x3E0, s30;
	[sflag:s2] =	ssyncadd.s32 @!p0 $0xFFFFA000  }
.Ltmp1:
0x74: {  	(pc) =	sbr.rel .LBB2_5-.Ltmp1, $3  }
0x75: {  	_ =	sdelay $0x1  }
0x76: {  	s3 =	simm.s32 @p0 $0x20  }
0x77: {  	s30 =	simm.s32 @p0 $0x20;
	s16 =	sadd.s32 $0x18100, s3  }
.LBB2_4:
0x78: {  	s16 =	sadd.s32 $0x18500, s3  }
.LBB2_5:
0x79: {  	v5 =	vld [tilespmem:s16+$0x0];
	_ =	sdelay $0x4  }
0x7a: {  	v6 =	vshrl.u32 v5, $0x3  }
0x7b: {  	v6 =	vmul.u32 $0x30, v6  }
0x7c: {  	v5 =	vand.u32 $0x7, v5  }
0x7d: {  	v5 =	vor.u32 v5, v6  }
0x7e: {  	v6 =	vperm.xlane v5, v1;
	_ =	sdelay $0x1  }
0x7f: {  	v6 =	vadd.s32 v2, v6;
	_ =	sdelay $0x3  }
0x80: {  	s2 =	simm.s32 $0x0;
	v5 =	vperm.xlane v5, v3  }
0x81: {  	[tilespmem:s20], [sflag:$0x2] =	stream.indirect_vreg.gather [hbm4b:s4+s2], $0x80, v6, vm0, $0xb8;
	[tilespmem:$0x18D00] =	vst v63  }
0x82: {  	s9 =	simm.s32 $0x6800;
	v5 =	vadd.s32 v2, v5  }
0x83: {  	[tilespmem:s9], [sflag:$0x2] =	stream.indirect_vreg.gather [hbm4b:s11+s2], $0x80, v6, vm0, $0xb8;
	[tilespmem:$0x18D00] =	vst v63  }
0x84: {  	s10 =	simm.s32 $0x7000  }
0x85: {  	[tilespmem:s10], [sflag:$0x2] =	stream.indirect_vreg.gather [hbm4b:s12+s2], $0x80, v6, vm0, $0xb8;
	[tilespmem:$0x18D00] =	vst v63  }
0x86: {  	s18 =	simm.s32 $0x7800  }
0x87: {  	[tilespmem:s18], [sflag:$0x2] =	stream.indirect_vreg.gather [hbm4b:s4+s2], $0x80, v5, vm0, $0xb8;
	[tilespmem:$0x18D00] =	vst v63  }
0x88: {  	s10 =	simm.s32 $0x8000  }
0x89: {  	[tilespmem:s10], [sflag:$0x2] =	stream.indirect_vreg.gather [hbm4b:s11+s2], $0x80, v5, vm0, $0xb8;
	[tilespmem:$0x18D00] =	vst v63  }
0x8a: {  	s18 =	simm.s32 $0x8800  }
0x8b: {  	[tilespmem:s18], [sflag:$0x2] =	stream.indirect_vreg.gather [hbm4b:s12+s2], $0x80, v5, vm0, $0xb8;
	[tilespmem:$0x18D00] =	vst v63  }
0x8c: {  	v5 =	vld [tilespmem:s16+$0x10];
	_ =	sdelay $0x4  }
0x8d: {  	v6 =	vshrl.u32 v5, $0x3  }
0x8e: {  	v6 =	vmul.u32 $0x30, v6  }
0x8f: {  	v5 =	vand.u32 $0x7, v5  }
0x90: {  	v5 =	vor.u32 v5, v6  }
0x91: {  	v6 =	vperm.xlane v5, v1;
	_ =	sdelay $0x1  }
0x92: {  	v6 =	vadd.s32 v2, v6;
	_ =	sdelay $0x3  }
0x93: {  	s10 =	simm.s32 $0x9000;
	v5 =	vperm.xlane v5, v3  }
0x94: {  	[tilespmem:s10], [sflag:$0x2] =	stream.indirect_vreg.gather [hbm4b:s4+s2], $0x80, v6, vm0, $0xb8;
	[tilespmem:$0x18D00] =	vst v63  }
0x95: {  	s16 =	simm.s32 $0x9800;
	v5 =	vadd.s32 v2, v5  }
0x96: {  	[tilespmem:s16], [sflag:$0x2] =	stream.indirect_vreg.gather [hbm4b:s11+s2], $0x80, v6, vm0, $0xb8;
	[tilespmem:$0x18D00] =	vst v63  }
0x97: {  	s18 =	simm.s32 $0xA000  }
0x98: {  	[tilespmem:s18], [sflag:$0x2] =	stream.indirect_vreg.gather [hbm4b:s12+s2], $0x80, v6, vm0, $0xb8;
	[tilespmem:$0x18D00] =	vst v63  }
0x99: {  	s10 =	simm.s32 $0xA800  }
0x9a: {  	[tilespmem:s10], [sflag:$0x2] =	stream.indirect_vreg.gather [hbm4b:s4+s2], $0x80, v5, vm0, $0xb8;
	[tilespmem:$0x18D00] =	vst v63  }
0x9b: {  	s16 =	simm.s32 $0xB000  }
0x9c: {  	[tilespmem:s16], [sflag:$0x2] =	stream.indirect_vreg.gather [hbm4b:s11+s2], $0x80, v5, vm0, $0xb8;
	[tilespmem:$0x18D00] =	vst v63  }
0x9d: {  	s18 =	simm.s32 $0xB800  }
0x9e: {  	[tilespmem:s18], [sflag:$0x2] =	stream.indirect_vreg.gather [hbm4b:s12+s2], $0x80, v5, vm0, $0xb8;
	[tilespmem:$0x18D00] =	vst v63  }
0x9f: {  	v5 =	vld [tilespmem:s3+$0x18900];
	_ =	sdelay $0x4  }
0xa0: {  	s10 =	sand.u32 $0x1E0, s30;
	v5 =	vshll.u32 v5, $0x9  }
0xa1: {  	v5 =	vor.u32 s10, v5  }
0xa2: {  	v5 =	vor.u32 v0, v5  }
0xa3: {  	v6 =	vshrl.u32 v5, $0x3  }
0xa4: {  	[tilespmem:$0x18080] =	vst v5;
	v5 =	vmul.u32 $0x30, v6  }
0xa5: {  	v6 =	vld [tilespmem:s3+$0x18910]  }
0xa6: {  	v5 =	vor.u32 v1, v5  }
0xa7: {  	v7 =	vperm.xlane v5, v1;
	_ =	sdelay $0x1  }
0xa8: {  	v7 =	vadd.s32 v2, v7  }
0xa9: {  	v6 =	vshll.u32 v6, $0x9  }
0xaa: {  	v6 =	vor.u32 s10, v6  }
0xab: {  	v6 =	vor.u32 v4, v6  }
0xac: {  	s18 =	simm.s32 $0x12000;
	v5 =	vperm.xlane v5, v3;
	[tilespmem:$0x18090] =	vst v6  }
0xad: {  	[tilespmem:s18], [sflag:$0x4] =	stream.indirect_vreg.gather [hbm4b:s5+s2], $0x80, v7, vm0, $0xb8;
	[tilespmem:$0x18D00] =	vst v63  }
0xae: {  	s9 =	simm.s32 $0x12800;
	v5 =	vadd.s32 v2, v5  }
0xaf: {  	[tilespmem:s9], [sflag:$0x4] =	stream.indirect_vreg.gather [hbm4b:s13+s2], $0x80, v7, vm0, $0xb8;
	[tilespmem:$0x18D00] =	vst v63  }
0xb0: {  	s10 =	simm.s32 $0x13000  }
0xb1: {  	[tilespmem:s10], [sflag:$0x4] =	stream.indirect_vreg.gather [hbm4b:s14+s2], $0x80, v7, vm0, $0xb8;
	[tilespmem:$0x18D00] =	vst v63  }
0xb2: {  	s16 =	simm.s32 $0x13800  }
0xb3: {  	[tilespmem:s16], [sflag:$0x4] =	stream.indirect_vreg.gather [hbm4b:s5+s2], $0x80, v5, vm0, $0xb8;
	[tilespmem:$0x18D00] =	vst v63  }
0xb4: {  	s18 =	simm.s32 $0x14000  }
0xb5: {  	[tilespmem:s18], [sflag:$0x4] =	stream.indirect_vreg.gather [hbm4b:s13+s2], $0x80, v5, vm0, $0xb8;
	[tilespmem:$0x18D00] =	vst v63  }
0xb6: {  	_ = 	snop  }
0xb7: {  	[tilespmem:s15], [sflag:$0x4] =	stream.indirect_vreg.gather [hbm4b:s14+s2], $0x80, v5, vm0, $0xb8;
	[tilespmem:$0x18D00] =	vst v63  }
0xb8: {  	v5 =	vld [tilespmem:$0x18090];
	_ =	sdelay $0x4  }
0xb9: {  	v6 =	vshrl.u32 v5, $0x3  }
0xba: {  	v6 =	vmul.u32 $0x30, v6  }
0xbb: {  	v5 =	vand.u32 $0x7, v5  }
0xbc: {  	v5 =	vor.u32 v5, v6  }
0xbd: {  	v6 =	vperm.xlane v5, v1;
	_ =	sdelay $0x1  }
0xbe: {  	v6 =	vadd.s32 v2, v6;
	_ =	sdelay $0x3  }
0xbf: {  	v5 =	vperm.xlane v5, v3  }
0xc0: {  	[tilespmem:s17], [sflag:$0x4] =	stream.indirect_vreg.gather [hbm4b:s5+s2], $0x80, v6, vm0, $0xb8;
	[tilespmem:$0x18D00] =	vst v63  }
0xc1: {  	v5 =	vadd.s32 v2, v5  }
0xc2: {  	[tilespmem:s0], [sflag:$0x4] =	stream.indirect_vreg.gather [hbm4b:s13+s2], $0x80, v6, vm0, $0xb8;
	[tilespmem:$0x18D00] =	vst v63  }
0xc3: {  	_ = 	snop  }
0xc4: {  	[tilespmem:s1], [sflag:$0x4] =	stream.indirect_vreg.gather [hbm4b:s14+s2], $0x80, v6, vm0, $0xb8;
	[tilespmem:$0x18D00] =	vst v63  }
0xc5: {  	_ = 	snop  }
0xc6: {  	[tilespmem:s19], [sflag:$0x4] =	stream.indirect_vreg.gather [hbm4b:s5+s2], $0x80, v5, vm0, $0xb8;
	[tilespmem:$0x18D00] =	vst v63  }
0xc7: {  	_ = 	snop  }
0xc8: {  	[tilespmem:s21], [sflag:$0x4] =	stream.indirect_vreg.gather [hbm4b:s13+s2], $0x80, v5, vm0, $0xb8;
	[tilespmem:$0x18D00] =	vst v63  }
0xc9: {  	_ = 	snop  }
0xca: {  	[tilespmem:s22], [sflag:$0x4] =	stream.indirect_vreg.gather [hbm4b:s14+s2], $0x80, v5, vm0, $0xb8;
	[tilespmem:$0x18D00] =	vst v63  }
0xcb: {  	_ =	swait.ge [sflag:s23], $0x6000  }
0xcc: {  	[sflag:s23] =	ssyncset.done $0x0  }
0xcd: {  	[sflag:s23] =	ssyncadd.s32 $0xFFFFA000  }
0xce: {  	_ =	swait.ge [sflag:s24], $0x6000  }
0xcf: {  	[sflag:s24] =	ssyncset.done $0x0  }
0xd0: {  	s31 =	simm.s32 $0x0;
	s3 =	sshll.u32 s29, $0x1;
	[sflag:s24] =	ssyncadd.s32 $0xFFFFA000  }
.LBB2_6:
0xd1: {  	s16 =	sshrl.u32 s31, $0x3  }
0xd2: {  	s16 =	smul.u32 $0x1800, s16  }
0xd3: {  	s18 =	sand.u32 $0x380, s2  }
0xd4: {  	s16 =	sor.u32 s18, s16  }
0xd5: {  	v5 =	vld [tilespmem:s16+$0xC000]  }
0xd6: {  	v6 =	vld [tilespmem:s16+$0xC010];
	_ =	sdelay $0x3  }
0xd7: {  	s18 =	sor.u32 $0x10, s16;
	[tilespmem:s16+$0x0] =	vst.add.f32.msk $0xffff, v5  }
0xd8: {  	[tilespmem:s18+$0x0] =	vst.add.f32.msk $0xffff, v6  }
0xd9: {  	v5 =	vld [tilespmem:s16+$0xC020];
	_ =	sdelay $0x3  }
0xda: {  	s9 =	sor.u32 $0x20, s16  }
0xdb: {  	[tilespmem:s9+$0x0] =	vst.add.f32.msk $0xffff, v5  }
0xdc: {  	v5 =	vld [tilespmem:s16+$0xC030];
	_ =	sdelay $0x3  }
0xdd: {  	s10 =	sor.u32 $0x30, s16  }
0xde: {  	[tilespmem:s10+$0x0] =	vst.add.f32.msk $0xffff, v5  }
0xdf: {  	v5 =	vld [tilespmem:s16+$0xC040];
	_ =	sdelay $0x3  }
0xe0: {  	s9 =	sor.u32 $0x40, s16  }
0xe1: {  	[tilespmem:s9+$0x0] =	vst.add.f32.msk $0xffff, v5  }
0xe2: {  	v5 =	vld [tilespmem:s16+$0xC050];
	_ =	sdelay $0x3  }
0xe3: {  	s10 =	sor.u32 $0x50, s16  }
0xe4: {  	[tilespmem:s10+$0x0] =	vst.add.f32.msk $0xffff, v5  }
0xe5: {  	v5 =	vld [tilespmem:s16+$0xC060];
	_ =	sdelay $0x3  }
0xe6: {  	s9 =	sor.u32 $0x60, s16  }
0xe7: {  	[tilespmem:s9+$0x0] =	vst.add.f32.msk $0xffff, v5  }
0xe8: {  	v5 =	vld [tilespmem:s16+$0xC070];
	_ =	sdelay $0x3  }
0xe9: {  	s10 =	sor.u32 $0x70, s16  }
0xea: {  	[tilespmem:s10+$0x0] =	vst.add.f32.msk $0xffff, v5  }
0xeb: {  	v5 =	vld [tilespmem:s16+$0xC400];
	_ =	sdelay $0x3  }
0xec: {  	s9 =	sor.u32 $0x400, s16  }
0xed: {  	[tilespmem:s9+$0x0] =	vst.add.f32.msk $0xffff, v5  }
0xee: {  	v5 =	vld [tilespmem:s16+$0xC410];
	_ =	sdelay $0x3  }
0xef: {  	s10 =	sor.u32 $0x410, s16  }
0xf0: {  	[tilespmem:s10+$0x0] =	vst.add.f32.msk $0xffff, v5  }
0xf1: {  	v5 =	vld [tilespmem:s16+$0xC420];
	_ =	sdelay $0x3  }
0xf2: {  	s9 =	sor.u32 $0x420, s16  }
0xf3: {  	[tilespmem:s9+$0x0] =	vst.add.f32.msk $0xffff, v5  }
0xf4: {  	v5 =	vld [tilespmem:s16+$0xC430];
	_ =	sdelay $0x3  }
0xf5: {  	s10 =	sor.u32 $0x430, s16  }
0xf6: {  	[tilespmem:s10+$0x0] =	vst.add.f32.msk $0xffff, v5  }
0xf7: {  	v5 =	vld [tilespmem:s16+$0xC440];
	_ =	sdelay $0x3  }
0xf8: {  	s9 =	sor.u32 $0x440, s16  }
0xf9: {  	[tilespmem:s9+$0x0] =	vst.add.f32.msk $0xffff, v5  }
0xfa: {  	v5 =	vld [tilespmem:s16+$0xC450];
	_ =	sdelay $0x3  }
0xfb: {  	s10 =	sor.u32 $0x450, s16  }
0xfc: {  	[tilespmem:s10+$0x0] =	vst.add.f32.msk $0xffff, v5  }
0xfd: {  	v5 =	vld [tilespmem:s16+$0xC460];
	_ =	sdelay $0x3  }
0xfe: {  	s9 =	sor.u32 $0x460, s16  }
0xff: {  	[tilespmem:s9+$0x0] =	vst.add.f32.msk $0xffff, v5  }
0x100: {  	v5 =	vld [tilespmem:s16+$0xC470];
	_ =	sdelay $0x3  }
0x101: {  	s10 =	sor.u32 $0x470, s16  }
0x102: {  	[tilespmem:s10+$0x0] =	vst.add.f32.msk $0xffff, v5  }
0x103: {  	v5 =	vld [tilespmem:s16+$0xC800]  }
0x104: {  	v6 =	vld [tilespmem:s16+$0xC810]  }
0x105: {  	v7 =	vld [tilespmem:s16+$0xC840]  }
0x106: {  	v8 =	vld [tilespmem:s16+$0xC850]  }
0x107: {  	v9 =	vld [tilespmem:s16+$0xC860]  }
0x108: {  	v54 =	vld [tilespmem:s16+$0xCC20]  }
0x109: {  	v55 =	vld [tilespmem:s16+$0xCC30]  }
0x10a: {  	v56 =	vld [tilespmem:s16+$0xCC70]  }
0x10b: {  	v57 =	vld [tilespmem:s16+$0xD000]  }
0x10c: {  	v58 =	vld [tilespmem:s16+$0xD040]  }
0x10d: {  	v59 =	vld [tilespmem:s16+$0xD050]  }
0x10e: {  	v60 =	vld [tilespmem:s16+$0xD410]  }
0x10f: {  	v61 =	vld [tilespmem:s16+$0xD420]  }
0x110: {  	v62 =	vld [tilespmem:s16+$0xD460]  }
0x111: {  	v63 =	vld [tilespmem:s16+$0xD470]  }
0x112: {  	[tilespmem:s16+$0x800] =	vst.add.f32.msk $0xffff, v5  }
0x113: {  	[tilespmem:s16+$0x810] =	vst.add.f32.msk $0xffff, v6  }
0x114: {  	v5 =	vld [tilespmem:s16+$0xC820]  }
0x115: {  	v6 =	vld [tilespmem:s16+$0xC830]  }
0x116: {  	[tilespmem:s16+$0x840] =	vst.add.f32.msk $0xffff, v7  }
0x117: {  	[tilespmem:s16+$0x850] =	vst.add.f32.msk $0xffff, v8  }
0x118: {  	[tilespmem:s16+$0x860] =	vst.add.f32.msk $0xffff, v9  }
0x119: {  	v7 =	vld [tilespmem:s16+$0xCC10]  }
0x11a: {  	[tilespmem:s16+$0xC20] =	vst.add.f32.msk $0xffff, v54  }
0x11b: {  	[tilespmem:s16+$0xC30] =	vst.add.f32.msk $0xffff, v55  }
0x11c: {  	[tilespmem:s16+$0xC70] =	vst.add.f32.msk $0xffff, v56  }
0x11d: {  	[tilespmem:s16+$0x1000] =	vst.add.f32.msk $0xffff, v57  }
0x11e: {  	[tilespmem:s16+$0x820] =	vst.add.f32.msk $0xffff, v5  }
0x11f: {  	[tilespmem:s16+$0x830] =	vst.add.f32.msk $0xffff, v6  }
0x120: {  	v5 =	vld [tilespmem:s16+$0xC870]  }
0x121: {  	v6 =	vld [tilespmem:s16+$0xCC00]  }
0x122: {  	[tilespmem:s16+$0x1040] =	vst.add.f32.msk $0xffff, v58  }
0x123: {  	[tilespmem:s16+$0xC10] =	vst.add.f32.msk $0xffff, v7  }
0x124: {  	v7 =	vld [tilespmem:s16+$0xCC60]  }
0x125: {  	[tilespmem:s16+$0x870] =	vst.add.f32.msk $0xffff, v5  }
0x126: {  	[tilespmem:s16+$0xC00] =	vst.add.f32.msk $0xffff, v6  }
0x127: {  	v5 =	vld [tilespmem:s16+$0xCC40]  }
0x128: {  	v6 =	vld [tilespmem:s16+$0xCC50]  }
0x129: {  	[tilespmem:s16+$0x1050] =	vst.add.f32.msk $0xffff, v59  }
0x12a: {  	[tilespmem:s16+$0xC60] =	vst.add.f32.msk $0xffff, v7  }
0x12b: {  	v7 =	vld [tilespmem:s16+$0xD030]  }
0x12c: {  	[tilespmem:s16+$0xC40] =	vst.add.f32.msk $0xffff, v5  }
0x12d: {  	[tilespmem:s16+$0xC50] =	vst.add.f32.msk $0xffff, v6  }
0x12e: {  	v5 =	vld [tilespmem:s16+$0xD010]  }
0x12f: {  	v6 =	vld [tilespmem:s16+$0xD020]  }
0x130: {  	[tilespmem:s16+$0x1410] =	vst.add.f32.msk $0xffff, v60  }
0x131: {  	[tilespmem:s16+$0x1030] =	vst.add.f32.msk $0xffff, v7  }
0x132: {  	v7 =	vld [tilespmem:s16+$0xD400]  }
0x133: {  	[tilespmem:s16+$0x1010] =	vst.add.f32.msk $0xffff, v5  }
0x134: {  	[tilespmem:s16+$0x1020] =	vst.add.f32.msk $0xffff, v6  }
0x135: {  	v5 =	vld [tilespmem:s16+$0xD060]  }
0x136: {  	v6 =	vld [tilespmem:s16+$0xD070]  }
0x137: {  	[tilespmem:s16+$0x1420] =	vst.add.f32.msk $0xffff, v61  }
0x138: {  	[tilespmem:s16+$0x1400] =	vst.add.f32.msk $0xffff, v7  }
0x139: {  	v7 =	vld [tilespmem:s16+$0xD450]  }
0x13a: {  	[tilespmem:s16+$0x1060] =	vst.add.f32.msk $0xffff, v5  }
0x13b: {  	[tilespmem:s16+$0x1070] =	vst.add.f32.msk $0xffff, v6  }
0x13c: {  	v5 =	vld [tilespmem:s16+$0xD430]  }
0x13d: {  	p0 =	sne.s32 s31, $0x1F;
	v6 =	vld [tilespmem:s16+$0xD440]  }
.Ltmp2:
0x13e: {  	[tilespmem:s16+$0x1460] =	vst.add.f32.msk $0xffff, v62;
	(pc) =	sbr.rel @p0 .LBB2_6-.Ltmp2, $4  }
0x13f: {  	[tilespmem:s16+$0x1470] =	vst.add.f32.msk $0xffff, v63  }
0x140: {  	[tilespmem:s16+$0x1450] =	vst.add.f32.msk $0xffff, v7  }
0x141: {  	[tilespmem:s16+$0x1430] =	vst.add.f32.msk $0xffff, v5  }
0x142: {  	s2 =	sadd.s32 $0x80, s2;
	s31 =	sadd.s32 $0x1, s31;
	[tilespmem:s16+$0x1440] =	vst.add.f32.msk $0xffff, v6  }
0x143: {  	s2 =	sshll.u32 s29, $0x6  }
0x144: {  	s2 =	sadd.s32 s8, s2  }
0x145: {  	s2 =	sshrl.u32 s2, $0x3  }
0x146: {  	s2 =	smul.u32 $0x300, s2  }
0x147: {  	p0 =	seq.s32 s29, $0xFF  }
.Ltmp3:
0x148: {  	s2 =	sadd.s32 s6, s2;
	(pc) =	sbr.rel @p0 .LBB2_9-.Ltmp3, $4  }
0x149: {  	[hbm4b:s2+s7] =	stream.linear.scatter [tilespmem:s7], [sflag:$0x5], $0x6000, $0x38;
	[tilespmem:$0x18D00] =	vst v63  }
0x14a: {  	_ =	swait.ge [sflag:s25], $0x6000  }
0x14b: {  	[sflag:s25] =	ssyncset.done $0x0  }
0x14c: {  	[sflag:s25] =	ssyncadd.s32 $0xFFFFA000  }
0x14d: {  	s2 =	sadd.s32 $0x2, s3  }
0x14e: {  	s3 =	sand.u32 $0x1E, s2  }
0x14f: {  	s16 =	sshrl.u32 s2, $0x5;
	p0 =	sne.s32 s3, $0x0  }
0x150: {  	s18 =	sshll.u32 @!p0 s16, $0xA  }
0x151: {  	s9 =	rddreg [dreg:$0x0];
	s16 =	sand.u32 $0x1, s16;
	s18 =	sadd.s32 @!p0 s8, s18  }
0x152: {  	p1 =	seq.s32 s16, $0x1;
	s16 =	simm.s32 $0x18500;
	s18 =	sshrl.u32 @!p0 s18, $0x3  }
0x153: {  	s16 =	simm.s32 @!p1 $0x18100;
	s31 =	sadd.s32 @!p0 s9, s18;
	s9 =	simm.s32 @!p0 $0x0  }
0x154: {  	[tilespmem:s16], [sflag:$0x7] =	stream.linear.gather @!p0 [hbm4b:s31+s9], $0x400, $0x38;
	[tilespmem:$0x18D00] =	vst v63  }
0x155: {  	s31 =	simm.s32 @!p0 $0x7  }
0x156: {  	_ =	swait.ge @!p0 [sflag:s31], $0x400  }
0x157: {  	[sflag:s31] =	ssyncset.done @!p0 $0x0  }
0x158: {  	[sflag:s31] =	ssyncadd.s32 @!p0 $0xFFFFFC00  }
0x159: {  	s10 =	rddreg [dreg:$0x1]  }
0x15a: {  	s18 =	sadd.s32 @!p0 s10, s18;
	s10 =	simm.s32 @!p0 $0x18900  }
0x15b: {  	[tilespmem:s10], [sflag:$0x7] =	stream.linear.gather @!p0 [hbm4b:s18+s9], $0x400, $0x38;
	[tilespmem:$0x18D00] =	vst v63  }
0x15c: {  	_ =	swait.ge @!p0 [sflag:s31], $0x400  }
0x15d: {  	s3 =	sshll.u32 s3, $0x5;
	[sflag:s31] =	ssyncset.done @!p0 $0x0  }
0x15e: {  	s9 =	sadd.s32 s3, s16;
	[sflag:s31] =	ssyncadd.s32 @!p0 $0xFFFFFC00  }
0x15f: {  	v5 =	vld [tilespmem:s9+$0x0];
	_ =	sdelay $0x4  }
0x160: {  	v6 =	vshrl.u32 v5, $0x3  }
0x161: {  	v6 =	vmul.u32 $0x30, v6  }
0x162: {  	v5 =	vand.u32 $0x7, v5  }
0x163: {  	v5 =	vor.u32 v5, v6  }
0x164: {  	v6 =	vperm.xlane v5, v1;
	_ =	sdelay $0x1  }
0x165: {  	v6 =	vadd.s32 v2, v6;
	_ =	sdelay $0x3  }
0x166: {  	v5 =	vperm.xlane v5, v3  }
0x167: {  	[tilespmem:s7], [sflag:$0x1] =	stream.indirect_vreg.gather [hbm4b:s4+s7], $0x80, v6, vm0, $0xb8;
	[tilespmem:$0x18D00] =	vst v63  }
0x168: {  	s31 =	simm.s32 $0x800;
	v5 =	vadd.s32 v2, v5  }
0x169: {  	[tilespmem:s31], [sflag:$0x1] =	stream.indirect_vreg.gather [hbm4b:s11+s7], $0x80, v6, vm0, $0xb8;
	[tilespmem:$0x18D00] =	vst v63  }
0x16a: {  	s16 =	simm.s32 $0x1000  }
0x16b: {  	[tilespmem:s16], [sflag:$0x1] =	stream.indirect_vreg.gather [hbm4b:s12+s7], $0x80, v6, vm0, $0xb8;
	[tilespmem:$0x18D00] =	vst v63  }
0x16c: {  	s18 =	simm.s32 $0x1800  }
0x16d: {  	[tilespmem:s18], [sflag:$0x1] =	stream.indirect_vreg.gather [hbm4b:s4+s7], $0x80, v5, vm0, $0xb8;
	[tilespmem:$0x18D00] =	vst v63  }
0x16e: {  	s31 =	simm.s32 $0x2000  }
0x16f: {  	[tilespmem:s31], [sflag:$0x1] =	stream.indirect_vreg.gather [hbm4b:s11+s7], $0x80, v5, vm0, $0xb8;
	[tilespmem:$0x18D00] =	vst v63  }
0x170: {  	s16 =	simm.s32 $0x2800  }
0x171: {  	[tilespmem:s16], [sflag:$0x1] =	stream.indirect_vreg.gather [hbm4b:s12+s7], $0x80, v5, vm0, $0xb8;
	[tilespmem:$0x18D00] =	vst v63  }
0x172: {  	v5 =	vld [tilespmem:s9+$0x10];
	_ =	sdelay $0x4  }
0x173: {  	v6 =	vshrl.u32 v5, $0x3  }
0x174: {  	v6 =	vmul.u32 $0x30, v6  }
0x175: {  	v5 =	vand.u32 $0x7, v5  }
0x176: {  	v5 =	vor.u32 v5, v6  }
0x177: {  	v6 =	vperm.xlane v5, v1;
	_ =	sdelay $0x1  }
0x178: {  	v6 =	vadd.s32 v2, v6;
	_ =	sdelay $0x3  }
0x179: {  	s18 =	simm.s32 $0x3000;
	v5 =	vperm.xlane v5, v3  }
0x17a: {  	[tilespmem:s18], [sflag:$0x1] =	stream.indirect_vreg.gather [hbm4b:s4+s7], $0x80, v6, vm0, $0xb8;
	[tilespmem:$0x18D00] =	vst v63  }
0x17b: {  	s31 =	simm.s32 $0x3800;
	v5 =	vadd.s32 v2, v5  }
0x17c: {  	[tilespmem:s31], [sflag:$0x1] =	stream.indirect_vreg.gather [hbm4b:s11+s7], $0x80, v6, vm0, $0xb8;
	[tilespmem:$0x18D00] =	vst v63  }
0x17d: {  	s10 =	simm.s32 $0x4000  }
0x17e: {  	[tilespmem:s10], [sflag:$0x1] =	stream.indirect_vreg.gather [hbm4b:s12+s7], $0x80, v6, vm0, $0xb8;
	[tilespmem:$0x18D00] =	vst v63  }
0x17f: {  	s16 =	simm.s32 $0x4800  }
0x180: {  	[tilespmem:s16], [sflag:$0x1] =	stream.indirect_vreg.gather [hbm4b:s4+s7], $0x80, v5, vm0, $0xb8;
	[tilespmem:$0x18D00] =	vst v63  }
0x181: {  	s18 =	simm.s32 $0x5000  }
0x182: {  	[tilespmem:s18], [sflag:$0x1] =	stream.indirect_vreg.gather [hbm4b:s11+s7], $0x80, v5, vm0, $0xb8;
	[tilespmem:$0x18D00] =	vst v63  }
0x183: {  	s31 =	simm.s32 $0x5800  }
0x184: {  	[tilespmem:s31], [sflag:$0x1] =	stream.indirect_vreg.gather [hbm4b:s12+s7], $0x80, v5, vm0, $0xb8;
	[tilespmem:$0x18D00] =	vst v63  }
0x185: {  	v5 =	vld [tilespmem:s3+$0x18900];
	_ =	sdelay $0x3  }
0x186: {  	s2 =	sshll.u32 s2, $0x5  }
0x187: {  	s2 =	sand.u32 $0x1C0, s2;
	v5 =	vshll.u32 v5, $0x9  }
0x188: {  	v5 =	vor.u32 s2, v5  }
0x189: {  	v5 =	vor.u32 v0, v5  }
0x18a: {  	v6 =	vshrl.u32 v5, $0x3  }
0x18b: {  	[tilespmem:$0x18000] =	vst v5;
	v5 =	vmul.u32 $0x30, v6  }
0x18c: {  	v6 =	vld [tilespmem:s3+$0x18910]  }
0x18d: {  	v5 =	vor.u32 v1, v5  }
0x18e: {  	v7 =	vperm.xlane v5, v1;
	_ =	sdelay $0x1  }
0x18f: {  	v7 =	vadd.s32 v2, v7  }
0x190: {  	v6 =	vshll.u32 v6, $0x9  }
0x191: {  	v6 =	vor.u32 s2, v6  }
0x192: {  	v6 =	vor.u32 v4, v6  }
0x193: {  	s3 =	simm.s32 $0xC000;
	v5 =	vperm.xlane v5, v3;
	[tilespmem:$0x18010] =	vst v6  }
0x194: {  	[tilespmem:s3], [sflag:$0x3] =	stream.indirect_vreg.gather [hbm4b:s5+s7], $0x80, v7, vm0, $0xb8;
	[tilespmem:$0x18D00] =	vst v63  }
0x195: {  	s9 =	simm.s32 $0xC800;
	v5 =	vadd.s32 v2, v5  }
0x196: {  	[tilespmem:s9], [sflag:$0x3] =	stream.indirect_vreg.gather [hbm4b:s13+s7], $0x80, v7, vm0, $0xb8;
	[tilespmem:$0x18D00] =	vst v63  }
0x197: {  	s10 =	simm.s32 $0xD000  }
0x198: {  	[tilespmem:s10], [sflag:$0x3] =	stream.indirect_vreg.gather [hbm4b:s14+s7], $0x80, v7, vm0, $0xb8;
	[tilespmem:$0x18D00] =	vst v63  }
0x199: {  	s16 =	simm.s32 $0xD800  }
0x19a: {  	[tilespmem:s16], [sflag:$0x3] =	stream.indirect_vreg.gather [hbm4b:s5+s7], $0x80, v5, vm0, $0xb8;
	[tilespmem:$0x18D00] =	vst v63  }
0x19b: {  	s18 =	simm.s32 $0xE000  }
0x19c: {  	[tilespmem:s18], [sflag:$0x3] =	stream.indirect_vreg.gather [hbm4b:s13+s7], $0x80, v5, vm0, $0xb8;
	[tilespmem:$0x18D00] =	vst v63  }
0x19d: {  	s31 =	simm.s32 $0xE800  }
0x19e: {  	[tilespmem:s31], [sflag:$0x3] =	stream.indirect_vreg.gather [hbm4b:s14+s7], $0x80, v5, vm0, $0xb8;
	[tilespmem:$0x18D00] =	vst v63  }
0x19f: {  	v5 =	vld [tilespmem:$0x18010];
	_ =	sdelay $0x4  }
0x1a0: {  	v6 =	vshrl.u32 v5, $0x3  }
0x1a1: {  	v6 =	vmul.u32 $0x30, v6  }
0x1a2: {  	v5 =	vand.u32 $0x7, v5  }
0x1a3: {  	v5 =	vor.u32 v5, v6  }
0x1a4: {  	v6 =	vperm.xlane v5, v1;
	_ =	sdelay $0x1  }
0x1a5: {  	v6 =	vadd.s32 v2, v6;
	_ =	sdelay $0x3  }
0x1a6: {  	s3 =	simm.s32 $0xF000;
	v5 =	vperm.xlane v5, v3  }
0x1a7: {  	[tilespmem:s3], [sflag:$0x3] =	stream.indirect_vreg.gather [hbm4b:s5+s7], $0x80, v6, vm0, $0xb8;
	[tilespmem:$0x18D00] =	vst v63  }
0x1a8: {  	s9 =	simm.s32 $0xF800;
	v5 =	vadd.s32 v2, v5  }
0x1a9: {  	[tilespmem:s9], [sflag:$0x3] =	stream.indirect_vreg.gather [hbm4b:s13+s7], $0x80, v6, vm0, $0xb8;
	[tilespmem:$0x18D00] =	vst v63  }
0x1aa: {  	s10 =	simm.s32 $0x10000  }
0x1ab: {  	[tilespmem:s10], [sflag:$0x3] =	stream.indirect_vreg.gather [hbm4b:s14+s7], $0x80, v6, vm0, $0xb8;
	[tilespmem:$0x18D00] =	vst v63  }
0x1ac: {  	s16 =	simm.s32 $0x10800  }
0x1ad: {  	[tilespmem:s16], [sflag:$0x3] =	stream.indirect_vreg.gather [hbm4b:s5+s7], $0x80, v5, vm0, $0xb8;
	[tilespmem:$0x18D00] =	vst v63  }
0x1ae: {  	s18 =	simm.s32 $0x11000  }
0x1af: {  	[tilespmem:s18], [sflag:$0x3] =	stream.indirect_vreg.gather [hbm4b:s13+s7], $0x80, v5, vm0, $0xb8;
	[tilespmem:$0x18D00] =	vst v63  }
0x1b0: {  	s31 =	simm.s32 $0x11800  }
0x1b1: {  	[tilespmem:s31], [sflag:$0x3] =	stream.indirect_vreg.gather [hbm4b:s14+s7], $0x80, v5, vm0, $0xb8;
	[tilespmem:$0x18D00] =	vst v63  }
.LBB2_9:
0x1b2: {  	_ =	swait.ge [sflag:s26], $0x6000  }
0x1b3: {  	[sflag:s26] =	ssyncset.done $0x0  }
0x1b4: {  	s2 =	simm.s32 $0x0;
	[sflag:s26] =	ssyncadd.s32 $0xFFFFA000  }
0x1b5: {  	s31 =	simm.s32 $0x0;
	s2 =	smul.u32 $0x1800, s2;
	_ =	swait.ge [sflag:s28], $0x6000  }
0x1b6: {  	s3 =	sand.u32 $0x380, s31;
	[sflag:s28] =	ssyncset.done $0x0  }
0x1b7: {  	s2 =	sor.u32 s3, s2;
	[sflag:s28] =	ssyncadd.s32 $0xFFFFA000  }
0x1b8: {  	v5 =	vld [tilespmem:s2+$0x13470]  }
0x1b9: {  	v8 =	vld [tilespmem:s2+$0x12000]  }
0x1ba: {  	v9 =	vld [tilespmem:s2+$0x12010]  }
0x1bb: {  	v10 =	vld [tilespmem:s2+$0x12020]  }
0x1bc: {  	v11 =	vld [tilespmem:s2+$0x12030]  }
0x1bd: {  	v12 =	vld [tilespmem:s2+$0x12040]  }
0x1be: {  	v13 =	vld [tilespmem:s2+$0x12050]  }
0x1bf: {  	v14 =	vld [tilespmem:s2+$0x12060]  }
0x1c0: {  	v15 =	vld [tilespmem:s2+$0x12070]  }
0x1c1: {  	v16 =	vld [tilespmem:s2+$0x12400]  }
0x1c2: {  	v17 =	vld [tilespmem:s2+$0x12410]  }
0x1c3: {  	v18 =	vld [tilespmem:s2+$0x12420]  }
0x1c4: {  	v19 =	vld [tilespmem:s2+$0x12430]  }
0x1c5: {  	v20 =	vld [tilespmem:s2+$0x12440]  }
0x1c6: {  	v21 =	vld [tilespmem:s2+$0x12450]  }
0x1c7: {  	v22 =	vld [tilespmem:s2+$0x12460]  }
0x1c8: {  	v23 =	vld [tilespmem:s2+$0x12470]  }
0x1c9: {  	v24 =	vld [tilespmem:s2+$0x12800]  }
0x1ca: {  	v25 =	vld [tilespmem:s2+$0x12810]  }
0x1cb: {  	v26 =	vld [tilespmem:s2+$0x12820]  }
0x1cc: {  	v27 =	vld [tilespmem:s2+$0x12830]  }
0x1cd: {  	v28 =	vld [tilespmem:s2+$0x12840]  }
0x1ce: {  	v29 =	vld [tilespmem:s2+$0x12850]  }
0x1cf: {  	v30 =	vld [tilespmem:s2+$0x12860]  }
0x1d0: {  	v31 =	vld [tilespmem:s2+$0x12870]  }
0x1d1: {  	v32 =	vld [tilespmem:s2+$0x12C00]  }
0x1d2: {  	v33 =	vld [tilespmem:s2+$0x12C10]  }
0x1d3: {  	v34 =	vld [tilespmem:s2+$0x12C20]  }
0x1d4: {  	v35 =	vld [tilespmem:s2+$0x12C30]  }
0x1d5: {  	v36 =	vld [tilespmem:s2+$0x12C40]  }
0x1d6: {  	v37 =	vld [tilespmem:s2+$0x12C50]  }
0x1d7: {  	v38 =	vld [tilespmem:s2+$0x12C60]  }
0x1d8: {  	v39 =	vld [tilespmem:s2+$0x12C70]  }
0x1d9: {  	v40 =	vld [tilespmem:s2+$0x13000]  }
0x1da: {  	v41 =	vld [tilespmem:s2+$0x13010]  }
0x1db: {  	v42 =	vld [tilespmem:s2+$0x13020]  }
0x1dc: {  	v43 =	vld [tilespmem:s2+$0x13030]  }
0x1dd: {  	v44 =	vld [tilespmem:s2+$0x13040]  }
0x1de: {  	v45 =	vld [tilespmem:s2+$0x13050]  }
0x1df: {  	v46 =	vld [tilespmem:s2+$0x13060]  }
0x1e0: {  	v47 =	vld [tilespmem:s2+$0x13070]  }
0x1e1: {  	v48 =	vld [tilespmem:s2+$0x13400]  }
0x1e2: {  	v49 =	vld [tilespmem:s2+$0x13410]  }
0x1e3: {  	v50 =	vld [tilespmem:s2+$0x13420]  }
0x1e4: {  	v51 =	vld [tilespmem:s2+$0x13430]  }
0x1e5: {  	v7 =	vld [tilespmem:s2+$0x13440]  }
0x1e6: {  	v6 =	vld [tilespmem:s2+$0x13450]  }
0x1e7: {  	[tilespmem:s2+$0x7470] =	vst.add.f32.msk $0xffff, v5  }
0x1e8: {  	v5 =	vld [tilespmem:s2+$0x13460]  }
0x1e9: {  	[tilespmem:s2+$0x6000] =	vst.add.f32.msk $0xffff, v8  }
0x1ea: {  	[tilespmem:s2+$0x6010] =	vst.add.f32.msk $0xffff, v9  }
0x1eb: {  	[tilespmem:s2+$0x6020] =	vst.add.f32.msk $0xffff, v10  }
0x1ec: {  	[tilespmem:s2+$0x6030] =	vst.add.f32.msk $0xffff, v11  }
0x1ed: {  	[tilespmem:s2+$0x6040] =	vst.add.f32.msk $0xffff, v12  }
0x1ee: {  	[tilespmem:s2+$0x6050] =	vst.add.f32.msk $0xffff, v13  }
0x1ef: {  	[tilespmem:s2+$0x6060] =	vst.add.f32.msk $0xffff, v14  }
0x1f0: {  	[tilespmem:s2+$0x6070] =	vst.add.f32.msk $0xffff, v15  }
0x1f1: {  	[tilespmem:s2+$0x6400] =	vst.add.f32.msk $0xffff, v16  }
0x1f2: {  	[tilespmem:s2+$0x6410] =	vst.add.f32.msk $0xffff, v17  }
0x1f3: {  	[tilespmem:s2+$0x6420] =	vst.add.f32.msk $0xffff, v18  }
0x1f4: {  	[tilespmem:s2+$0x6430] =	vst.add.f32.msk $0xffff, v19  }
0x1f5: {  	[tilespmem:s2+$0x6440] =	vst.add.f32.msk $0xffff, v20  }
0x1f6: {  	[tilespmem:s2+$0x6450] =	vst.add.f32.msk $0xffff, v21  }
0x1f7: {  	[tilespmem:s2+$0x6460] =	vst.add.f32.msk $0xffff, v22  }
0x1f8: {  	[tilespmem:s2+$0x6470] =	vst.add.f32.msk $0xffff, v23  }
0x1f9: {  	[tilespmem:s2+$0x6800] =	vst.add.f32.msk $0xffff, v24  }
0x1fa: {  	[tilespmem:s2+$0x6810] =	vst.add.f32.msk $0xffff, v25  }
0x1fb: {  	[tilespmem:s2+$0x6820] =	vst.add.f32.msk $0xffff, v26  }
0x1fc: {  	[tilespmem:s2+$0x6830] =	vst.add.f32.msk $0xffff, v27  }
0x1fd: {  	[tilespmem:s2+$0x6840] =	vst.add.f32.msk $0xffff, v28  }
0x1fe: {  	[tilespmem:s2+$0x6850] =	vst.add.f32.msk $0xffff, v29  }
0x1ff: {  	[tilespmem:s2+$0x6860] =	vst.add.f32.msk $0xffff, v30  }
0x200: {  	[tilespmem:s2+$0x6870] =	vst.add.f32.msk $0xffff, v31  }
0x201: {  	[tilespmem:s2+$0x6C00] =	vst.add.f32.msk $0xffff, v32  }
0x202: {  	[tilespmem:s2+$0x6C10] =	vst.add.f32.msk $0xffff, v33  }
0x203: {  	[tilespmem:s2+$0x6C20] =	vst.add.f32.msk $0xffff, v34  }
0x204: {  	[tilespmem:s2+$0x6C30] =	vst.add.f32.msk $0xffff, v35  }
0x205: {  	[tilespmem:s2+$0x6C40] =	vst.add.f32.msk $0xffff, v36  }
0x206: {  	[tilespmem:s2+$0x6C50] =	vst.add.f32.msk $0xffff, v37  }
0x207: {  	[tilespmem:s2+$0x6C60] =	vst.add.f32.msk $0xffff, v38  }
0x208: {  	[tilespmem:s2+$0x6C70] =	vst.add.f32.msk $0xffff, v39  }
0x209: {  	[tilespmem:s2+$0x7000] =	vst.add.f32.msk $0xffff, v40  }
0x20a: {  	[tilespmem:s2+$0x7010] =	vst.add.f32.msk $0xffff, v41  }
0x20b: {  	[tilespmem:s2+$0x7020] =	vst.add.f32.msk $0xffff, v42  }
0x20c: {  	[tilespmem:s2+$0x7030] =	vst.add.f32.msk $0xffff, v43  }
0x20d: {  	[tilespmem:s2+$0x7040] =	vst.add.f32.msk $0xffff, v44  }
0x20e: {  	[tilespmem:s2+$0x7050] =	vst.add.f32.msk $0xffff, v45  }
0x20f: {  	[tilespmem:s2+$0x7060] =	vst.add.f32.msk $0xffff, v46  }
0x210: {  	[tilespmem:s2+$0x7070] =	vst.add.f32.msk $0xffff, v47  }
0x211: {  	[tilespmem:s2+$0x7400] =	vst.add.f32.msk $0xffff, v48  }
0x212: {  	[tilespmem:s2+$0x7410] =	vst.add.f32.msk $0xffff, v49  }
0x213: {  	[tilespmem:s2+$0x7420] =	vst.add.f32.msk $0xffff, v50  }
0x214: {  	s16 =	simm.s32 $0x0;
	s3 =	simm.s32 $0x2;
	[tilespmem:s2+$0x7430] =	vst.add.f32.msk $0xffff, v51  }
.LBB2_10:
0x215: {  	p0 =	sne.s32 s3, $0x1F;
	s9 =	smul.u32 $0x1800, s16;
	[tilespmem:s2+$0x7440] =	vst.add.f32.msk $0xffff, v7;
	s31 =	sadd.s32 $0x80, s31  }
0x216: {  	s10 =	sand.u32 $0x380, s31;
	[tilespmem:s2+$0x7450] =	vst.add.f32.msk $0xffff, v6  }
0x217: {  	[tilespmem:s2+$0x7460] =	vst.add.f32.msk $0xffff, v5;
	s2 =	sor.u32 s10, s9  }
0x218: {  	v5 =	vld [tilespmem:s2+$0x13470]  }
0x219: {  	v8 =	vld [tilespmem:s2+$0x12000]  }
0x21a: {  	v9 =	vld [tilespmem:s2+$0x12010]  }
0x21b: {  	v10 =	vld [tilespmem:s2+$0x12020]  }
0x21c: {  	v11 =	vld [tilespmem:s2+$0x12030]  }
0x21d: {  	[tilespmem:s2+$0x7470] =	vst.add.f32.msk $0xffff, v5  }
0x21e: {  	v12 =	vld [tilespmem:s2+$0x12040]  }
0x21f: {  	v13 =	vld [tilespmem:s2+$0x12050]  }
0x220: {  	v14 =	vld [tilespmem:s2+$0x12060]  }
0x221: {  	v15 =	vld [tilespmem:s2+$0x12070]  }
0x222: {  	v16 =	vld [tilespmem:s2+$0x12400]  }
0x223: {  	v17 =	vld [tilespmem:s2+$0x12410]  }
0x224: {  	v18 =	vld [tilespmem:s2+$0x12420]  }
0x225: {  	v19 =	vld [tilespmem:s2+$0x12430]  }
0x226: {  	v20 =	vld [tilespmem:s2+$0x12440]  }
0x227: {  	v21 =	vld [tilespmem:s2+$0x12450]  }
0x228: {  	v22 =	vld [tilespmem:s2+$0x12460]  }
0x229: {  	v23 =	vld [tilespmem:s2+$0x12470]  }
0x22a: {  	v24 =	vld [tilespmem:s2+$0x12800]  }
0x22b: {  	v25 =	vld [tilespmem:s2+$0x12810]  }
0x22c: {  	v26 =	vld [tilespmem:s2+$0x12820]  }
0x22d: {  	v27 =	vld [tilespmem:s2+$0x12830]  }
0x22e: {  	v28 =	vld [tilespmem:s2+$0x12840]  }
0x22f: {  	v29 =	vld [tilespmem:s2+$0x12850]  }
0x230: {  	v30 =	vld [tilespmem:s2+$0x12860]  }
0x231: {  	v31 =	vld [tilespmem:s2+$0x12870]  }
0x232: {  	v32 =	vld [tilespmem:s2+$0x12C00]  }
0x233: {  	v33 =	vld [tilespmem:s2+$0x12C10]  }
0x234: {  	v34 =	vld [tilespmem:s2+$0x12C20]  }
0x235: {  	v35 =	vld [tilespmem:s2+$0x12C30]  }
0x236: {  	v36 =	vld [tilespmem:s2+$0x12C40]  }
0x237: {  	v37 =	vld [tilespmem:s2+$0x12C50]  }
0x238: {  	v38 =	vld [tilespmem:s2+$0x12C60]  }
0x239: {  	v39 =	vld [tilespmem:s2+$0x12C70]  }
0x23a: {  	v40 =	vld [tilespmem:s2+$0x13000]  }
0x23b: {  	v41 =	vld [tilespmem:s2+$0x13010]  }
0x23c: {  	v42 =	vld [tilespmem:s2+$0x13020]  }
0x23d: {  	v43 =	vld [tilespmem:s2+$0x13030]  }
0x23e: {  	v44 =	vld [tilespmem:s2+$0x13040]  }
0x23f: {  	v45 =	vld [tilespmem:s2+$0x13050]  }
0x240: {  	v46 =	vld [tilespmem:s2+$0x13060]  }
0x241: {  	v47 =	vld [tilespmem:s2+$0x13070]  }
0x242: {  	v48 =	vld [tilespmem:s2+$0x13400]  }
0x243: {  	v49 =	vld [tilespmem:s2+$0x13410]  }
0x244: {  	v50 =	vld [tilespmem:s2+$0x13420]  }
0x245: {  	v51 =	vld [tilespmem:s2+$0x13430]  }
0x246: {  	v7 =	vld [tilespmem:s2+$0x13440]  }
0x247: {  	v6 =	vld [tilespmem:s2+$0x13450]  }
0x248: {  	v5 =	vld [tilespmem:s2+$0x13460]  }
0x249: {  	[tilespmem:s2+$0x6000] =	vst.add.f32.msk $0xffff, v8  }
0x24a: {  	[tilespmem:s2+$0x6010] =	vst.add.f32.msk $0xffff, v9  }
0x24b: {  	[tilespmem:s2+$0x6020] =	vst.add.f32.msk $0xffff, v10  }
0x24c: {  	[tilespmem:s2+$0x6030] =	vst.add.f32.msk $0xffff, v11  }
0x24d: {  	[tilespmem:s2+$0x6040] =	vst.add.f32.msk $0xffff, v12  }
0x24e: {  	[tilespmem:s2+$0x6050] =	vst.add.f32.msk $0xffff, v13  }
0x24f: {  	[tilespmem:s2+$0x6060] =	vst.add.f32.msk $0xffff, v14  }
0x250: {  	[tilespmem:s2+$0x6070] =	vst.add.f32.msk $0xffff, v15  }
0x251: {  	[tilespmem:s2+$0x6400] =	vst.add.f32.msk $0xffff, v16  }
0x252: {  	[tilespmem:s2+$0x6410] =	vst.add.f32.msk $0xffff, v17  }
0x253: {  	[tilespmem:s2+$0x6420] =	vst.add.f32.msk $0xffff, v18  }
0x254: {  	[tilespmem:s2+$0x6430] =	vst.add.f32.msk $0xffff, v19  }
0x255: {  	[tilespmem:s2+$0x6440] =	vst.add.f32.msk $0xffff, v20  }
0x256: {  	[tilespmem:s2+$0x6450] =	vst.add.f32.msk $0xffff, v21  }
0x257: {  	[tilespmem:s2+$0x6460] =	vst.add.f32.msk $0xffff, v22  }
0x258: {  	[tilespmem:s2+$0x6470] =	vst.add.f32.msk $0xffff, v23  }
0x259: {  	[tilespmem:s2+$0x6800] =	vst.add.f32.msk $0xffff, v24  }
0x25a: {  	[tilespmem:s2+$0x6810] =	vst.add.f32.msk $0xffff, v25  }
0x25b: {  	[tilespmem:s2+$0x6820] =	vst.add.f32.msk $0xffff, v26  }
0x25c: {  	[tilespmem:s2+$0x6830] =	vst.add.f32.msk $0xffff, v27  }
0x25d: {  	[tilespmem:s2+$0x6840] =	vst.add.f32.msk $0xffff, v28  }
0x25e: {  	[tilespmem:s2+$0x6850] =	vst.add.f32.msk $0xffff, v29  }
0x25f: {  	[tilespmem:s2+$0x6860] =	vst.add.f32.msk $0xffff, v30  }
0x260: {  	[tilespmem:s2+$0x6870] =	vst.add.f32.msk $0xffff, v31  }
0x261: {  	[tilespmem:s2+$0x6C00] =	vst.add.f32.msk $0xffff, v32  }
0x262: {  	[tilespmem:s2+$0x6C10] =	vst.add.f32.msk $0xffff, v33  }
0x263: {  	[tilespmem:s2+$0x6C20] =	vst.add.f32.msk $0xffff, v34  }
0x264: {  	[tilespmem:s2+$0x6C30] =	vst.add.f32.msk $0xffff, v35  }
0x265: {  	[tilespmem:s2+$0x6C40] =	vst.add.f32.msk $0xffff, v36  }
0x266: {  	[tilespmem:s2+$0x6C50] =	vst.add.f32.msk $0xffff, v37  }
0x267: {  	[tilespmem:s2+$0x6C60] =	vst.add.f32.msk $0xffff, v38  }
0x268: {  	[tilespmem:s2+$0x6C70] =	vst.add.f32.msk $0xffff, v39  }
0x269: {  	[tilespmem:s2+$0x7000] =	vst.add.f32.msk $0xffff, v40  }
0x26a: {  	[tilespmem:s2+$0x7010] =	vst.add.f32.msk $0xffff, v41  }
0x26b: {  	[tilespmem:s2+$0x7020] =	vst.add.f32.msk $0xffff, v42  }
0x26c: {  	[tilespmem:s2+$0x7030] =	vst.add.f32.msk $0xffff, v43  }
0x26d: {  	[tilespmem:s2+$0x7040] =	vst.add.f32.msk $0xffff, v44  }
0x26e: {  	[tilespmem:s2+$0x7050] =	vst.add.f32.msk $0xffff, v45  }
0x26f: {  	[tilespmem:s2+$0x7060] =	vst.add.f32.msk $0xffff, v46  }
.Ltmp4:
0x270: {  	[tilespmem:s2+$0x7070] =	vst.add.f32.msk $0xffff, v47;
	(pc) =	sbr.rel @p0 .LBB2_10-.Ltmp4, $4  }
0x271: {  	[tilespmem:s2+$0x7400] =	vst.add.f32.msk $0xffff, v48  }
0x272: {  	[tilespmem:s2+$0x7410] =	vst.add.f32.msk $0xffff, v49  }
0x273: {  	[tilespmem:s2+$0x7420] =	vst.add.f32.msk $0xffff, v50  }
0x274: {  	s16 =	sshrl.u32 s3, $0x3;
	s3 =	sadd.s32 $0x1, s3;
	[tilespmem:s2+$0x7430] =	vst.add.f32.msk $0xffff, v51  }
0x275: {  	s3 =	smul.u32 $0x1800, s16;
	[tilespmem:s2+$0x7440] =	vst.add.f32.msk $0xffff, v7;
	s9 =	sadd.s32 $0x80, s31  }
0x276: {  	[tilespmem:s2+$0x7450] =	vst.add.f32.msk $0xffff, v6;
	s9 =	sand.u32 $0x380, s9  }
0x277: {  	[tilespmem:s2+$0x7460] =	vst.add.f32.msk $0xffff, v5;
	s3 =	sor.u32 s9, s3  }
0x278: {  	v5 =	vld [tilespmem:s3+$0x13470]  }
0x279: {  	v6 =	vld [tilespmem:s3+$0x12000]  }
0x27a: {  	v7 =	vld [tilespmem:s3+$0x12010]  }
0x27b: {  	v8 =	vld [tilespmem:s3+$0x12020]  }
0x27c: {  	v9 =	vld [tilespmem:s3+$0x12030]  }
0x27d: {  	v10 =	vld [tilespmem:s3+$0x12050]  }
0x27e: {  	v11 =	vld [tilespmem:s3+$0x12060]  }
0x27f: {  	v12 =	vld [tilespmem:s3+$0x12070]  }
0x280: {  	v13 =	vld [tilespmem:s3+$0x12400]  }
0x281: {  	v14 =	vld [tilespmem:s3+$0x12410]  }
0x282: {  	v15 =	vld [tilespmem:s3+$0x12420]  }
0x283: {  	v16 =	vld [tilespmem:s3+$0x12430]  }
0x284: {  	v17 =	vld [tilespmem:s3+$0x12440]  }
0x285: {  	v18 =	vld [tilespmem:s3+$0x12450]  }
0x286: {  	v19 =	vld [tilespmem:s3+$0x12460]  }
0x287: {  	v20 =	vld [tilespmem:s3+$0x12470]  }
0x288: {  	v21 =	vld [tilespmem:s3+$0x12800]  }
0x289: {  	v22 =	vld [tilespmem:s3+$0x12810]  }
0x28a: {  	v23 =	vld [tilespmem:s3+$0x12820]  }
0x28b: {  	v24 =	vld [tilespmem:s3+$0x12830]  }
0x28c: {  	v25 =	vld [tilespmem:s3+$0x12840]  }
0x28d: {  	v26 =	vld [tilespmem:s3+$0x12850]  }
0x28e: {  	v27 =	vld [tilespmem:s3+$0x12860]  }
0x28f: {  	v28 =	vld [tilespmem:s3+$0x12870]  }
0x290: {  	v29 =	vld [tilespmem:s3+$0x12C00]  }
0x291: {  	v30 =	vld [tilespmem:s3+$0x12C10]  }
0x292: {  	v31 =	vld [tilespmem:s3+$0x12C20]  }
0x293: {  	v32 =	vld [tilespmem:s3+$0x12C30]  }
0x294: {  	v33 =	vld [tilespmem:s3+$0x12C40]  }
0x295: {  	v34 =	vld [tilespmem:s3+$0x12C50]  }
0x296: {  	v35 =	vld [tilespmem:s3+$0x12C60]  }
0x297: {  	v36 =	vld [tilespmem:s3+$0x12C70]  }
0x298: {  	v37 =	vld [tilespmem:s3+$0x13000]  }
0x299: {  	v38 =	vld [tilespmem:s3+$0x13010]  }
0x29a: {  	v39 =	vld [tilespmem:s3+$0x13020]  }
0x29b: {  	v40 =	vld [tilespmem:s3+$0x13030]  }
0x29c: {  	v41 =	vld [tilespmem:s3+$0x13040]  }
0x29d: {  	v42 =	vld [tilespmem:s3+$0x13050]  }
0x29e: {  	v43 =	vld [tilespmem:s3+$0x13060]  }
0x29f: {  	v44 =	vld [tilespmem:s3+$0x13070]  }
0x2a0: {  	v45 =	vld [tilespmem:s3+$0x13400]  }
0x2a1: {  	v46 =	vld [tilespmem:s3+$0x13410]  }
0x2a2: {  	v47 =	vld [tilespmem:s3+$0x13420]  }
0x2a3: {  	v48 =	vld [tilespmem:s3+$0x13430]  }
0x2a4: {  	v49 =	vld [tilespmem:s3+$0x13440]  }
0x2a5: {  	v50 =	vld [tilespmem:s3+$0x13450]  }
0x2a6: {  	v51 =	vld [tilespmem:s3+$0x13460]  }
0x2a7: {  	[tilespmem:s3+$0x7470] =	vst.add.f32.msk $0xffff, v5  }
0x2a8: {  	v5 =	vld [tilespmem:s3+$0x12040]  }
0x2a9: {  	[tilespmem:s3+$0x6000] =	vst.add.f32.msk $0xffff, v6  }
0x2aa: {  	[tilespmem:s3+$0x6010] =	vst.add.f32.msk $0xffff, v7  }
0x2ab: {  	[tilespmem:s3+$0x6020] =	vst.add.f32.msk $0xffff, v8  }
0x2ac: {  	[tilespmem:s3+$0x6030] =	vst.add.f32.msk $0xffff, v9  }
0x2ad: {  	[tilespmem:s3+$0x6050] =	vst.add.f32.msk $0xffff, v10  }
0x2ae: {  	[tilespmem:s3+$0x6060] =	vst.add.f32.msk $0xffff, v11  }
0x2af: {  	[tilespmem:s3+$0x6070] =	vst.add.f32.msk $0xffff, v12  }
0x2b0: {  	[tilespmem:s3+$0x6400] =	vst.add.f32.msk $0xffff, v13  }
0x2b1: {  	[tilespmem:s3+$0x6410] =	vst.add.f32.msk $0xffff, v14  }
0x2b2: {  	[tilespmem:s3+$0x6420] =	vst.add.f32.msk $0xffff, v15  }
0x2b3: {  	[tilespmem:s3+$0x6430] =	vst.add.f32.msk $0xffff, v16  }
0x2b4: {  	[tilespmem:s3+$0x6440] =	vst.add.f32.msk $0xffff, v17  }
0x2b5: {  	[tilespmem:s3+$0x6450] =	vst.add.f32.msk $0xffff, v18  }
0x2b6: {  	[tilespmem:s3+$0x6460] =	vst.add.f32.msk $0xffff, v19  }
0x2b7: {  	[tilespmem:s3+$0x6470] =	vst.add.f32.msk $0xffff, v20  }
0x2b8: {  	[tilespmem:s3+$0x6800] =	vst.add.f32.msk $0xffff, v21  }
0x2b9: {  	[tilespmem:s3+$0x6810] =	vst.add.f32.msk $0xffff, v22  }
0x2ba: {  	[tilespmem:s3+$0x6820] =	vst.add.f32.msk $0xffff, v23  }
0x2bb: {  	[tilespmem:s3+$0x6830] =	vst.add.f32.msk $0xffff, v24  }
0x2bc: {  	[tilespmem:s3+$0x6840] =	vst.add.f32.msk $0xffff, v25  }
0x2bd: {  	[tilespmem:s3+$0x6850] =	vst.add.f32.msk $0xffff, v26  }
0x2be: {  	[tilespmem:s3+$0x6860] =	vst.add.f32.msk $0xffff, v27  }
0x2bf: {  	[tilespmem:s3+$0x6870] =	vst.add.f32.msk $0xffff, v28  }
0x2c0: {  	[tilespmem:s3+$0x6C00] =	vst.add.f32.msk $0xffff, v29  }
0x2c1: {  	[tilespmem:s3+$0x6C10] =	vst.add.f32.msk $0xffff, v30  }
0x2c2: {  	[tilespmem:s3+$0x6C20] =	vst.add.f32.msk $0xffff, v31  }
0x2c3: {  	[tilespmem:s3+$0x6C30] =	vst.add.f32.msk $0xffff, v32  }
0x2c4: {  	[tilespmem:s3+$0x6C40] =	vst.add.f32.msk $0xffff, v33  }
0x2c5: {  	[tilespmem:s3+$0x6C50] =	vst.add.f32.msk $0xffff, v34  }
0x2c6: {  	[tilespmem:s3+$0x6C60] =	vst.add.f32.msk $0xffff, v35  }
0x2c7: {  	[tilespmem:s3+$0x6C70] =	vst.add.f32.msk $0xffff, v36  }
0x2c8: {  	[tilespmem:s3+$0x7000] =	vst.add.f32.msk $0xffff, v37  }
0x2c9: {  	[tilespmem:s3+$0x7010] =	vst.add.f32.msk $0xffff, v38  }
0x2ca: {  	[tilespmem:s3+$0x7020] =	vst.add.f32.msk $0xffff, v39  }
0x2cb: {  	[tilespmem:s3+$0x7030] =	vst.add.f32.msk $0xffff, v40  }
0x2cc: {  	[tilespmem:s3+$0x7040] =	vst.add.f32.msk $0xffff, v41  }
0x2cd: {  	[tilespmem:s3+$0x7050] =	vst.add.f32.msk $0xffff, v42  }
0x2ce: {  	[tilespmem:s3+$0x7060] =	vst.add.f32.msk $0xffff, v43  }
0x2cf: {  	[tilespmem:s3+$0x7070] =	vst.add.f32.msk $0xffff, v44  }
0x2d0: {  	[tilespmem:s3+$0x7400] =	vst.add.f32.msk $0xffff, v45  }
0x2d1: {  	[tilespmem:s3+$0x7410] =	vst.add.f32.msk $0xffff, v46  }
0x2d2: {  	s29 =	sadd.s32 $0x1, s29;
	[tilespmem:s3+$0x7420] =	vst.add.f32.msk $0xffff, v47  }
0x2d3: {  	s31 =	sor.u32 s8, s30;
	p0 =	sne.s32 s29, $0x100;
	[tilespmem:s3+$0x7430] =	vst.add.f32.msk $0xffff, v48  }
.Ltmp5:
0x2d4: {  	s2 =	sshrl.u32 s31, $0x3;
	[tilespmem:s3+$0x7440] =	vst.add.f32.msk $0xffff, v49;
	(pc) =	sbr.rel @p0 .LBB2_2-.Ltmp5, $4  }
0x2d5: {  	s2 =	smul.u32 $0x300, s2;
	[tilespmem:s3+$0x7450] =	vst.add.f32.msk $0xffff, v50  }
0x2d6: {  	[tilespmem:s3+$0x7460] =	vst.add.f32.msk $0xffff, v51  }
0x2d7: {  	s2 =	sadd.s32 s6, s2;
	[tilespmem:s3+$0x6040] =	vst.add.f32.msk $0xffff, v5  }
0x2d8: {  	[hbm4b:s2+s7] =	stream.linear.scatter [tilespmem:s20], [sflag:$0x6], $0x6000, $0x38;
	[tilespmem:$0x18D00] =	vst v63  }
0x2d9: {  	s3 =	simm.s32 $0x6  }
0x2da: {  	_ =	swait.ge [sflag:s3], $0x6000  }
0x2db: {  	s9 =	rddreg [dreg:$0x9]  }
0x2dc: {  	s2 =	rddreg [dreg:$0x8];
	s9 =	sadd.s32 $0x1, s9  }
0x2dd: {  	p0 =	sne.s32 s9, s2  }
.Ltmp6:
0x2de: {  	_ = 	snop;
	(pc) =	sbr.rel @p0 .LBB2_1-.Ltmp6, $3  }
0x2df: {  	_ =	sdelay $0x1  }
0x2e0: {  	[sflag:s3] =	ssyncset.done $0x0  }
0x2e1: {  	[sflag:s3] =	ssyncadd.s32 $0xFFFFA000  }
0x2e2: {  	_ =	sfence.sel $0x180000  }
0x2e3: {  	[bflag:$0x0] =	sbarrier.arrive $0xFFFF  }
0x2e4: {  	_ =	strace $0x90000047  }
0x2e5: {  	s0 =	stileid.u32;
	[bflag:$0x2] =	sbarrier.arrive $0xFFFF  }
0x2e6: {  	p0 =	sne.s32 s0, $0x0;
	s0 =	rddreg [dreg:$0x5]  }
0x2e7: {  	s0 =	sadd.s32 @!p0 $0x100000, s0  }
0x2e8: {  	[sflag:s0] =	ssyncadd.tile.s32 @!p0 $0x1;
	_ =	shalt  }
.Lfunc_end2:
_tile_overlayer_lowered:
.L_overlay_start_2:
0x2e9: {  	(tag) =	ssettag $0x2  }
0x2ea: {  	s0 =	rddreg [dreg:$0x0];
	s2 =	stileid.u32  }
0x2eb: {  	s1 =	rddreg [dreg:$0x1];
	p0 =	sne.s32 s2, $0x0  }
0x2ec: {  	s3 =	rddreg [dreg:$0x2];
	[bflag:$0x3] =	sbarrier.arrive $0xFFFF;
	s2 =	simm.s32 @!p0 $0x1C07  }
0x2ed: {  	[timem:s3], [sflag:s2] =	dma.local @!p0 [hbm:s0], s1  }
0x2ee: {  	s0 =	simm.s32 @!p0 $0x7  }
0x2ef: {  	_ =	swait.ge @!p0 [sflag:s0], s1  }
0x2f0: {  	s1 =	ssub.s32 @!p0 $0x0, s1;
	[sflag:s0] =	ssyncset.done @!p0 $0x0  }
0x2f1: {  	[sflag:s0] =	ssyncadd.s32 @!p0 s1  }
0x2f2: {  	[bflag:$0x3] =	sbarrier.arrive $0xFFFF  }
0x2f3: {  	_ =	shalt  }

</sc_bundles>
